<compile_context>
chip_gen: v7x
topology: tpu7x:2x2x1
jax: 0.10.2.dev20260603
libtpu: 0.0.44.dev20260713+nightly
codegen_flags: <defaults>
</compile_context>

<pallas_src>
import functools

import jax
import jax.numpy as jnp
from jax import lax
from jax.experimental import pallas as pl
from jax.experimental.pallas import tpu as pltpu
from jax.experimental.pallas import tpu_sc as plsc

BATCH = 16384
EMB = 64
NC, NS = 2, 16
NW = NC * NS
BPW = BATCH // NW
CHUNK = 128
NCH = BPW // CHUNK

_mesh = plsc.VectorSubcoreMesh(core_axis_name="c", subcore_axis_name="s")


@functools.partial(
    pl.kernel,
    mesh=_mesh,
    out_type=jax.ShapeDtypeStruct((BATCH, 2 * EMB), jnp.float32),
    scratch_types=[
        pltpu.VMEM((NCH, CHUNK), jnp.int32),
        pltpu.VMEM((CHUNK, EMB), jnp.float32),
        pltpu.VMEM((CHUNK, EMB), jnp.float32),
        pltpu.VMEM((CHUNK, 2 * EMB), jnp.float32),
        pltpu.SemaphoreType.DMA,
        pltpu.SemaphoreType.DMA,
    ],
)
def _encode(idx_hbm, w2v_hbm, table_hbm, out_hbm, idx_v, emb_v, w2v_v, buf_v,
            gsem, wsem):
    wid = lax.axis_index("s") * NC + lax.axis_index("c")
    base = wid * BPW
    pltpu.sync_copy(idx_hbm.at[pl.ds(wid * NCH, NCH)], idx_v)
    for j in range(NCH):
        cbase = base + j * CHUNK
        wcopy = pltpu.async_copy(w2v_hbm.at[pl.ds(cbase, CHUNK)], w2v_v, wsem)

        def issue(g, carry):
            vec = idx_v[j, pl.ds(g * 16, 16)]
            for k in range(16):
                pltpu.make_async_copy(
                    table_hbm.at[pl.ds(vec[k], 1)],
                    emb_v.at[pl.ds(g * 16 + k, 1)],
                    gsem,
                ).start()
            return carry

        lax.fori_loop(0, CHUNK // 16, issue, 0)

        def drain(r, carry):
            pltpu.make_async_copy(
                table_hbm.at[pl.ds(0, 1)], emb_v.at[pl.ds(0, 1)], gsem
            ).wait()
            return carry

        lax.fori_loop(0, CHUNK, drain, 0)
        wcopy.wait()

        def body(r, carry):
            for c in range(EMB // 16):
                buf_v[r, pl.ds(c * 16, 16)] = emb_v[r, pl.ds(c * 16, 16)]
                buf_v[r, pl.ds(EMB + c * 16, 16)] = w2v_v[r, pl.ds(c * 16, 16)]
            return carry

        lax.fori_loop(0, CHUNK, body, 0)
        pltpu.sync_copy(buf_v, out_hbm.at[pl.ds(cbase, CHUNK)])


def kernel(category_id, word2vec, emb_table):
    idx = category_id.astype(jnp.int32).reshape(NW * NCH, CHUNK)
    return _encode(idx, word2vec, emb_table)

# --- scband reference (transcript-rebuilt; emitter-appended) ---
"""Pipeline reference for scband-question-encoder-91268055040080 (READ-ONLY COPY).

The authoritative reference and input builder live on the scoring server;
editing this copy changes nothing except your own understanding.
"""

import jax, jax.numpy as jnp
import numpy as np

BATCH = 16384
VOCAB = 1000000
EMB_DIM = 64
W2V_DIM = 64

def setup_inputs(seed: int = 0) -> dict:
    key = jax.random.key(seed)
    k1, k2, k3 = jax.random.split(key, 3)
    category_id = jax.random.randint(k1, (BATCH,), 0, VOCAB, dtype=jnp.int32).astype(jnp.int64)
    word2vec = jax.random.normal(k2, (BATCH, W2V_DIM), dtype=jnp.float32)
    emb_table = jax.random.normal(k3, (VOCAB, EMB_DIM), dtype=jnp.float32) * 0.02
    return {"category_id": category_id, "word2vec": word2vec, "emb_table": emb_table}

def reference(category_id, word2vec, emb_table):
    # local_layer['category_id'] = nn.Embedding -> gather rows from table
    emb = jnp.take(emb_table, category_id, axis=0)  # [B, EMB_DIM]
    # squeeze(dim=1) is a no-op for [B, 64]
    hiddens = [emb, word2vec]  # dict insertion order: category_id, word2vec
    out = jnp.concatenate(hiddens, axis=-1)  # [B, 128]
    # last_features is None -> Identity last layer
    return out

if __name__ == "__main__":
    import jax
    _d = setup_inputs()
    print(jax.jit(kernel)(*tuple(_d.values())))

</pallas_src>

<mosaic_0001>
#map = affine_map<(d0, d1) -> (0, 0)>
module attributes {stable_mosaic.version = 14 : i64} {
  func.func @_encode(%arg0: i32, %arg1: i32, %arg2: memref<128x128xi32, #tpu.memory_space<hbm>>, %arg3: memref<16384x64xf32, #tpu.memory_space<hbm>>, %arg4: memref<1000000x64xf32, #tpu.memory_space<hbm>>, %arg5: memref<16384x128xf32, #tpu.memory_space<hbm>>, %arg6: memref<4x128xi32, #tpu.memory_space<vmem>>, %arg7: memref<128x64xf32, #tpu.memory_space<vmem>>, %arg8: memref<128x64xf32, #tpu.memory_space<vmem>>, %arg9: memref<128x128xf32, #tpu.memory_space<vmem>>, %arg10: memref<!tpu.dma_semaphore, #tpu.memory_space<semaphore_mem>>, %arg11: memref<!tpu.dma_semaphore, #tpu.memory_space<semaphore_mem>>) attributes {dimension_semantics = [#tpu.dimension_semantics<core_parallel>, #tpu.dimension_semantics<subcore_parallel>], iteration_bounds = array<i64: 2, 16>, scalar_prefetch = 0 : i64, scratch_operands = 6 : i64, tpu.core_type = #tpu.core_type<sc_vector_subcore>, window_params = [{transform_indices = #map}, {transform_indices = #map}, {transform_indices = #map}, {transform_indices = #map}]} {
    %mul3A = arith.constant 2 : i32
    %mul3A_0 = arith.muli %arg1, %mul3A : i32
    %add3A = arith.addi %mul3A_0, %arg0 : i32
    %mul3A_1 = arith.constant 512 : i32
    %mul3A_2 = arith.muli %add3A, %mul3A_1 : i32
    %mul3A_3 = arith.constant 4 : i32
    %mul3A_4 = arith.muli %add3A, %mul3A_3 : i32
    "tpu.region"() ({
      %run_scoped3A = tpu.sem_alloc : memref<!tpu.dma_semaphore, #tpu.memory_space<semaphore_mem>>
      %dma_start3A_114 = arith.constant 0 : i32
      %dma_start3A_115 = tpu.memref_slice %arg2[%mul3A_4, %dma_start3A_114] : memref<128x128xi32, #tpu.memory_space<hbm>> -> memref<4x128xi32, #tpu.memory_space<hbm>>
      %dma_start3A_116 = arith.constant 0 : i32
      %dma_start3A_117 = tpu.memref_slice %arg2[%mul3A_4, %dma_start3A_116] : memref<128x128xi32, #tpu.memory_space<hbm>> -> memref<4x128xi32, #tpu.memory_space<hbm>>
      tpu.enqueue_dma source(%dma_start3A_117 : memref<4x128xi32, #tpu.memory_space<hbm>>) target(%arg6 : memref<4x128xi32, #tpu.memory_space<vmem>>) target_semaphore(%run_scoped3A : memref<!tpu.dma_semaphore, #tpu.memory_space<semaphore_mem>>)
      %dma_wait3A_118 = arith.constant 0 : i32
      %dma_wait3A_119 = tpu.memref_slice %arg2[%mul3A_4, %dma_wait3A_118] : memref<128x128xi32, #tpu.memory_space<hbm>> -> memref<4x128xi32, #tpu.memory_space<hbm>>
      %dma_wait3A_120 = arith.constant 0 : i32
      %dma_wait3A_121 = tpu.memref_slice %arg2[%mul3A_4, %dma_wait3A_120] : memref<128x128xi32, #tpu.memory_space<hbm>> -> memref<4x128xi32, #tpu.memory_space<hbm>>
      tpu.wait_dma2 semaphore(%run_scoped3A : memref<!tpu.dma_semaphore, #tpu.memory_space<semaphore_mem>>) src(%dma_wait3A_121 : memref<4x128xi32, #tpu.memory_space<hbm>>) dst(%arg6 : memref<4x128xi32, #tpu.memory_space<vmem>>)
      tpu.yield
    }) : () -> ()
    %add3A_5 = arith.constant 0 : i32
    %add3A_6 = arith.addi %mul3A_2, %add3A_5 : i32
    %dma_start3A = arith.constant 0 : i32
    %dma_start3A_7 = tpu.memref_slice %arg3[%add3A_6, %dma_start3A] : memref<16384x64xf32, #tpu.memory_space<hbm>> -> memref<128x64xf32, #tpu.memory_space<hbm>>
    %dma_start3A_8 = arith.constant 0 : i32
    %dma_start3A_9 = tpu.memref_slice %arg3[%add3A_6, %dma_start3A_8] : memref<16384x64xf32, #tpu.memory_space<hbm>> -> memref<128x64xf32, #tpu.memory_space<hbm>>
    tpu.enqueue_dma source(%dma_start3A_9 : memref<128x64xf32, #tpu.memory_space<hbm>>) target(%arg8 : memref<128x64xf32, #tpu.memory_space<vmem>>) target_semaphore(%arg11 : memref<!tpu.dma_semaphore, #tpu.memory_space<semaphore_mem>>)
    %scan3A = arith.constant 0 : i32
    %scan3A_10 = arith.constant 0 : i32
    %scan3A_11 = arith.constant 8 : i32
    %scan3A_12 = arith.addi %scan3A_10, %scan3A_11 : i32
    %scan3A_13 = arith.constant 1 : i32
    scf.for %scan3A_114 = %scan3A_10 to %scan3A_12 step %scan3A_13  : i32 {
      %mul3A_115 = arith.constant 16 : i32
      %mul3A_116 = arith.muli %scan3A_114, %mul3A_115 : i32
      %get3A = arith.constant 0 : i32
      %get3A_117 = arith.index_cast %get3A : i32 to index
      %get3A_118 = arith.index_cast %mul3A_116 : i32 to index
      %get3A_119 = tpu.vector_load %arg6[%get3A_117, %get3A_118] {strides = array<i32>} : memref<4x128xi32, #tpu.memory_space<vmem>>, vector<1x16xi32>,
      %get3A_120 = vector.shape_cast %get3A_119 : vector<1x16xi32> to vector<16xi32>
      %slice3A = vector.extract_strided_slice %get3A_120 {offsets = [0], sizes = [1], strides = [1]} : vector<16xi32> to vector<1xi32>
      %squeeze3A = vector.extract %slice3A[0] : i32 from vector<1xi32>
      %mul3A_121 = arith.constant 16 : i32
      %mul3A_122 = arith.muli %scan3A_114, %mul3A_121 : i32
      %add3A_123 = arith.constant 0 : i32
      %add3A_124 = arith.addi %mul3A_122, %add3A_123 : i32
      %dma_start3A_125 = arith.constant 0 : i32
      %dma_start3A_126 = tpu.memref_slice %arg7[%add3A_124, %dma_start3A_125] : memref<128x64xf32, #tpu.memory_space<vmem>> -> memref<1x64xf32, #tpu.memory_space<vmem>>
      %dma_start3A_127 = arith.constant 0 : i32
      %dma_start3A_128 = tpu.memref_slice %arg4[%squeeze3A, %dma_start3A_127] : memref<1000000x64xf32, #tpu.memory_space<hbm>> -> memref<1x64xf32, #tpu.memory_space<hbm>>
      %dma_start3A_129 = arith.constant 0 : i32
      %dma_start3A_130 = tpu.memref_slice %arg7[%add3A_124, %dma_start3A_129] : memref<128x64xf32, #tpu.memory_space<vmem>> -> memref<1x64xf32, #tpu.memory_space<vmem>>
      %dma_start3A_131 = arith.constant 0 : i32
      %dma_start3A_132 = tpu.memref_slice %arg4[%squeeze3A, %dma_start3A_131] : memref<1000000x64xf32, #tpu.memory_space<hbm>> -> memref<1x64xf32, #tpu.memory_space<hbm>>
      tpu.enqueue_dma source(%dma_start3A_132 : memref<1x64xf32, #tpu.memory_space<hbm>>) target(%dma_start3A_130 : memref<1x64xf32, #tpu.memory_space<vmem>>) target_semaphore(%arg10 : memref<!tpu.dma_semaphore, #tpu.memory_space<semaphore_mem>>)
      %slice3A_133 = vector.extract_strided_slice %get3A_120 {offsets = [1], sizes = [1], strides = [1]} : vector<16xi32> to vector<1xi32>
      %squeeze3A_134 = vector.extract %slice3A_133[0] : i32 from vector<1xi32>
      %mul3A_135 = arith.constant 16 : i32
      %mul3A_136 = arith.muli %scan3A_114, %mul3A_135 : i32
      %add3A_137 = arith.constant 1 : i32
      %add3A_138 = arith.addi %mul3A_136, %add3A_137 : i32
      %dma_start3A_139 = arith.constant 0 : i32
      %dma_start3A_140 = tpu.memref_slice %arg7[%add3A_138, %dma_start3A_139] : memref<128x64xf32, #tpu.memory_space<vmem>> -> memref<1x64xf32, #tpu.memory_space<vmem>>
      %dma_start3A_141 = arith.constant 0 : i32
      %dma_start3A_142 = tpu.memref_slice %arg4[%squeeze3A_134, %dma_start3A_141] : memref<1000000x64xf32, #tpu.memory_space<hbm>> -> memref<1x64xf32, #tpu.memory_space<hbm>>
      %dma_start3A_143 = arith.constant 0 : i32
      %dma_start3A_144 = tpu.memref_slice %arg7[%add3A_138, %dma_start3A_143] : memref<128x64xf32, #tpu.memory_space<vmem>> -> memref<1x64xf32, #tpu.memory_space<vmem>>
      %dma_start3A_145 = arith.constant 0 : i32
      %dma_start3A_146 = tpu.memref_slice %arg4[%squeeze3A_134, %dma_start3A_145] : memref<1000000x64xf32, #tpu.memory_space<hbm>> -> memref<1x64xf32, #tpu.memory_space<hbm>>
      tpu.enqueue_dma source(%dma_start3A_146 : memref<1x64xf32, #tpu.memory_space<hbm>>) target(%dma_start3A_144 : memref<1x64xf32, #tpu.memory_space<vmem>>) target_semaphore(%arg10 : memref<!tpu.dma_semaphore, #tpu.memory_space<semaphore_mem>>)
      %slice3A_147 = vector.extract_strided_slice %get3A_120 {offsets = [2], sizes = [1], strides = [1]} : vector<16xi32> to vector<1xi32>
      %squeeze3A_148 = vector.extract %slice3A_147[0] : i32 from vector<1xi32>
      %mul3A_149 = arith.constant 16 : i32
      %mul3A_150 = arith.muli %scan3A_114, %mul3A_149 : i32
      %add3A_151 = arith.constant 2 : i32
      %add3A_152 = arith.addi %mul3A_150, %add3A_151 : i32
      %dma_start3A_153 = arith.constant 0 : i32
      %dma_start3A_154 = tpu.memref_slice %arg7[%add3A_152, %dma_start3A_153] : memref<128x64xf32, #tpu.memory_space<vmem>> -> memref<1x64xf32, #tpu.memory_space<vmem>>
      %dma_start3A_155 = arith.constant 0 : i32
      %dma_start3A_156 = tpu.memref_slice %arg4[%squeeze3A_148, %dma_start3A_155] : memref<1000000x64xf32, #tpu.memory_space<hbm>> -> memref<1x64xf32, #tpu.memory_space<hbm>>
      %dma_start3A_157 = arith.constant 0 : i32
      %dma_start3A_158 = tpu.memref_slice %arg7[%add3A_152, %dma_start3A_157] : memref<128x64xf32, #tpu.memory_space<vmem>> -> memref<1x64xf32, #tpu.memory_space<vmem>>
      %dma_start3A_159 = arith.constant 0 : i32
      %dma_start3A_160 = tpu.memref_slice %arg4[%squeeze3A_148, %dma_start3A_159] : memref<1000000x64xf32, #tpu.memory_space<hbm>> -> memref<1x64xf32, #tpu.memory_space<hbm>>
      tpu.enqueue_dma source(%dma_start3A_160 : memref<1x64xf32, #tpu.memory_space<hbm>>) target(%dma_start3A_158 : memref<1x64xf32, #tpu.memory_space<vmem>>) target_semaphore(%arg10 : memref<!tpu.dma_semaphore, #tpu.memory_space<semaphore_mem>>)
      %slice3A_161 = vector.extract_strided_slice %get3A_120 {offsets = [3], sizes = [1], strides = [1]} : vector<16xi32> to vector<1xi32>
      %squeeze3A_162 = vector.extract %slice3A_161[0] : i32 from vector<1xi32>
      %mul3A_163 = arith.constant 16 : i32
      %mul3A_164 = arith.muli %scan3A_114, %mul3A_163 : i32
      %add3A_165 = arith.constant 3 : i32
      %add3A_166 = arith.addi %mul3A_164, %add3A_165 : i32
      %dma_start3A_167 = arith.constant 0 : i32
      %dma_start3A_168 = tpu.memref_slice %arg7[%add3A_166, %dma_start3A_167] : memref<128x64xf32, #tpu.memory_space<vmem>> -> memref<1x64xf32, #tpu.memory_space<vmem>>
      %dma_start3A_169 = arith.constant 0 : i32
      %dma_start3A_170 = tpu.memref_slice %arg4[%squeeze3A_162, %dma_start3A_169] : memref<1000000x64xf32, #tpu.memory_space<hbm>> -> memref<1x64xf32, #tpu.memory_space<hbm>>
      %dma_start3A_171 = arith.constant 0 : i32
      %dma_start3A_172 = tpu.memref_slice %arg7[%add3A_166, %dma_start3A_171] : memref<128x64xf32, #tpu.memory_space<vmem>> -> memref<1x64xf32, #tpu.memory_space<vmem>>
      %dma_start3A_173 = arith.constant 0 : i32
      %dma_start3A_174 = tpu.memref_slice %arg4[%squeeze3A_162, %dma_start3A_173] : memref<1000000x64xf32, #tpu.memory_space<hbm>> -> memref<1x64xf32, #tpu.memory_space<hbm>>
      tpu.enqueue_dma source(%dma_start3A_174 : memref<1x64xf32, #tpu.memory_space<hbm>>) target(%dma_start3A_172 : memref<1x64xf32, #tpu.memory_space<vmem>>) target_semaphore(%arg10 : memref<!tpu.dma_semaphore, #tpu.memory_space<semaphore_mem>>)
      %slice3A_175 = vector.extract_strided_slice %get3A_120 {offsets = [4], sizes = [1], strides = [1]} : vector<16xi32> to vector<1xi32>
      %squeeze3A_176 = vector.extract %slice3A_175[0] : i32 from vector<1xi32>
      %mul3A_177 = arith.constant 16 : i32
      %mul3A_178 = arith.muli %scan3A_114, %mul3A_177 : i32
      %add3A_179 = arith.constant 4 : i32
      %add3A_180 = arith.addi %mul3A_178, %add3A_179 : i32
      %dma_start3A_181 = arith.constant 0 : i32
      %dma_start3A_182 = tpu.memref_slice %arg7[%add3A_180, %dma_start3A_181] : memref<128x64xf32, #tpu.memory_space<vmem>> -> memref<1x64xf32, #tpu.memory_space<vmem>>
      %dma_start3A_183 = arith.constant 0 : i32
      %dma_start3A_184 = tpu.memref_slice %arg4[%squeeze3A_176, %dma_start3A_183] : memref<1000000x64xf32, #tpu.memory_space<hbm>> -> memref<1x64xf32, #tpu.memory_space<hbm>>
      %dma_start3A_185 = arith.constant 0 : i32
      %dma_start3A_186 = tpu.memref_slice %arg7[%add3A_180, %dma_start3A_185] : memref<128x64xf32, #tpu.memory_space<vmem>> -> memref<1x64xf32, #tpu.memory_space<vmem>>
      %dma_start3A_187 = arith.constant 0 : i32
      %dma_start3A_188 = tpu.memref_slice %arg4[%squeeze3A_176, %dma_start3A_187] : memref<1000000x64xf32, #tpu.memory_space<hbm>> -> memref<1x64xf32, #tpu.memory_space<hbm>>
      tpu.enqueue_dma source(%dma_start3A_188 : memref<1x64xf32, #tpu.memory_space<hbm>>) target(%dma_start3A_186 : memref<1x64xf32, #tpu.memory_space<vmem>>) target_semaphore(%arg10 : memref<!tpu.dma_semaphore, #tpu.memory_space<semaphore_mem>>)
      %slice3A_189 = vector.extract_strided_slice %get3A_120 {offsets = [5], sizes = [1], strides = [1]} : vector<16xi32> to vector<1xi32>
      %squeeze3A_190 = vector.extract %slice3A_189[0] : i32 from vector<1xi32>
      %mul3A_191 = arith.constant 16 : i32
      %mul3A_192 = arith.muli %scan3A_114, %mul3A_191 : i32
      %add3A_193 = arith.constant 5 : i32
      %add3A_194 = arith.addi %mul3A_192, %add3A_193 : i32
      %dma_start3A_195 = arith.constant 0 : i32
      %dma_start3A_196 = tpu.memref_slice %arg7[%add3A_194, %dma_start3A_195] : memref<128x64xf32, #tpu.memory_space<vmem>> -> memref<1x64xf32, #tpu.memory_space<vmem>>
      %dma_start3A_197 = arith.constant 0 : i32
      %dma_start3A_198 = tpu.memref_slice %arg4[%squeeze3A_190, %dma_start3A_197] : memref<1000000x64xf32, #tpu.memory_space<hbm>> -> memref<1x64xf32, #tpu.memory_space<hbm>>
      %dma_start3A_199 = arith.constant 0 : i32
      %dma_start3A_200 = tpu.memref_slice %arg7[%add3A_194, %dma_start3A_199] : memref<128x64xf32, #tpu.memory_space<vmem>> -> memref<1x64xf32, #tpu.memory_space<vmem>>
      %dma_start3A_201 = arith.constant 0 : i32
      %dma_start3A_202 = tpu.memref_slice %arg4[%squeeze3A_190, %dma_start3A_201] : memref<1000000x64xf32, #tpu.memory_space<hbm>> -> memref<1x64xf32, #tpu.memory_space<hbm>>
      tpu.enqueue_dma source(%dma_start3A_202 : memref<1x64xf32, #tpu.memory_space<hbm>>) target(%dma_start3A_200 : memref<1x64xf32, #tpu.memory_space<vmem>>) target_semaphore(%arg10 : memref<!tpu.dma_semaphore, #tpu.memory_space<semaphore_mem>>)
      %slice3A_203 = vector.extract_strided_slice %get3A_120 {offsets = [6], sizes = [1], strides = [1]} : vector<16xi32> to vector<1xi32>
      %squeeze3A_204 = vector.extract %slice3A_203[0] : i32 from vector<1xi32>
      %mul3A_205 = arith.constant 16 : i32
      %mul3A_206 = arith.muli %scan3A_114, %mul3A_205 : i32
      %add3A_207 = arith.constant 6 : i32
      %add3A_208 = arith.addi %mul3A_206, %add3A_207 : i32
      %dma_start3A_209 = arith.constant 0 : i32
      %dma_start3A_210 = tpu.memref_slice %arg7[%add3A_208, %dma_start3A_209] : memref<128x64xf32, #tpu.memory_space<vmem>> -> memref<1x64xf32, #tpu.memory_space<vmem>>
      %dma_start3A_211 = arith.constant 0 : i32
      %dma_start3A_212 = tpu.memref_slice %arg4[%squeeze3A_204, %dma_start3A_211] : memref<1000000x64xf32, #tpu.memory_space<hbm>> -> memref<1x64xf32, #tpu.memory_space<hbm>>
      %dma_start3A_213 = arith.constant 0 : i32
      %dma_start3A_214 = tpu.memref_slice %arg7[%add3A_208, %dma_start3A_213] : memref<128x64xf32, #tpu.memory_space<vmem>> -> memref<1x64xf32, #tpu.memory_space<vmem>>
      %dma_start3A_215 = arith.constant 0 : i32
      %dma_start3A_216 = tpu.memref_slice %arg4[%squeeze3A_204, %dma_start3A_215] : memref<1000000x64xf32, #tpu.memory_space<hbm>> -> memref<1x64xf32, #tpu.memory_space<hbm>>
      tpu.enqueue_dma source(%dma_start3A_216 : memref<1x64xf32, #tpu.memory_space<hbm>>) target(%dma_start3A_214 : memref<1x64xf32, #tpu.memory_space<vmem>>) target_semaphore(%arg10 : memref<!tpu.dma_semaphore, #tpu.memory_space<semaphore_mem>>)
      %slice3A_217 = vector.extract_strided_slice %get3A_120 {offsets = [7], sizes = [1], strides = [1]} : vector<16xi32> to vector<1xi32>
      %squeeze3A_218 = vector.extract %slice3A_217[0] : i32 from vector<1xi32>
      %mul3A_219 = arith.constant 16 : i32
      %mul3A_220 = arith.muli %scan3A_114, %mul3A_219 : i32
      %add3A_221 = arith.constant 7 : i32
      %add3A_222 = arith.addi %mul3A_220, %add3A_221 : i32
      %dma_start3A_223 = arith.constant 0 : i32
      %dma_start3A_224 = tpu.memref_slice %arg7[%add3A_222, %dma_start3A_223] : memref<128x64xf32, #tpu.memory_space<vmem>> -> memref<1x64xf32, #tpu.memory_space<vmem>>
      %dma_start3A_225 = arith.constant 0 : i32
      %dma_start3A_226 = tpu.memref_slice %arg4[%squeeze3A_218, %dma_start3A_225] : memref<1000000x64xf32, #tpu.memory_space<hbm>> -> memref<1x64xf32, #tpu.memory_space<hbm>>
      %dma_start3A_227 = arith.constant 0 : i32
      %dma_start3A_228 = tpu.memref_slice %arg7[%add3A_222, %dma_start3A_227] : memref<128x64xf32, #tpu.memory_space<vmem>> -> memref<1x64xf32, #tpu.memory_space<vmem>>
      %dma_start3A_229 = arith.constant 0 : i32
      %dma_start3A_230 = tpu.memref_slice %arg4[%squeeze3A_218, %dma_start3A_229] : memref<1000000x64xf32, #tpu.memory_space<hbm>> -> memref<1x64xf32, #tpu.memory_space<hbm>>
      tpu.enqueue_dma source(%dma_start3A_230 : memref<1x64xf32, #tpu.memory_space<hbm>>) target(%dma_start3A_228 : memref<1x64xf32, #tpu.memory_space<vmem>>) target_semaphore(%arg10 : memref<!tpu.dma_semaphore, #tpu.memory_space<semaphore_mem>>)
      %slice3A_231 = vector.extract_strided_slice %get3A_120 {offsets = [8], sizes = [1], strides = [1]} : vector<16xi32> to vector<1xi32>
      %squeeze3A_232 = vector.extract %slice3A_231[0] : i32 from vector<1xi32>
      %mul3A_233 = arith.constant 16 : i32
      %mul3A_234 = arith.muli %scan3A_114, %mul3A_233 : i32
      %add3A_235 = arith.constant 8 : i32
      %add3A_236 = arith.addi %mul3A_234, %add3A_235 : i32
      %dma_start3A_237 = arith.constant 0 : i32
      %dma_start3A_238 = tpu.memref_slice %arg7[%add3A_236, %dma_start3A_237] : memref<128x64xf32, #tpu.memory_space<vmem>> -> memref<1x64xf32, #tpu.memory_space<vmem>>
      %dma_start3A_239 = arith.constant 0 : i32
      %dma_start3A_240 = tpu.memref_slice %arg4[%squeeze3A_232, %dma_start3A_239] : memref<1000000x64xf32, #tpu.memory_space<hbm>> -> memref<1x64xf32, #tpu.memory_space<hbm>>
      %dma_start3A_241 = arith.constant 0 : i32
      %dma_start3A_242 = tpu.memref_slice %arg7[%add3A_236, %dma_start3A_241] : memref<128x64xf32, #tpu.memory_space<vmem>> -> memref<1x64xf32, #tpu.memory_space<vmem>>
      %dma_start3A_243 = arith.constant 0 : i32
      %dma_start3A_244 = tpu.memref_slice %arg4[%squeeze3A_232, %dma_start3A_243] : memref<1000000x64xf32, #tpu.memory_space<hbm>> -> memref<1x64xf32, #tpu.memory_space<hbm>>
      tpu.enqueue_dma source(%dma_start3A_244 : memref<1x64xf32, #tpu.memory_space<hbm>>) target(%dma_start3A_242 : memref<1x64xf32, #tpu.memory_space<vmem>>) target_semaphore(%arg10 : memref<!tpu.dma_semaphore, #tpu.memory_space<semaphore_mem>>)
      %slice3A_245 = vector.extract_strided_slice %get3A_120 {offsets = [9], sizes = [1], strides = [1]} : vector<16xi32> to vector<1xi32>
      %squeeze3A_246 = vector.extract %slice3A_245[0] : i32 from vector<1xi32>
      %mul3A_247 = arith.constant 16 : i32
      %mul3A_248 = arith.muli %scan3A_114, %mul3A_247 : i32
      %add3A_249 = arith.constant 9 : i32
      %add3A_250 = arith.addi %mul3A_248, %add3A_249 : i32
      %dma_start3A_251 = arith.constant 0 : i32
      %dma_start3A_252 = tpu.memref_slice %arg7[%add3A_250, %dma_start3A_251] : memref<128x64xf32, #tpu.memory_space<vmem>> -> memref<1x64xf32, #tpu.memory_space<vmem>>
      %dma_start3A_253 = arith.constant 0 : i32
      %dma_start3A_254 = tpu.memref_slice %arg4[%squeeze3A_246, %dma_start3A_253] : memref<1000000x64xf32, #tpu.memory_space<hbm>> -> memref<1x64xf32, #tpu.memory_space<hbm>>
      %dma_start3A_255 = arith.constant 0 : i32
      %dma_start3A_256 = tpu.memref_slice %arg7[%add3A_250, %dma_start3A_255] : memref<128x64xf32, #tpu.memory_space<vmem>> -> memref<1x64xf32, #tpu.memory_space<vmem>>
      %dma_start3A_257 = arith.constant 0 : i32
      %dma_start3A_258 = tpu.memref_slice %arg4[%squeeze3A_246, %dma_start3A_257] : memref<1000000x64xf32, #tpu.memory_space<hbm>> -> memref<1x64xf32, #tpu.memory_space<hbm>>
      tpu.enqueue_dma source(%dma_start3A_258 : memref<1x64xf32, #tpu.memory_space<hbm>>) target(%dma_start3A_256 : memref<1x64xf32, #tpu.memory_space<vmem>>) target_semaphore(%arg10 : memref<!tpu.dma_semaphore, #tpu.memory_space<semaphore_mem>>)
      %slice3A_259 = vector.extract_strided_slice %get3A_120 {offsets = [10], sizes = [1], strides = [1]} : vector<16xi32> to vector<1xi32>
      %squeeze3A_260 = vector.extract %slice3A_259[0] : i32 from vector<1xi32>
      %mul3A_261 = arith.constant 16 : i32
      %mul3A_262 = arith.muli %scan3A_114, %mul3A_261 : i32
      %add3A_263 = arith.constant 10 : i32
      %add3A_264 = arith.addi %mul3A_262, %add3A_263 : i32
      %dma_start3A_265 = arith.constant 0 : i32
      %dma_start3A_266 = tpu.memref_slice %arg7[%add3A_264, %dma_start3A_265] : memref<128x64xf32, #tpu.memory_space<vmem>> -> memref<1x64xf32, #tpu.memory_space<vmem>>
      %dma_start3A_267 = arith.constant 0 : i32
      %dma_start3A_268 = tpu.memref_slice %arg4[%squeeze3A_260, %dma_start3A_267] : memref<1000000x64xf32, #tpu.memory_space<hbm>> -> memref<1x64xf32, #tpu.memory_space<hbm>>
      %dma_start3A_269 = arith.constant 0 : i32
      %dma_start3A_270 = tpu.memref_slice %arg7[%add3A_264, %dma_start3A_269] : memref<128x64xf32, #tpu.memory_space<vmem>> -> memref<1x64xf32, #tpu.memory_space<vmem>>
      %dma_start3A_271 = arith.constant 0 : i32
      %dma_start3A_272 = tpu.memref_slice %arg4[%squeeze3A_260, %dma_start3A_271] : memref<1000000x64xf32, #tpu.memory_space<hbm>> -> memref<1x64xf32, #tpu.memory_space<hbm>>
      tpu.enqueue_dma source(%dma_start3A_272 : memref<1x64xf32, #tpu.memory_space<hbm>>) target(%dma_start3A_270 : memref<1x64xf32, #tpu.memory_space<vmem>>) target_semaphore(%arg10 : memref<!tpu.dma_semaphore, #tpu.memory_space<semaphore_mem>>)
      %slice3A_273 = vector.extract_strided_slice %get3A_120 {offsets = [11], sizes = [1], strides = [1]} : vector<16xi32> to vector<1xi32>
      %squeeze3A_274 = vector.extract %slice3A_273[0] : i32 from vector<1xi32>
      %mul3A_275 = arith.constant 16 : i32
      %mul3A_276 = arith.muli %scan3A_114, %mul3A_275 : i32
      %add3A_277 = arith.constant 11 : i32
      %add3A_278 = arith.addi %mul3A_276, %add3A_277 : i32
      %dma_start3A_279 = arith.constant 0 : i32
      %dma_start3A_280 = tpu.memref_slice %arg7[%add3A_278, %dma_start3A_279] : memref<128x64xf32, #tpu.memory_space<vmem>> -> memref<1x64xf32, #tpu.memory_space<vmem>>
      %dma_start3A_281 = arith.constant 0 : i32
      %dma_start3A_282 = tpu.memref_slice %arg4[%squeeze3A_274, %dma_start3A_281] : memref<1000000x64xf32, #tpu.memory_space<hbm>> -> memref<1x64xf32, #tpu.memory_space<hbm>>
      %dma_start3A_283 = arith.constant 0 : i32
      %dma_start3A_284 = tpu.memref_slice %arg7[%add3A_278, %dma_start3A_283] : memref<128x64xf32, #tpu.memory_space<vmem>> -> memref<1x64xf32, #tpu.memory_space<vmem>>
      %dma_start3A_285 = arith.constant 0 : i32
      %dma_start3A_286 = tpu.memref_slice %arg4[%squeeze3A_274, %dma_start3A_285] : memref<1000000x64xf32, #tpu.memory_space<hbm>> -> memref<1x64xf32, #tpu.memory_space<hbm>>
      tpu.enqueue_dma source(%dma_start3A_286 : memref<1x64xf32, #tpu.memory_space<hbm>>) target(%dma_start3A_284 : memref<1x64xf32, #tpu.memory_space<vmem>>) target_semaphore(%arg10 : memref<!tpu.dma_semaphore, #tpu.memory_space<semaphore_mem>>)
      %slice3A_287 = vector.extract_strided_slice %get3A_120 {offsets = [12], sizes = [1], strides = [1]} : vector<16xi32> to vector<1xi32>
      %squeeze3A_288 = vector.extract %slice3A_287[0] : i32 from vector<1xi32>
      %mul3A_289 = arith.constant 16 : i32
      %mul3A_290 = arith.muli %scan3A_114, %mul3A_289 : i32
      %add3A_291 = arith.constant 12 : i32
      %add3A_292 = arith.addi %mul3A_290, %add3A_291 : i32
      %dma_start3A_293 = arith.constant 0 : i32
      %dma_start3A_294 = tpu.memref_slice %arg7[%add3A_292, %dma_start3A_293] : memref<128x64xf32, #tpu.memory_space<vmem>> -> memref<1x64xf32, #tpu.memory_space<vmem>>
      %dma_start3A_295 = arith.constant 0 : i32
      %dma_start3A_296 = tpu.memref_slice %arg4[%squeeze3A_288, %dma_start3A_295] : memref<1000000x64xf32, #tpu.memory_space<hbm>> -> memref<1x64xf32, #tpu.memory_space<hbm>>
      %dma_start3A_297 = arith.constant 0 : i32
      %dma_start3A_298 = tpu.memref_slice %arg7[%add3A_292, %dma_start3A_297] : memref<128x64xf32, #tpu.memory_space<vmem>> -> memref<1x64xf32, #tpu.memory_space<vmem>>
      %dma_start3A_299 = arith.constant 0 : i32
      %dma_start3A_300 = tpu.memref_slice %arg4[%squeeze3A_288, %dma_start3A_299] : memref<1000000x64xf32, #tpu.memory_space<hbm>> -> memref<1x64xf32, #tpu.memory_space<hbm>>
      tpu.enqueue_dma source(%dma_start3A_300 : memref<1x64xf32, #tpu.memory_space<hbm>>) target(%dma_start3A_298 : memref<1x64xf32, #tpu.memory_space<vmem>>) target_semaphore(%arg10 : memref<!tpu.dma_semaphore, #tpu.memory_space<semaphore_mem>>)
      %slice3A_301 = vector.extract_strided_slice %get3A_120 {offsets = [13], sizes = [1], strides = [1]} : vector<16xi32> to vector<1xi32>
      %squeeze3A_302 = vector.extract %slice3A_301[0] : i32 from vector<1xi32>
      %mul3A_303 = arith.constant 16 : i32
      %mul3A_304 = arith.muli %scan3A_114, %mul3A_303 : i32
      %add3A_305 = arith.constant 13 : i32
      %add3A_306 = arith.addi %mul3A_304, %add3A_305 : i32
      %dma_start3A_307 = arith.constant 0 : i32
      %dma_start3A_308 = tpu.memref_slice %arg7[%add3A_306, %dma_start3A_307] : memref<128x64xf32, #tpu.memory_space<vmem>> -> memref<1x64xf32, #tpu.memory_space<vmem>>
      %dma_start3A_309 = arith.constant 0 : i32
      %dma_start3A_310 = tpu.memref_slice %arg4[%squeeze3A_302, %dma_start3A_309] : memref<1000000x64xf32, #tpu.memory_space<hbm>> -> memref<1x64xf32, #tpu.memory_space<hbm>>
      %dma_start3A_311 = arith.constant 0 : i32
      %dma_start3A_312 = tpu.memref_slice %arg7[%add3A_306, %dma_start3A_311] : memref<128x64xf32, #tpu.memory_space<vmem>> -> memref<1x64xf32, #tpu.memory_space<vmem>>
      %dma_start3A_313 = arith.constant 0 : i32
      %dma_start3A_314 = tpu.memref_slice %arg4[%squeeze3A_302, %dma_start3A_313] : memref<1000000x64xf32, #tpu.memory_space<hbm>> -> memref<1x64xf32, #tpu.memory_space<hbm>>
      tpu.enqueue_dma source(%dma_start3A_314 : memref<1x64xf32, #tpu.memory_space<hbm>>) target(%dma_start3A_312 : memref<1x64xf32, #tpu.memory_space<vmem>>) target_semaphore(%arg10 : memref<!tpu.dma_semaphore, #tpu.memory_space<semaphore_mem>>)
      %slice3A_315 = vector.extract_strided_slice %get3A_120 {offsets = [14], sizes = [1], strides = [1]} : vector<16xi32> to vector<1xi32>
      %squeeze3A_316 = vector.extract %slice3A_315[0] : i32 from vector<1xi32>
      %mul3A_317 = arith.constant 16 : i32
      %mul3A_318 = arith.muli %scan3A_114, %mul3A_317 : i32
      %add3A_319 = arith.constant 14 : i32
      %add3A_320 = arith.addi %mul3A_318, %add3A_319 : i32
      %dma_start3A_321 = arith.constant 0 : i32
      %dma_start3A_322 = tpu.memref_slice %arg7[%add3A_320, %dma_start3A_321] : memref<128x64xf32, #tpu.memory_space<vmem>> -> memref<1x64xf32, #tpu.memory_space<vmem>>
      %dma_start3A_323 = arith.constant 0 : i32
      %dma_start3A_324 = tpu.memref_slice %arg4[%squeeze3A_316, %dma_start3A_323] : memref<1000000x64xf32, #tpu.memory_space<hbm>> -> memref<1x64xf32, #tpu.memory_space<hbm>>
      %dma_start3A_325 = arith.constant 0 : i32
      %dma_start3A_326 = tpu.memref_slice %arg7[%add3A_320, %dma_start3A_325] : memref<128x64xf32, #tpu.memory_space<vmem>> -> memref<1x64xf32, #tpu.memory_space<vmem>>
      %dma_start3A_327 = arith.constant 0 : i32
      %dma_start3A_328 = tpu.memref_slice %arg4[%squeeze3A_316, %dma_start3A_327] : memref<1000000x64xf32, #tpu.memory_space<hbm>> -> memref<1x64xf32, #tpu.memory_space<hbm>>
      tpu.enqueue_dma source(%dma_start3A_328 : memref<1x64xf32, #tpu.memory_space<hbm>>) target(%dma_start3A_326 : memref<1x64xf32, #tpu.memory_space<vmem>>) target_semaphore(%arg10 : memref<!tpu.dma_semaphore, #tpu.memory_space<semaphore_mem>>)
      %slice3A_329 = vector.extract_strided_slice %get3A_120 {offsets = [15], sizes = [1], strides = [1]} : vector<16xi32> to vector<1xi32>
      %squeeze3A_330 = vector.extract %slice3A_329[0] : i32 from vector<1xi32>
      %mul3A_331 = arith.constant 16 : i32
      %mul3A_332 = arith.muli %scan3A_114, %mul3A_331 : i32
      %add3A_333 = arith.constant 15 : i32
      %add3A_334 = arith.addi %mul3A_332, %add3A_333 : i32
      %dma_start3A_335 = arith.constant 0 : i32
      %dma_start3A_336 = tpu.memref_slice %arg7[%add3A_334, %dma_start3A_335] : memref<128x64xf32, #tpu.memory_space<vmem>> -> memref<1x64xf32, #tpu.memory_space<vmem>>
      %dma_start3A_337 = arith.constant 0 : i32
      %dma_start3A_338 = tpu.memref_slice %arg4[%squeeze3A_330, %dma_start3A_337] : memref<1000000x64xf32, #tpu.memory_space<hbm>> -> memref<1x64xf32, #tpu.memory_space<hbm>>
      %dma_start3A_339 = arith.constant 0 : i32
      %dma_start3A_340 = tpu.memref_slice %arg7[%add3A_334, %dma_start3A_339] : memref<128x64xf32, #tpu.memory_space<vmem>> -> memref<1x64xf32, #tpu.memory_space<vmem>>
      %dma_start3A_341 = arith.constant 0 : i32
      %dma_start3A_342 = tpu.memref_slice %arg4[%squeeze3A_330, %dma_start3A_341] : memref<1000000x64xf32, #tpu.memory_space<hbm>> -> memref<1x64xf32, #tpu.memory_space<hbm>>
      tpu.enqueue_dma source(%dma_start3A_342 : memref<1x64xf32, #tpu.memory_space<hbm>>) target(%dma_start3A_340 : memref<1x64xf32, #tpu.memory_space<vmem>>) target_semaphore(%arg10 : memref<!tpu.dma_semaphore, #tpu.memory_space<semaphore_mem>>)
    }
    %scan3A_14 = arith.constant 8 : i32
    %scan3A_15 = arith.constant 0 : i32
    %scan3A_16 = arith.constant 0 : i32
    %scan3A_17 = arith.constant 128 : i32
    %scan3A_18 = arith.addi %scan3A_16, %scan3A_17 : i32
    %scan3A_19 = arith.constant 1 : i32
    scf.for %scan3A_114 = %scan3A_16 to %scan3A_18 step %scan3A_19  : i32 {
      %dma_wait3A_115 = arith.constant 0 : i32
      %dma_wait3A_116 = arith.constant 0 : i32
      %dma_wait3A_117 = tpu.memref_slice %arg7[%dma_wait3A_115, %dma_wait3A_116] : memref<128x64xf32, #tpu.memory_space<vmem>> -> memref<1x64xf32, #tpu.memory_space<vmem>>
      %dma_wait3A_118 = arith.constant 0 : i32
      %dma_wait3A_119 = arith.constant 0 : i32
      %dma_wait3A_120 = tpu.memref_slice %arg4[%dma_wait3A_118, %dma_wait3A_119] : memref<1000000x64xf32, #tpu.memory_space<hbm>> -> memref<1x64xf32, #tpu.memory_space<hbm>>
      %dma_wait3A_121 = arith.constant 0 : i32
      %dma_wait3A_122 = arith.constant 0 : i32
      %dma_wait3A_123 = tpu.memref_slice %arg7[%dma_wait3A_121, %dma_wait3A_122] : memref<128x64xf32, #tpu.memory_space<vmem>> -> memref<1x64xf32, #tpu.memory_space<vmem>>
      %dma_wait3A_124 = arith.constant 0 : i32
      %dma_wait3A_125 = arith.constant 0 : i32
      %dma_wait3A_126 = tpu.memref_slice %arg4[%dma_wait3A_124, %dma_wait3A_125] : memref<1000000x64xf32, #tpu.memory_space<hbm>> -> memref<1x64xf32, #tpu.memory_space<hbm>>
      tpu.wait_dma2 semaphore(%arg10 : memref<!tpu.dma_semaphore, #tpu.memory_space<semaphore_mem>>) src(%dma_wait3A_126 : memref<1x64xf32, #tpu.memory_space<hbm>>) dst(%dma_wait3A_123 : memref<1x64xf32, #tpu.memory_space<vmem>>)
    }
    %scan3A_20 = arith.constant 128 : i32
    %dma_wait3A = arith.constant 0 : i32
    %dma_wait3A_21 = tpu.memref_slice %arg3[%add3A_6, %dma_wait3A] : memref<16384x64xf32, #tpu.memory_space<hbm>> -> memref<128x64xf32, #tpu.memory_space<hbm>>
    %dma_wait3A_22 = arith.constant 0 : i32
    %dma_wait3A_23 = tpu.memref_slice %arg3[%add3A_6, %dma_wait3A_22] : memref<16384x64xf32, #tpu.memory_space<hbm>> -> memref<128x64xf32, #tpu.memory_space<hbm>>
    tpu.wait_dma2 semaphore(%arg11 : memref<!tpu.dma_semaphore, #tpu.memory_space<semaphore_mem>>) src(%dma_wait3A_23 : memref<128x64xf32, #tpu.memory_space<hbm>>) dst(%arg8 : memref<128x64xf32, #tpu.memory_space<vmem>>)
    %scan3A_24 = arith.constant 0 : i32
    %scan3A_25 = arith.constant 0 : i32
    %scan3A_26 = arith.constant 128 : i32
    %scan3A_27 = arith.addi %scan3A_25, %scan3A_26 : i32
    %scan3A_28 = arith.constant 1 : i32
    scf.for %scan3A_114 = %scan3A_25 to %scan3A_27 step %scan3A_28  : i32 {
      %get3A = arith.index_cast %scan3A_114 : i32 to index
      %get3A_115 = arith.constant 0 : index
      %get3A_116 = tpu.vector_load %arg7[%get3A, %get3A_115] {strides = array<i32>} : memref<128x64xf32, #tpu.memory_space<vmem>>, vector<1x16xf32>,
      %get3A_117 = vector.shape_cast %get3A_116 : vector<1x16xf32> to vector<16xf32>
      %swap3A = arith.index_cast %scan3A_114 : i32 to index
      %swap3A_118 = arith.constant 0 : index
      %swap3A_119 = tpu.vector_load %arg9[%swap3A, %swap3A_118] {strides = array<i32>} : memref<128x128xf32, #tpu.memory_space<vmem>>, vector<1x16xf32>,
      %swap3A_120 = vector.shape_cast %swap3A_119 : vector<1x16xf32> to vector<16xf32>
      %swap3A_121 = vector.shape_cast %get3A_117 : vector<16xf32> to vector<1x16xf32>
      tpu.vector_store %arg9[%swap3A, %swap3A_118], %swap3A_121 {strides = array<i32>} : memref<128x128xf32, #tpu.memory_space<vmem>>, vector<1x16xf32>,
      %get3A_122 = arith.index_cast %scan3A_114 : i32 to index
      %get3A_123 = arith.constant 0 : index
      %get3A_124 = tpu.vector_load %arg8[%get3A_122, %get3A_123] {strides = array<i32>} : memref<128x64xf32, #tpu.memory_space<vmem>>, vector<1x16xf32>,
      %get3A_125 = vector.shape_cast %get3A_124 : vector<1x16xf32> to vector<16xf32>
      %swap3A_126 = arith.index_cast %scan3A_114 : i32 to index
      %swap3A_127 = arith.constant 64 : index
      %swap3A_128 = tpu.vector_load %arg9[%swap3A_126, %swap3A_127] {strides = array<i32>} : memref<128x128xf32, #tpu.memory_space<vmem>>, vector<1x16xf32>,
      %swap3A_129 = vector.shape_cast %swap3A_128 : vector<1x16xf32> to vector<16xf32>
      %swap3A_130 = vector.shape_cast %get3A_125 : vector<16xf32> to vector<1x16xf32>
      tpu.vector_store %arg9[%swap3A_126, %swap3A_127], %swap3A_130 {strides = array<i32>} : memref<128x128xf32, #tpu.memory_space<vmem>>, vector<1x16xf32>,
      %get3A_131 = arith.index_cast %scan3A_114 : i32 to index
      %get3A_132 = arith.constant 16 : index
      %get3A_133 = tpu.vector_load %arg7[%get3A_131, %get3A_132] {strides = array<i32>} : memref<128x64xf32, #tpu.memory_space<vmem>>, vector<1x16xf32>,
      %get3A_134 = vector.shape_cast %get3A_133 : vector<1x16xf32> to vector<16xf32>
      %swap3A_135 = arith.index_cast %scan3A_114 : i32 to index
      %swap3A_136 = arith.constant 16 : index
      %swap3A_137 = tpu.vector_load %arg9[%swap3A_135, %swap3A_136] {strides = array<i32>} : memref<128x128xf32, #tpu.memory_space<vmem>>, vector<1x16xf32>,
      %swap3A_138 = vector.shape_cast %swap3A_137 : vector<1x16xf32> to vector<16xf32>
      %swap3A_139 = vector.shape_cast %get3A_134 : vector<16xf32> to vector<1x16xf32>
      tpu.vector_store %arg9[%swap3A_135, %swap3A_136], %swap3A_139 {strides = array<i32>} : memref<128x128xf32, #tpu.memory_space<vmem>>, vector<1x16xf32>,
      %get3A_140 = arith.index_cast %scan3A_114 : i32 to index
      %get3A_141 = arith.constant 16 : index
      %get3A_142 = tpu.vector_load %arg8[%get3A_140, %get3A_141] {strides = array<i32>} : memref<128x64xf32, #tpu.memory_space<vmem>>, vector<1x16xf32>,
      %get3A_143 = vector.shape_cast %get3A_142 : vector<1x16xf32> to vector<16xf32>
      %swap3A_144 = arith.index_cast %scan3A_114 : i32 to index
      %swap3A_145 = arith.constant 80 : index
      %swap3A_146 = tpu.vector_load %arg9[%swap3A_144, %swap3A_145] {strides = array<i32>} : memref<128x128xf32, #tpu.memory_space<vmem>>, vector<1x16xf32>,
      %swap3A_147 = vector.shape_cast %swap3A_146 : vector<1x16xf32> to vector<16xf32>
      %swap3A_148 = vector.shape_cast %get3A_143 : vector<16xf32> to vector<1x16xf32>
      tpu.vector_store %arg9[%swap3A_144, %swap3A_145], %swap3A_148 {strides = array<i32>} : memref<128x128xf32, #tpu.memory_space<vmem>>, vector<1x16xf32>,
      %get3A_149 = arith.index_cast %scan3A_114 : i32 to index
      %get3A_150 = arith.constant 32 : index
      %get3A_151 = tpu.vector_load %arg7[%get3A_149, %get3A_150] {strides = array<i32>} : memref<128x64xf32, #tpu.memory_space<vmem>>, vector<1x16xf32>,
      %get3A_152 = vector.shape_cast %get3A_151 : vector<1x16xf32> to vector<16xf32>
      %swap3A_153 = arith.index_cast %scan3A_114 : i32 to index
      %swap3A_154 = arith.constant 32 : index
      %swap3A_155 = tpu.vector_load %arg9[%swap3A_153, %swap3A_154] {strides = array<i32>} : memref<128x128xf32, #tpu.memory_space<vmem>>, vector<1x16xf32>,
      %swap3A_156 = vector.shape_cast %swap3A_155 : vector<1x16xf32> to vector<16xf32>
      %swap3A_157 = vector.shape_cast %get3A_152 : vector<16xf32> to vector<1x16xf32>
      tpu.vector_store %arg9[%swap3A_153, %swap3A_154], %swap3A_157 {strides = array<i32>} : memref<128x128xf32, #tpu.memory_space<vmem>>, vector<1x16xf32>,
      %get3A_158 = arith.index_cast %scan3A_114 : i32 to index
      %get3A_159 = arith.constant 32 : index
      %get3A_160 = tpu.vector_load %arg8[%get3A_158, %get3A_159] {strides = array<i32>} : memref<128x64xf32, #tpu.memory_space<vmem>>, vector<1x16xf32>,
      %get3A_161 = vector.shape_cast %get3A_160 : vector<1x16xf32> to vector<16xf32>
      %swap3A_162 = arith.index_cast %scan3A_114 : i32 to index
      %swap3A_163 = arith.constant 96 : index
      %swap3A_164 = tpu.vector_load %arg9[%swap3A_162, %swap3A_163] {strides = array<i32>} : memref<128x128xf32, #tpu.memory_space<vmem>>, vector<1x16xf32>,
      %swap3A_165 = vector.shape_cast %swap3A_164 : vector<1x16xf32> to vector<16xf32>
      %swap3A_166 = vector.shape_cast %get3A_161 : vector<16xf32> to vector<1x16xf32>
      tpu.vector_store %arg9[%swap3A_162, %swap3A_163], %swap3A_166 {strides = array<i32>} : memref<128x128xf32, #tpu.memory_space<vmem>>, vector<1x16xf32>,
      %get3A_167 = arith.index_cast %scan3A_114 : i32 to index
      %get3A_168 = arith.constant 48 : index
      %get3A_169 = tpu.vector_load %arg7[%get3A_167, %get3A_168] {strides = array<i32>} : memref<128x64xf32, #tpu.memory_space<vmem>>, vector<1x16xf32>,
      %get3A_170 = vector.shape_cast %get3A_169 : vector<1x16xf32> to vector<16xf32>
      %swap3A_171 = arith.index_cast %scan3A_114 : i32 to index
      %swap3A_172 = arith.constant 48 : index
      %swap3A_173 = tpu.vector_load %arg9[%swap3A_171, %swap3A_172] {strides = array<i32>} : memref<128x128xf32, #tpu.memory_space<vmem>>, vector<1x16xf32>,
      %swap3A_174 = vector.shape_cast %swap3A_173 : vector<1x16xf32> to vector<16xf32>
      %swap3A_175 = vector.shape_cast %get3A_170 : vector<16xf32> to vector<1x16xf32>
      tpu.vector_store %arg9[%swap3A_171, %swap3A_172], %swap3A_175 {strides = array<i32>} : memref<128x128xf32, #tpu.memory_space<vmem>>, vector<1x16xf32>,
      %get3A_176 = arith.index_cast %scan3A_114 : i32 to index
      %get3A_177 = arith.constant 48 : index
      %get3A_178 = tpu.vector_load %arg8[%get3A_176, %get3A_177] {strides = array<i32>} : memref<128x64xf32, #tpu.memory_space<vmem>>, vector<1x16xf32>,
      %get3A_179 = vector.shape_cast %get3A_178 : vector<1x16xf32> to vector<16xf32>
      %swap3A_180 = arith.index_cast %scan3A_114 : i32 to index
      %swap3A_181 = arith.constant 112 : index
      %swap3A_182 = tpu.vector_load %arg9[%swap3A_180, %swap3A_181] {strides = array<i32>} : memref<128x128xf32, #tpu.memory_space<vmem>>, vector<1x16xf32>,
      %swap3A_183 = vector.shape_cast %swap3A_182 : vector<1x16xf32> to vector<16xf32>
      %swap3A_184 = vector.shape_cast %get3A_179 : vector<16xf32> to vector<1x16xf32>
      tpu.vector_store %arg9[%swap3A_180, %swap3A_181], %swap3A_184 {strides = array<i32>} : memref<128x128xf32, #tpu.memory_space<vmem>>, vector<1x16xf32>,
    }
    %scan3A_29 = arith.constant 128 : i32
    "tpu.region"() ({
      %run_scoped3A = tpu.sem_alloc : memref<!tpu.dma_semaphore, #tpu.memory_space<semaphore_mem>>
      %dma_start3A_114 = arith.constant 0 : i32
      %dma_start3A_115 = tpu.memref_slice %arg5[%add3A_6, %dma_start3A_114] : memref<16384x128xf32, #tpu.memory_space<hbm>> -> memref<128x128xf32, #tpu.memory_space<hbm>>
      %dma_start3A_116 = arith.constant 0 : i32
      %dma_start3A_117 = tpu.memref_slice %arg5[%add3A_6, %dma_start3A_116] : memref<16384x128xf32, #tpu.memory_space<hbm>> -> memref<128x128xf32, #tpu.memory_space<hbm>>
      tpu.enqueue_dma source(%arg9 : memref<128x128xf32, #tpu.memory_space<vmem>>) target(%dma_start3A_117 : memref<128x128xf32, #tpu.memory_space<hbm>>) target_semaphore(%run_scoped3A : memref<!tpu.dma_semaphore, #tpu.memory_space<semaphore_mem>>)
      %dma_wait3A_118 = arith.constant 0 : i32
      %dma_wait3A_119 = tpu.memref_slice %arg5[%add3A_6, %dma_wait3A_118] : memref<16384x128xf32, #tpu.memory_space<hbm>> -> memref<128x128xf32, #tpu.memory_space<hbm>>
      %dma_wait3A_120 = arith.constant 0 : i32
      %dma_wait3A_121 = tpu.memref_slice %arg5[%add3A_6, %dma_wait3A_120] : memref<16384x128xf32, #tpu.memory_space<hbm>> -> memref<128x128xf32, #tpu.memory_space<hbm>>
      tpu.wait_dma2 semaphore(%run_scoped3A : memref<!tpu.dma_semaphore, #tpu.memory_space<semaphore_mem>>) src(%arg9 : memref<128x128xf32, #tpu.memory_space<vmem>>) dst(%dma_wait3A_121 : memref<128x128xf32, #tpu.memory_space<hbm>>)
      tpu.yield
    }) : () -> ()
    %add3A_30 = arith.constant 128 : i32
    %add3A_31 = arith.addi %mul3A_2, %add3A_30 : i32
    %dma_start3A_32 = arith.constant 0 : i32
    %dma_start3A_33 = tpu.memref_slice %arg3[%add3A_31, %dma_start3A_32] : memref<16384x64xf32, #tpu.memory_space<hbm>> -> memref<128x64xf32, #tpu.memory_space<hbm>>
    %dma_start3A_34 = arith.constant 0 : i32
    %dma_start3A_35 = tpu.memref_slice %arg3[%add3A_31, %dma_start3A_34] : memref<16384x64xf32, #tpu.memory_space<hbm>> -> memref<128x64xf32, #tpu.memory_space<hbm>>
    tpu.enqueue_dma source(%dma_start3A_35 : memref<128x64xf32, #tpu.memory_space<hbm>>) target(%arg8 : memref<128x64xf32, #tpu.memory_space<vmem>>) target_semaphore(%arg11 : memref<!tpu.dma_semaphore, #tpu.memory_space<semaphore_mem>>)
    %scan3A_36 = arith.constant 0 : i32
    %scan3A_37 = arith.constant 0 : i32
    %scan3A_38 = arith.constant 8 : i32
    %scan3A_39 = arith.addi %scan3A_37, %scan3A_38 : i32
    %scan3A_40 = arith.constant 1 : i32
    scf.for %scan3A_114 = %scan3A_37 to %scan3A_39 step %scan3A_40  : i32 {
      %mul3A_115 = arith.constant 16 : i32
      %mul3A_116 = arith.muli %scan3A_114, %mul3A_115 : i32
      %get3A = arith.constant 1 : i32
      %get3A_117 = arith.index_cast %get3A : i32 to index
      %get3A_118 = arith.index_cast %mul3A_116 : i32 to index
      %get3A_119 = tpu.vector_load %arg6[%get3A_117, %get3A_118] {strides = array<i32>} : memref<4x128xi32, #tpu.memory_space<vmem>>, vector<1x16xi32>,
      %get3A_120 = vector.shape_cast %get3A_119 : vector<1x16xi32> to vector<16xi32>
      %slice3A = vector.extract_strided_slice %get3A_120 {offsets = [0], sizes = [1], strides = [1]} : vector<16xi32> to vector<1xi32>
      %squeeze3A = vector.extract %slice3A[0] : i32 from vector<1xi32>
      %mul3A_121 = arith.constant 16 : i32
      %mul3A_122 = arith.muli %scan3A_114, %mul3A_121 : i32
      %add3A_123 = arith.constant 0 : i32
      %add3A_124 = arith.addi %mul3A_122, %add3A_123 : i32
      %dma_start3A_125 = arith.constant 0 : i32
      %dma_start3A_126 = tpu.memref_slice %arg7[%add3A_124, %dma_start3A_125] : memref<128x64xf32, #tpu.memory_space<vmem>> -> memref<1x64xf32, #tpu.memory_space<vmem>>
      %dma_start3A_127 = arith.constant 0 : i32
      %dma_start3A_128 = tpu.memref_slice %arg4[%squeeze3A, %dma_start3A_127] : memref<1000000x64xf32, #tpu.memory_space<hbm>> -> memref<1x64xf32, #tpu.memory_space<hbm>>
      %dma_start3A_129 = arith.constant 0 : i32
      %dma_start3A_130 = tpu.memref_slice %arg7[%add3A_124, %dma_start3A_129] : memref<128x64xf32, #tpu.memory_space<vmem>> -> memref<1x64xf32, #tpu.memory_space<vmem>>
      %dma_start3A_131 = arith.constant 0 : i32
      %dma_start3A_132 = tpu.memref_slice %arg4[%squeeze3A, %dma_start3A_131] : memref<1000000x64xf32, #tpu.memory_space<hbm>> -> memref<1x64xf32, #tpu.memory_space<hbm>>
      tpu.enqueue_dma source(%dma_start3A_132 : memref<1x64xf32, #tpu.memory_space<hbm>>) target(%dma_start3A_130 : memref<1x64xf32, #tpu.memory_space<vmem>>) target_semaphore(%arg10 : memref<!tpu.dma_semaphore, #tpu.memory_space<semaphore_mem>>)
      %slice3A_133 = vector.extract_strided_slice %get3A_120 {offsets = [1], sizes = [1], strides = [1]} : vector<16xi32> to vector<1xi32>
      %squeeze3A_134 = vector.extract %slice3A_133[0] : i32 from vector<1xi32>
      %mul3A_135 = arith.constant 16 : i32
      %mul3A_136 = arith.muli %scan3A_114, %mul3A_135 : i32
      %add3A_137 = arith.constant 1 : i32
      %add3A_138 = arith.addi %mul3A_136, %add3A_137 : i32
      %dma_start3A_139 = arith.constant 0 : i32
      %dma_start3A_140 = tpu.memref_slice %arg7[%add3A_138, %dma_start3A_139] : memref<128x64xf32, #tpu.memory_space<vmem>> -> memref<1x64xf32, #tpu.memory_space<vmem>>
      %dma_start3A_141 = arith.constant 0 : i32
      %dma_start3A_142 = tpu.memref_slice %arg4[%squeeze3A_134, %dma_start3A_141] : memref<1000000x64xf32, #tpu.memory_space<hbm>> -> memref<1x64xf32, #tpu.memory_space<hbm>>
      %dma_start3A_143 = arith.constant 0 : i32
      %dma_start3A_144 = tpu.memref_slice %arg7[%add3A_138, %dma_start3A_143] : memref<128x64xf32, #tpu.memory_space<vmem>> -> memref<1x64xf32, #tpu.memory_space<vmem>>
      %dma_start3A_145 = arith.constant 0 : i32
      %dma_start3A_146 = tpu.memref_slice %arg4[%squeeze3A_134, %dma_start3A_145] : memref<1000000x64xf32, #tpu.memory_space<hbm>> -> memref<1x64xf32, #tpu.memory_space<hbm>>
      tpu.enqueue_dma source(%dma_start3A_146 : memref<1x64xf32, #tpu.memory_space<hbm>>) target(%dma_start3A_144 : memref<1x64xf32, #tpu.memory_space<vmem>>) target_semaphore(%arg10 : memref<!tpu.dma_semaphore, #tpu.memory_space<semaphore_mem>>)
      %slice3A_147 = vector.extract_strided_slice %get3A_120 {offsets = [2], sizes = [1], strides = [1]} : vector<16xi32> to vector<1xi32>
      %squeeze3A_148 = vector.extract %slice3A_147[0] : i32 from vector<1xi32>
      %mul3A_149 = arith.constant 16 : i32
      %mul3A_150 = arith.muli %scan3A_114, %mul3A_149 : i32
      %add3A_151 = arith.constant 2 : i32
      %add3A_152 = arith.addi %mul3A_150, %add3A_151 : i32
      %dma_start3A_153 = arith.constant 0 : i32
      %dma_start3A_154 = tpu.memref_slice %arg7[%add3A_152, %dma_start3A_153] : memref<128x64xf32, #tpu.memory_space<vmem>> -> memref<1x64xf32, #tpu.memory_space<vmem>>
      %dma_start3A_155 = arith.constant 0 : i32
      %dma_start3A_156 = tpu.memref_slice %arg4[%squeeze3A_148, %dma_start3A_155] : memref<1000000x64xf32, #tpu.memory_space<hbm>> -> memref<1x64xf32, #tpu.memory_space<hbm>>
      %dma_start3A_157 = arith.constant 0 : i32
      %dma_start3A_158 = tpu.memref_slice %arg7[%add3A_152, %dma_start3A_157] : memref<128x64xf32, #tpu.memory_space<vmem>> -> memref<1x64xf32, #tpu.memory_space<vmem>>
      %dma_start3A_159 = arith.constant 0 : i32
      %dma_start3A_160 = tpu.memref_slice %arg4[%squeeze3A_148, %dma_start3A_159] : memref<1000000x64xf32, #tpu.memory_space<hbm>> -> memref<1x64xf32, #tpu.memory_space<hbm>>
      tpu.enqueue_dma source(%dma_start3A_160 : memref<1x64xf32, #tpu.memory_space<hbm>>) target(%dma_start3A_158 : memref<1x64xf32, #tpu.memory_space<vmem>>) target_semaphore(%arg10 : memref<!tpu.dma_semaphore, #tpu.memory_space<semaphore_mem>>)
      %slice3A_161 = vector.extract_strided_slice %get3A_120 {offsets = [3], sizes = [1], strides = [1]} : vector<16xi32> to vector<1xi32>
      %squeeze3A_162 = vector.extract %slice3A_161[0] : i32 from vector<1xi32>
      %mul3A_163 = arith.constant 16 : i32
      %mul3A_164 = arith.muli %scan3A_114, %mul3A_163 : i32
      %add3A_165 = arith.constant 3 : i32
      %add3A_166 = arith.addi %mul3A_164, %add3A_165 : i32
      %dma_start3A_167 = arith.constant 0 : i32
      %dma_start3A_168 = tpu.memref_slice %arg7[%add3A_166, %dma_start3A_167] : memref<128x64xf32, #tpu.memory_space<vmem>> -> memref<1x64xf32, #tpu.memory_space<vmem>>
      %dma_start3A_169 = arith.constant 0 : i32
      %dma_start3A_170 = tpu.memref_slice %arg4[%squeeze3A_162, %dma_start3A_169] : memref<1000000x64xf32, #tpu.memory_space<hbm>> -> memref<1x64xf32, #tpu.memory_space<hbm>>
      %dma_start3A_171 = arith.constant 0 : i32
      %dma_start3A_172 = tpu.memref_slice %arg7[%add3A_166, %dma_start3A_171] : memref<128x64xf32, #tpu.memory_space<vmem>> -> memref<1x64xf32, #tpu.memory_space<vmem>>
      %dma_start3A_173 = arith.constant 0 : i32
      %dma_start3A_174 = tpu.memref_slice %arg4[%squeeze3A_162, %dma_start3A_173] : memref<1000000x64xf32, #tpu.memory_space<hbm>> -> memref<1x64xf32, #tpu.memory_space<hbm>>
      tpu.enqueue_dma source(%dma_start3A_174 : memref<1x64xf32, #tpu.memory_space<hbm>>) target(%dma_start3A_172 : memref<1x64xf32, #tpu.memory_space<vmem>>) target_semaphore(%arg10 : memref<!tpu.dma_semaphore, #tpu.memory_space<semaphore_mem>>)
      %slice3A_175 = vector.extract_strided_slice %get3A_120 {offsets = [4], sizes = [1], strides = [1]} : vector<16xi32> to vector<1xi32>
      %squeeze3A_176 = vector.extract %slice3A_175[0] : i32 from vector<1xi32>
      %mul3A_177 = arith.constant 16 : i32
      %mul3A_178 = arith.muli %scan3A_114, %mul3A_177 : i32
      %add3A_179 = arith.constant 4 : i32
      %add3A_180 = arith.addi %mul3A_178, %add3A_179 : i32
      %dma_start3A_181 = arith.constant 0 : i32
      %dma_start3A_182 = tpu.memref_slice %arg7[%add3A_180, %dma_start3A_181] : memref<128x64xf32, #tpu.memory_space<vmem>> -> memref<1x64xf32, #tpu.memory_space<vmem>>
      %dma_start3A_183 = arith.constant 0 : i32
      %dma_start3A_184 = tpu.memref_slice %arg4[%squeeze3A_176, %dma_start3A_183] : memref<1000000x64xf32, #tpu.memory_space<hbm>> -> memref<1x64xf32, #tpu.memory_space<hbm>>
      %dma_start3A_185 = arith.constant 0 : i32
      %dma_start3A_186 = tpu.memref_slice %arg7[%add3A_180, %dma_start3A_185] : memref<128x64xf32, #tpu.memory_space<vmem>> -> memref<1x64xf32, #tpu.memory_space<vmem>>
      %dma_start3A_187 = arith.constant 0 : i32
      %dma_start3A_188 = tpu.memref_slice %arg4[%squeeze3A_176, %dma_start3A_187] : memref<1000000x64xf32, #tpu.memory_space<hbm>> -> memref<1x64xf32, #tpu.memory_space<hbm>>
      tpu.enqueue_dma source(%dma_start3A_188 : memref<1x64xf32, #tpu.memory_space<hbm>>) target(%dma_start3A_186 : memref<1x64xf32, #tpu.memory_space<vmem>>) target_semaphore(%arg10 : memref<!tpu.dma_semaphore, #tpu.memory_space<semaphore_mem>>)
      %slice3A_189 = vector.extract_strided_slice %get3A_120 {offsets = [5], sizes = [1], strides = [1]} : vector<16xi32> to vector<1xi32>
      %squeeze3A_190 = vector.extract %slice3A_189[0] : i32 from vector<1xi32>
      %mul3A_191 = arith.constant 16 : i32
      %mul3A_192 = arith.muli %scan3A_114, %mul3A_191 : i32
      %add3A_193 = arith.constant 5 : i32
      %add3A_194 = arith.addi %mul3A_192, %add3A_193 : i32
      %dma_start3A_195 = arith.constant 0 : i32
      %dma_start3A_196 = tpu.memref_slice %arg7[%add3A_194, %dma_start3A_195] : memref<128x64xf32, #tpu.memory_space<vmem>> -> memref<1x64xf32, #tpu.memory_space<vmem>>
      %dma_start3A_197 = arith.constant 0 : i32
      %dma_start3A_198 = tpu.memref_slice %arg4[%squeeze3A_190, %dma_start3A_197] : memref<1000000x64xf32, #tpu.memory_space<hbm>> -> memref<1x64xf32, #tpu.memory_space<hbm>>
      %dma_start3A_199 = arith.constant 0 : i32
      %dma_start3A_200 = tpu.memref_slice %arg7[%add3A_194, %dma_start3A_199] : memref<128x64xf32, #tpu.memory_space<vmem>> -> memref<1x64xf32, #tpu.memory_space<vmem>>
      %dma_start3A_201 = arith.constant 0 : i32
      %dma_start3A_202 = tpu.memref_slice %arg4[%squeeze3A_190, %dma_start3A_201] : memref<1000000x64xf32, #tpu.memory_space<hbm>> -> memref<1x64xf32, #tpu.memory_space<hbm>>
      tpu.enqueue_dma source(%dma_start3A_202 : memref<1x64xf32, #tpu.memory_space<hbm>>) target(%dma_start3A_200 : memref<1x64xf32, #tpu.memory_space<vmem>>) target_semaphore(%arg10 : memref<!tpu.dma_semaphore, #tpu.memory_space<semaphore_mem>>)
      %slice3A_203 = vector.extract_strided_slice %get3A_120 {offsets = [6], sizes = [1], strides = [1]} : vector<16xi32> to vector<1xi32>
      %squeeze3A_204 = vector.extract %slice3A_203[0] : i32 from vector<1xi32>
      %mul3A_205 = arith.constant 16 : i32
      %mul3A_206 = arith.muli %scan3A_114, %mul3A_205 : i32
      %add3A_207 = arith.constant 6 : i32
      %add3A_208 = arith.addi %mul3A_206, %add3A_207 : i32
      %dma_start3A_209 = arith.constant 0 : i32
      %dma_start3A_210 = tpu.memref_slice %arg7[%add3A_208, %dma_start3A_209] : memref<128x64xf32, #tpu.memory_space<vmem>> -> memref<1x64xf32, #tpu.memory_space<vmem>>
      %dma_start3A_211 = arith.constant 0 : i32
      %dma_start3A_212 = tpu.memref_slice %arg4[%squeeze3A_204, %dma_start3A_211] : memref<1000000x64xf32, #tpu.memory_space<hbm>> -> memref<1x64xf32, #tpu.memory_space<hbm>>
      %dma_start3A_213 = arith.constant 0 : i32
      %dma_start3A_214 = tpu.memref_slice %arg7[%add3A_208, %dma_start3A_213] : memref<128x64xf32, #tpu.memory_space<vmem>> -> memref<1x64xf32, #tpu.memory_space<vmem>>
      %dma_start3A_215 = arith.constant 0 : i32
      %dma_start3A_216 = tpu.memref_slice %arg4[%squeeze3A_204, %dma_start3A_215] : memref<1000000x64xf32, #tpu.memory_space<hbm>> -> memref<1x64xf32, #tpu.memory_space<hbm>>
      tpu.enqueue_dma source(%dma_start3A_216 : memref<1x64xf32, #tpu.memory_space<hbm>>) target(%dma_start3A_214 : memref<1x64xf32, #tpu.memory_space<vmem>>) target_semaphore(%arg10 : memref<!tpu.dma_semaphore, #tpu.memory_space<semaphore_mem>>)
      %slice3A_217 = vector.extract_strided_slice %get3A_120 {offsets = [7], sizes = [1], strides = [1]} : vector<16xi32> to vector<1xi32>
      %squeeze3A_218 = vector.extract %slice3A_217[0] : i32 from vector<1xi32>
      %mul3A_219 = arith.constant 16 : i32
      %mul3A_220 = arith.muli %scan3A_114, %mul3A_219 : i32
      %add3A_221 = arith.constant 7 : i32
      %add3A_222 = arith.addi %mul3A_220, %add3A_221 : i32
      %dma_start3A_223 = arith.constant 0 : i32
      %dma_start3A_224 = tpu.memref_slice %arg7[%add3A_222, %dma_start3A_223] : memref<128x64xf32, #tpu.memory_space<vmem>> -> memref<1x64xf32, #tpu.memory_space<vmem>>
      %dma_start3A_225 = arith.constant 0 : i32
      %dma_start3A_226 = tpu.memref_slice %arg4[%squeeze3A_218, %dma_start3A_225] : memref<1000000x64xf32, #tpu.memory_space<hbm>> -> memref<1x64xf32, #tpu.memory_space<hbm>>
      %dma_start3A_227 = arith.constant 0 : i32
      %dma_start3A_228 = tpu.memref_slice %arg7[%add3A_222, %dma_start3A_227] : memref<128x64xf32, #tpu.memory_space<vmem>> -> memref<1x64xf32, #tpu.memory_space<vmem>>
      %dma_start3A_229 = arith.constant 0 : i32
      %dma_start3A_230 = tpu.memref_slice %arg4[%squeeze3A_218, %dma_start3A_229] : memref<1000000x64xf32, #tpu.memory_space<hbm>> -> memref<1x64xf32, #tpu.memory_space<hbm>>
      tpu.enqueue_dma source(%dma_start3A_230 : memref<1x64xf32, #tpu.memory_space<hbm>>) target(%dma_start3A_228 : memref<1x64xf32, #tpu.memory_space<vmem>>) target_semaphore(%arg10 : memref<!tpu.dma_semaphore, #tpu.memory_space<semaphore_mem>>)
      %slice3A_231 = vector.extract_strided_slice %get3A_120 {offsets = [8], sizes = [1], strides = [1]} : vector<16xi32> to vector<1xi32>
      %squeeze3A_232 = vector.extract %slice3A_231[0] : i32 from vector<1xi32>
      %mul3A_233 = arith.constant 16 : i32
      %mul3A_234 = arith.muli %scan3A_114, %mul3A_233 : i32
      %add3A_235 = arith.constant 8 : i32
      %add3A_236 = arith.addi %mul3A_234, %add3A_235 : i32
      %dma_start3A_237 = arith.constant 0 : i32
      %dma_start3A_238 = tpu.memref_slice %arg7[%add3A_236, %dma_start3A_237] : memref<128x64xf32, #tpu.memory_space<vmem>> -> memref<1x64xf32, #tpu.memory_space<vmem>>
      %dma_start3A_239 = arith.constant 0 : i32
      %dma_start3A_240 = tpu.memref_slice %arg4[%squeeze3A_232, %dma_start3A_239] : memref<1000000x64xf32, #tpu.memory_space<hbm>> -> memref<1x64xf32, #tpu.memory_space<hbm>>
      %dma_start3A_241 = arith.constant 0 : i32
      %dma_start3A_242 = tpu.memref_slice %arg7[%add3A_236, %dma_start3A_241] : memref<128x64xf32, #tpu.memory_space<vmem>> -> memref<1x64xf32, #tpu.memory_space<vmem>>
      %dma_start3A_243 = arith.constant 0 : i32
      %dma_start3A_244 = tpu.memref_slice %arg4[%squeeze3A_232, %dma_start3A_243] : memref<1000000x64xf32, #tpu.memory_space<hbm>> -> memref<1x64xf32, #tpu.memory_space<hbm>>
      tpu.enqueue_dma source(%dma_start3A_244 : memref<1x64xf32, #tpu.memory_space<hbm>>) target(%dma_start3A_242 : memref<1x64xf32, #tpu.memory_space<vmem>>) target_semaphore(%arg10 : memref<!tpu.dma_semaphore, #tpu.memory_space<semaphore_mem>>)
      %slice3A_245 = vector.extract_strided_slice %get3A_120 {offsets = [9], sizes = [1], strides = [1]} : vector<16xi32> to vector<1xi32>
      %squeeze3A_246 = vector.extract %slice3A_245[0] : i32 from vector<1xi32>
      %mul3A_247 = arith.constant 16 : i32
      %mul3A_248 = arith.muli %scan3A_114, %mul3A_247 : i32
      %add3A_249 = arith.constant 9 : i32
      %add3A_250 = arith.addi %mul3A_248, %add3A_249 : i32
      %dma_start3A_251 = arith.constant 0 : i32
      %dma_start3A_252 = tpu.memref_slice %arg7[%add3A_250, %dma_start3A_251] : memref<128x64xf32, #tpu.memory_space<vmem>> -> memref<1x64xf32, #tpu.memory_space<vmem>>
      %dma_start3A_253 = arith.constant 0 : i32
      %dma_start3A_254 = tpu.memref_slice %arg4[%squeeze3A_246, %dma_start3A_253] : memref<1000000x64xf32, #tpu.memory_space<hbm>> -> memref<1x64xf32, #tpu.memory_space<hbm>>
      %dma_start3A_255 = arith.constant 0 : i32
      %dma_start3A_256 = tpu.memref_slice %arg7[%add3A_250, %dma_start3A_255] : memref<128x64xf32, #tpu.memory_space<vmem>> -> memref<1x64xf32, #tpu.memory_space<vmem>>
      %dma_start3A_257 = arith.constant 0 : i32
      %dma_start3A_258 = tpu.memref_slice %arg4[%squeeze3A_246, %dma_start3A_257] : memref<1000000x64xf32, #tpu.memory_space<hbm>> -> memref<1x64xf32, #tpu.memory_space<hbm>>
      tpu.enqueue_dma source(%dma_start3A_258 : memref<1x64xf32, #tpu.memory_space<hbm>>) target(%dma_start3A_256 : memref<1x64xf32, #tpu.memory_space<vmem>>) target_semaphore(%arg10 : memref<!tpu.dma_semaphore, #tpu.memory_space<semaphore_mem>>)
      %slice3A_259 = vector.extract_strided_slice %get3A_120 {offsets = [10], sizes = [1], strides = [1]} : vector<16xi32> to vector<1xi32>
      %squeeze3A_260 = vector.extract %slice3A_259[0] : i32 from vector<1xi32>
      %mul3A_261 = arith.constant 16 : i32
      %mul3A_262 = arith.muli %scan3A_114, %mul3A_261 : i32
      %add3A_263 = arith.constant 10 : i32
      %add3A_264 = arith.addi %mul3A_262, %add3A_263 : i32
      %dma_start3A_265 = arith.constant 0 : i32
      %dma_start3A_266 = tpu.memref_slice %arg7[%add3A_264, %dma_start3A_265] : memref<128x64xf32, #tpu.memory_space<vmem>> -> memref<1x64xf32, #tpu.memory_space<vmem>>
      %dma_start3A_267 = arith.constant 0 : i32
      %dma_start3A_268 = tpu.memref_slice %arg4[%squeeze3A_260, %dma_start3A_267] : memref<1000000x64xf32, #tpu.memory_space<hbm>> -> memref<1x64xf32, #tpu.memory_space<hbm>>
      %dma_start3A_269 = arith.constant 0 : i32
      %dma_start3A_270 = tpu.memref_slice %arg7[%add3A_264, %dma_start3A_269] : memref<128x64xf32, #tpu.memory_space<vmem>> -> memref<1x64xf32, #tpu.memory_space<vmem>>
      %dma_start3A_271 = arith.constant 0 : i32
      %dma_start3A_272 = tpu.memref_slice %arg4[%squeeze3A_260, %dma_start3A_271] : memref<1000000x64xf32, #tpu.memory_space<hbm>> -> memref<1x64xf32, #tpu.memory_space<hbm>>
      tpu.enqueue_dma source(%dma_start3A_272 : memref<1x64xf32, #tpu.memory_space<hbm>>) target(%dma_start3A_270 : memref<1x64xf32, #tpu.memory_space<vmem>>) target_semaphore(%arg10 : memref<!tpu.dma_semaphore, #tpu.memory_space<semaphore_mem>>)
      %slice3A_273 = vector.extract_strided_slice %get3A_120 {offsets = [11], sizes = [1], strides = [1]} : vector<16xi32> to vector<1xi32>
      %squeeze3A_274 = vector.extract %slice3A_273[0] : i32 from vector<1xi32>
      %mul3A_275 = arith.constant 16 : i32
      %mul3A_276 = arith.muli %scan3A_114, %mul3A_275 : i32
      %add3A_277 = arith.constant 11 : i32
      %add3A_278 = arith.addi %mul3A_276, %add3A_277 : i32
      %dma_start3A_279 = arith.constant 0 : i32
      %dma_start3A_280 = tpu.memref_slice %arg7[%add3A_278, %dma_start3A_279] : memref<128x64xf32, #tpu.memory_space<vmem>> -> memref<1x64xf32, #tpu.memory_space<vmem>>
      %dma_start3A_281 = arith.constant 0 : i32
      %dma_start3A_282 = tpu.memref_slice %arg4[%squeeze3A_274, %dma_start3A_281] : memref<1000000x64xf32, #tpu.memory_space<hbm>> -> memref<1x64xf32, #tpu.memory_space<hbm>>
      %dma_start3A_283 = arith.constant 0 : i32
      %dma_start3A_284 = tpu.memref_slice %arg7[%add3A_278, %dma_start3A_283] : memref<128x64xf32, #tpu.memory_space<vmem>> -> memref<1x64xf32, #tpu.memory_space<vmem>>
      %dma_start3A_285 = arith.constant 0 : i32
      %dma_start3A_286 = tpu.memref_slice %arg4[%squeeze3A_274, %dma_start3A_285] : memref<1000000x64xf32, #tpu.memory_space<hbm>> -> memref<1x64xf32, #tpu.memory_space<hbm>>
      tpu.enqueue_dma source(%dma_start3A_286 : memref<1x64xf32, #tpu.memory_space<hbm>>) target(%dma_start3A_284 : memref<1x64xf32, #tpu.memory_space<vmem>>) target_semaphore(%arg10 : memref<!tpu.dma_semaphore, #tpu.memory_space<semaphore_mem>>)
      %slice3A_287 = vector.extract_strided_slice %get3A_120 {offsets = [12], sizes = [1], strides = [1]} : vector<16xi32> to vector<1xi32>
      %squeeze3A_288 = vector.extract %slice3A_287[0] : i32 from vector<1xi32>
      %mul3A_289 = arith.constant 16 : i32
      %mul3A_290 = arith.muli %scan3A_114, %mul3A_289 : i32
      %add3A_291 = arith.constant 12 : i32
      %add3A_292 = arith.addi %mul3A_290, %add3A_291 : i32
      %dma_start3A_293 = arith.constant 0 : i32
      %dma_start3A_294 = tpu.memref_slice %arg7[%add3A_292, %dma_start3A_293] : memref<128x64xf32, #tpu.memory_space<vmem>> -> memref<1x64xf32, #tpu.memory_space<vmem>>
      %dma_start3A_295 = arith.constant 0 : i32
      %dma_start3A_296 = tpu.memref_slice %arg4[%squeeze3A_288, %dma_start3A_295] : memref<1000000x64xf32, #tpu.memory_space<hbm>> -> memref<1x64xf32, #tpu.memory_space<hbm>>
      %dma_start3A_297 = arith.constant 0 : i32
      %dma_start3A_298 = tpu.memref_slice %arg7[%add3A_292, %dma_start3A_297] : memref<128x64xf32, #tpu.memory_space<vmem>> -> memref<1x64xf32, #tpu.memory_space<vmem>>
      %dma_start3A_299 = arith.constant 0 : i32
      %dma_start3A_300 = tpu.memref_slice %arg4[%squeeze3A_288, %dma_start3A_299] : memref<1000000x64xf32, #tpu.memory_space<hbm>> -> memref<1x64xf32, #tpu.memory_space<hbm>>
      tpu.enqueue_dma source(%dma_start3A_300 : memref<1x64xf32, #tpu.memory_space<hbm>>) target(%dma_start3A_298 : memref<1x64xf32, #tpu.memory_space<vmem>>) target_semaphore(%arg10 : memref<!tpu.dma_semaphore, #tpu.memory_space<semaphore_mem>>)
      %slice3A_301 = vector.extract_strided_slice %get3A_120 {offsets = [13], sizes = [1], strides = [1]} : vector<16xi32> to vector<1xi32>
      %squeeze3A_302 = vector.extract %slice3A_301[0] : i32 from vector<1xi32>
      %mul3A_303 = arith.constant 16 : i32
      %mul3A_304 = arith.muli %scan3A_114, %mul3A_303 : i32
      %add3A_305 = arith.constant 13 : i32
      %add3A_306 = arith.addi %mul3A_304, %add3A_305 : i32
      %dma_start3A_307 = arith.constant 0 : i32
      %dma_start3A_308 = tpu.memref_slice %arg7[%add3A_306, %dma_start3A_307] : memref<128x64xf32, #tpu.memory_space<vmem>> -> memref<1x64xf32, #tpu.memory_space<vmem>>
      %dma_start3A_309 = arith.constant 0 : i32
      %dma_start3A_310 = tpu.memref_slice %arg4[%squeeze3A_302, %dma_start3A_309] : memref<1000000x64xf32, #tpu.memory_space<hbm>> -> memref<1x64xf32, #tpu.memory_space<hbm>>
      %dma_start3A_311 = arith.constant 0 : i32
      %dma_start3A_312 = tpu.memref_slice %arg7[%add3A_306, %dma_start3A_311] : memref<128x64xf32, #tpu.memory_space<vmem>> -> memref<1x64xf32, #tpu.memory_space<vmem>>
      %dma_start3A_313 = arith.constant 0 : i32
      %dma_start3A_314 = tpu.memref_slice %arg4[%squeeze3A_302, %dma_start3A_313] : memref<1000000x64xf32, #tpu.memory_space<hbm>> -> memref<1x64xf32, #tpu.memory_space<hbm>>
      tpu.enqueue_dma source(%dma_start3A_314 : memref<1x64xf32, #tpu.memory_space<hbm>>) target(%dma_start3A_312 : memref<1x64xf32, #tpu.memory_space<vmem>>) target_semaphore(%arg10 : memref<!tpu.dma_semaphore, #tpu.memory_space<semaphore_mem>>)
      %slice3A_315 = vector.extract_strided_slice %get3A_120 {offsets = [14], sizes = [1], strides = [1]} : vector<16xi32> to vector<1xi32>
      %squeeze3A_316 = vector.extract %slice3A_315[0] : i32 from vector<1xi32>
      %mul3A_317 = arith.constant 16 : i32
      %mul3A_318 = arith.muli %scan3A_114, %mul3A_317 : i32
      %add3A_319 = arith.constant 14 : i32
      %add3A_320 = arith.addi %mul3A_318, %add3A_319 : i32
      %dma_start3A_321 = arith.constant 0 : i32
      %dma_start3A_322 = tpu.memref_slice %arg7[%add3A_320, %dma_start3A_321] : memref<128x64xf32, #tpu.memory_space<vmem>> -> memref<1x64xf32, #tpu.memory_space<vmem>>
      %dma_start3A_323 = arith.constant 0 : i32
      %dma_start3A_324 = tpu.memref_slice %arg4[%squeeze3A_316, %dma_start3A_323] : memref<1000000x64xf32, #tpu.memory_space<hbm>> -> memref<1x64xf32, #tpu.memory_space<hbm>>
      %dma_start3A_325 = arith.constant 0 : i32
      %dma_start3A_326 = tpu.memref_slice %arg7[%add3A_320, %dma_start3A_325] : memref<128x64xf32, #tpu.memory_space<vmem>> -> memref<1x64xf32, #tpu.memory_space<vmem>>
      %dma_start3A_327 = arith.constant 0 : i32
      %dma_start3A_328 = tpu.memref_slice %arg4[%squeeze3A_316, %dma_start3A_327] : memref<1000000x64xf32, #tpu.memory_space<hbm>> -> memref<1x64xf32, #tpu.memory_space<hbm>>
      tpu.enqueue_dma source(%dma_start3A_328 : memref<1x64xf32, #tpu.memory_space<hbm>>) target(%dma_start3A_326 : memref<1x64xf32, #tpu.memory_space<vmem>>) target_semaphore(%arg10 : memref<!tpu.dma_semaphore, #tpu.memory_space<semaphore_mem>>)
      %slice3A_329 = vector.extract_strided_slice %get3A_120 {offsets = [15], sizes = [1], strides = [1]} : vector<16xi32> to vector<1xi32>
      %squeeze3A_330 = vector.extract %slice3A_329[0] : i32 from vector<1xi32>
      %mul3A_331 = arith.constant 16 : i32
      %mul3A_332 = arith.muli %scan3A_114, %mul3A_331 : i32
      %add3A_333 = arith.constant 15 : i32
      %add3A_334 = arith.addi %mul3A_332, %add3A_333 : i32
      %dma_start3A_335 = arith.constant 0 : i32
      %dma_start3A_336 = tpu.memref_slice %arg7[%add3A_334, %dma_start3A_335] : memref<128x64xf32, #tpu.memory_space<vmem>> -> memref<1x64xf32, #tpu.memory_space<vmem>>
      %dma_start3A_337 = arith.constant 0 : i32
      %dma_start3A_338 = tpu.memref_slice %arg4[%squeeze3A_330, %dma_start3A_337] : memref<1000000x64xf32, #tpu.memory_space<hbm>> -> memref<1x64xf32, #tpu.memory_space<hbm>>
      %dma_start3A_339 = arith.constant 0 : i32
      %dma_start3A_340 = tpu.memref_slice %arg7[%add3A_334, %dma_start3A_339] : memref<128x64xf32, #tpu.memory_space<vmem>> -> memref<1x64xf32, #tpu.memory_space<vmem>>
      %dma_start3A_341 = arith.constant 0 : i32
      %dma_start3A_342 = tpu.memref_slice %arg4[%squeeze3A_330, %dma_start3A_341] : memref<1000000x64xf32, #tpu.memory_space<hbm>> -> memref<1x64xf32, #tpu.memory_space<hbm>>
      tpu.enqueue_dma source(%dma_start3A_342 : memref<1x64xf32, #tpu.memory_space<hbm>>) target(%dma_start3A_340 : memref<1x64xf32, #tpu.memory_space<vmem>>) target_semaphore(%arg10 : memref<!tpu.dma_semaphore, #tpu.memory_space<semaphore_mem>>)
    }
    %scan3A_41 = arith.constant 8 : i32
    %scan3A_42 = arith.constant 0 : i32
    %scan3A_43 = arith.constant 0 : i32
    %scan3A_44 = arith.constant 128 : i32
    %scan3A_45 = arith.addi %scan3A_43, %scan3A_44 : i32
    %scan3A_46 = arith.constant 1 : i32
    scf.for %scan3A_114 = %scan3A_43 to %scan3A_45 step %scan3A_46  : i32 {
      %dma_wait3A_115 = arith.constant 0 : i32
      %dma_wait3A_116 = arith.constant 0 : i32
      %dma_wait3A_117 = tpu.memref_slice %arg7[%dma_wait3A_115, %dma_wait3A_116] : memref<128x64xf32, #tpu.memory_space<vmem>> -> memref<1x64xf32, #tpu.memory_space<vmem>>
      %dma_wait3A_118 = arith.constant 0 : i32
      %dma_wait3A_119 = arith.constant 0 : i32
      %dma_wait3A_120 = tpu.memref_slice %arg4[%dma_wait3A_118, %dma_wait3A_119] : memref<1000000x64xf32, #tpu.memory_space<hbm>> -> memref<1x64xf32, #tpu.memory_space<hbm>>
      %dma_wait3A_121 = arith.constant 0 : i32
      %dma_wait3A_122 = arith.constant 0 : i32
      %dma_wait3A_123 = tpu.memref_slice %arg7[%dma_wait3A_121, %dma_wait3A_122] : memref<128x64xf32, #tpu.memory_space<vmem>> -> memref<1x64xf32, #tpu.memory_space<vmem>>
      %dma_wait3A_124 = arith.constant 0 : i32
      %dma_wait3A_125 = arith.constant 0 : i32
      %dma_wait3A_126 = tpu.memref_slice %arg4[%dma_wait3A_124, %dma_wait3A_125] : memref<1000000x64xf32, #tpu.memory_space<hbm>> -> memref<1x64xf32, #tpu.memory_space<hbm>>
      tpu.wait_dma2 semaphore(%arg10 : memref<!tpu.dma_semaphore, #tpu.memory_space<semaphore_mem>>) src(%dma_wait3A_126 : memref<1x64xf32, #tpu.memory_space<hbm>>) dst(%dma_wait3A_123 : memref<1x64xf32, #tpu.memory_space<vmem>>)
    }
    %scan3A_47 = arith.constant 128 : i32
    %dma_wait3A_48 = arith.constant 0 : i32
    %dma_wait3A_49 = tpu.memref_slice %arg3[%add3A_31, %dma_wait3A_48] : memref<16384x64xf32, #tpu.memory_space<hbm>> -> memref<128x64xf32, #tpu.memory_space<hbm>>
    %dma_wait3A_50 = arith.constant 0 : i32
    %dma_wait3A_51 = tpu.memref_slice %arg3[%add3A_31, %dma_wait3A_50] : memref<16384x64xf32, #tpu.memory_space<hbm>> -> memref<128x64xf32, #tpu.memory_space<hbm>>
    tpu.wait_dma2 semaphore(%arg11 : memref<!tpu.dma_semaphore, #tpu.memory_space<semaphore_mem>>) src(%dma_wait3A_51 : memref<128x64xf32, #tpu.memory_space<hbm>>) dst(%arg8 : memref<128x64xf32, #tpu.memory_space<vmem>>)
    %scan3A_52 = arith.constant 0 : i32
    %scan3A_53 = arith.constant 0 : i32
    %scan3A_54 = arith.constant 128 : i32
    %scan3A_55 = arith.addi %scan3A_53, %scan3A_54 : i32
    %scan3A_56 = arith.constant 1 : i32
    scf.for %scan3A_114 = %scan3A_53 to %scan3A_55 step %scan3A_56  : i32 {
      %get3A = arith.index_cast %scan3A_114 : i32 to index
      %get3A_115 = arith.constant 0 : index
      %get3A_116 = tpu.vector_load %arg7[%get3A, %get3A_115] {strides = array<i32>} : memref<128x64xf32, #tpu.memory_space<vmem>>, vector<1x16xf32>,
      %get3A_117 = vector.shape_cast %get3A_116 : vector<1x16xf32> to vector<16xf32>
      %swap3A = arith.index_cast %scan3A_114 : i32 to index
      %swap3A_118 = arith.constant 0 : index
      %swap3A_119 = tpu.vector_load %arg9[%swap3A, %swap3A_118] {strides = array<i32>} : memref<128x128xf32, #tpu.memory_space<vmem>>, vector<1x16xf32>,
      %swap3A_120 = vector.shape_cast %swap3A_119 : vector<1x16xf32> to vector<16xf32>
      %swap3A_121 = vector.shape_cast %get3A_117 : vector<16xf32> to vector<1x16xf32>
      tpu.vector_store %arg9[%swap3A, %swap3A_118], %swap3A_121 {strides = array<i32>} : memref<128x128xf32, #tpu.memory_space<vmem>>, vector<1x16xf32>,
      %get3A_122 = arith.index_cast %scan3A_114 : i32 to index
      %get3A_123 = arith.constant 0 : index
      %get3A_124 = tpu.vector_load %arg8[%get3A_122, %get3A_123] {strides = array<i32>} : memref<128x64xf32, #tpu.memory_space<vmem>>, vector<1x16xf32>,
      %get3A_125 = vector.shape_cast %get3A_124 : vector<1x16xf32> to vector<16xf32>
      %swap3A_126 = arith.index_cast %scan3A_114 : i32 to index
      %swap3A_127 = arith.constant 64 : index
      %swap3A_128 = tpu.vector_load %arg9[%swap3A_126, %swap3A_127] {strides = array<i32>} : memref<128x128xf32, #tpu.memory_space<vmem>>, vector<1x16xf32>,
      %swap3A_129 = vector.shape_cast %swap3A_128 : vector<1x16xf32> to vector<16xf32>
      %swap3A_130 = vector.shape_cast %get3A_125 : vector<16xf32> to vector<1x16xf32>
      tpu.vector_store %arg9[%swap3A_126, %swap3A_127], %swap3A_130 {strides = array<i32>} : memref<128x128xf32, #tpu.memory_space<vmem>>, vector<1x16xf32>,
      %get3A_131 = arith.index_cast %scan3A_114 : i32 to index
      %get3A_132 = arith.constant 16 : index
      %get3A_133 = tpu.vector_load %arg7[%get3A_131, %get3A_132] {strides = array<i32>} : memref<128x64xf32, #tpu.memory_space<vmem>>, vector<1x16xf32>,
      %get3A_134 = vector.shape_cast %get3A_133 : vector<1x16xf32> to vector<16xf32>
      %swap3A_135 = arith.index_cast %scan3A_114 : i32 to index
      %swap3A_136 = arith.constant 16 : index
      %swap3A_137 = tpu.vector_load %arg9[%swap3A_135, %swap3A_136] {strides = array<i32>} : memref<128x128xf32, #tpu.memory_space<vmem>>, vector<1x16xf32>,
      %swap3A_138 = vector.shape_cast %swap3A_137 : vector<1x16xf32> to vector<16xf32>
      %swap3A_139 = vector.shape_cast %get3A_134 : vector<16xf32> to vector<1x16xf32>
      tpu.vector_store %arg9[%swap3A_135, %swap3A_136], %swap3A_139 {strides = array<i32>} : memref<128x128xf32, #tpu.memory_space<vmem>>, vector<1x16xf32>,
      %get3A_140 = arith.index_cast %scan3A_114 : i32 to index
      %get3A_141 = arith.constant 16 : index
      %get3A_142 = tpu.vector_load %arg8[%get3A_140, %get3A_141] {strides = array<i32>} : memref<128x64xf32, #tpu.memory_space<vmem>>, vector<1x16xf32>,
      %get3A_143 = vector.shape_cast %get3A_142 : vector<1x16xf32> to vector<16xf32>
      %swap3A_144 = arith.index_cast %scan3A_114 : i32 to index
      %swap3A_145 = arith.constant 80 : index
      %swap3A_146 = tpu.vector_load %arg9[%swap3A_144, %swap3A_145] {strides = array<i32>} : memref<128x128xf32, #tpu.memory_space<vmem>>, vector<1x16xf32>,
      %swap3A_147 = vector.shape_cast %swap3A_146 : vector<1x16xf32> to vector<16xf32>
      %swap3A_148 = vector.shape_cast %get3A_143 : vector<16xf32> to vector<1x16xf32>
      tpu.vector_store %arg9[%swap3A_144, %swap3A_145], %swap3A_148 {strides = array<i32>} : memref<128x128xf32, #tpu.memory_space<vmem>>, vector<1x16xf32>,
      %get3A_149 = arith.index_cast %scan3A_114 : i32 to index
      %get3A_150 = arith.constant 32 : index
      %get3A_151 = tpu.vector_load %arg7[%get3A_149, %get3A_150] {strides = array<i32>} : memref<128x64xf32, #tpu.memory_space<vmem>>, vector<1x16xf32>,
      %get3A_152 = vector.shape_cast %get3A_151 : vector<1x16xf32> to vector<16xf32>
      %swap3A_153 = arith.index_cast %scan3A_114 : i32 to index
      %swap3A_154 = arith.constant 32 : index
      %swap3A_155 = tpu.vector_load %arg9[%swap3A_153, %swap3A_154] {strides = array<i32>} : memref<128x128xf32, #tpu.memory_space<vmem>>, vector<1x16xf32>,
      %swap3A_156 = vector.shape_cast %swap3A_155 : vector<1x16xf32> to vector<16xf32>
      %swap3A_157 = vector.shape_cast %get3A_152 : vector<16xf32> to vector<1x16xf32>
      tpu.vector_store %arg9[%swap3A_153, %swap3A_154], %swap3A_157 {strides = array<i32>} : memref<128x128xf32, #tpu.memory_space<vmem>>, vector<1x16xf32>,
      %get3A_158 = arith.index_cast %scan3A_114 : i32 to index
      %get3A_159 = arith.constant 32 : index
      %get3A_160 = tpu.vector_load %arg8[%get3A_158, %get3A_159] {strides = array<i32>} : memref<128x64xf32, #tpu.memory_space<vmem>>, vector<1x16xf32>,
      %get3A_161 = vector.shape_cast %get3A_160 : vector<1x16xf32> to vector<16xf32>
      %swap3A_162 = arith.index_cast %scan3A_114 : i32 to index
      %swap3A_163 = arith.constant 96 : index
      %swap3A_164 = tpu.vector_load %arg9[%swap3A_162, %swap3A_163] {strides = array<i32>} : memref<128x128xf32, #tpu.memory_space<vmem>>, vector<1x16xf32>,
      %swap3A_165 = vector.shape_cast %swap3A_164 : vector<1x16xf32> to vector<16xf32>
      %swap3A_166 = vector.shape_cast %get3A_161 : vector<16xf32> to vector<1x16xf32>
      tpu.vector_store %arg9[%swap3A_162, %swap3A_163], %swap3A_166 {strides = array<i32>} : memref<128x128xf32, #tpu.memory_space<vmem>>, vector<1x16xf32>,
      %get3A_167 = arith.index_cast %scan3A_114 : i32 to index
      %get3A_168 = arith.constant 48 : index
      %get3A_169 = tpu.vector_load %arg7[%get3A_167, %get3A_168] {strides = array<i32>} : memref<128x64xf32, #tpu.memory_space<vmem>>, vector<1x16xf32>,
      %get3A_170 = vector.shape_cast %get3A_169 : vector<1x16xf32> to vector<16xf32>
      %swap3A_171 = arith.index_cast %scan3A_114 : i32 to index
      %swap3A_172 = arith.constant 48 : index
      %swap3A_173 = tpu.vector_load %arg9[%swap3A_171, %swap3A_172] {strides = array<i32>} : memref<128x128xf32, #tpu.memory_space<vmem>>, vector<1x16xf32>,
      %swap3A_174 = vector.shape_cast %swap3A_173 : vector<1x16xf32> to vector<16xf32>
      %swap3A_175 = vector.shape_cast %get3A_170 : vector<16xf32> to vector<1x16xf32>
      tpu.vector_store %arg9[%swap3A_171, %swap3A_172], %swap3A_175 {strides = array<i32>} : memref<128x128xf32, #tpu.memory_space<vmem>>, vector<1x16xf32>,
      %get3A_176 = arith.index_cast %scan3A_114 : i32 to index
      %get3A_177 = arith.constant 48 : index
      %get3A_178 = tpu.vector_load %arg8[%get3A_176, %get3A_177] {strides = array<i32>} : memref<128x64xf32, #tpu.memory_space<vmem>>, vector<1x16xf32>,
      %get3A_179 = vector.shape_cast %get3A_178 : vector<1x16xf32> to vector<16xf32>
      %swap3A_180 = arith.index_cast %scan3A_114 : i32 to index
      %swap3A_181 = arith.constant 112 : index
      %swap3A_182 = tpu.vector_load %arg9[%swap3A_180, %swap3A_181] {strides = array<i32>} : memref<128x128xf32, #tpu.memory_space<vmem>>, vector<1x16xf32>,
      %swap3A_183 = vector.shape_cast %swap3A_182 : vector<1x16xf32> to vector<16xf32>
      %swap3A_184 = vector.shape_cast %get3A_179 : vector<16xf32> to vector<1x16xf32>
      tpu.vector_store %arg9[%swap3A_180, %swap3A_181], %swap3A_184 {strides = array<i32>} : memref<128x128xf32, #tpu.memory_space<vmem>>, vector<1x16xf32>,
    }
    %scan3A_57 = arith.constant 128 : i32
    "tpu.region"() ({
      %run_scoped3A = tpu.sem_alloc : memref<!tpu.dma_semaphore, #tpu.memory_space<semaphore_mem>>
      %dma_start3A_114 = arith.constant 0 : i32
      %dma_start3A_115 = tpu.memref_slice %arg5[%add3A_31, %dma_start3A_114] : memref<16384x128xf32, #tpu.memory_space<hbm>> -> memref<128x128xf32, #tpu.memory_space<hbm>>
      %dma_start3A_116 = arith.constant 0 : i32
      %dma_start3A_117 = tpu.memref_slice %arg5[%add3A_31, %dma_start3A_116] : memref<16384x128xf32, #tpu.memory_space<hbm>> -> memref<128x128xf32, #tpu.memory_space<hbm>>
      tpu.enqueue_dma source(%arg9 : memref<128x128xf32, #tpu.memory_space<vmem>>) target(%dma_start3A_117 : memref<128x128xf32, #tpu.memory_space<hbm>>) target_semaphore(%run_scoped3A : memref<!tpu.dma_semaphore, #tpu.memory_space<semaphore_mem>>)
      %dma_wait3A_118 = arith.constant 0 : i32
      %dma_wait3A_119 = tpu.memref_slice %arg5[%add3A_31, %dma_wait3A_118] : memref<16384x128xf32, #tpu.memory_space<hbm>> -> memref<128x128xf32, #tpu.memory_space<hbm>>
      %dma_wait3A_120 = arith.constant 0 : i32
      %dma_wait3A_121 = tpu.memref_slice %arg5[%add3A_31, %dma_wait3A_120] : memref<16384x128xf32, #tpu.memory_space<hbm>> -> memref<128x128xf32, #tpu.memory_space<hbm>>
      tpu.wait_dma2 semaphore(%run_scoped3A : memref<!tpu.dma_semaphore, #tpu.memory_space<semaphore_mem>>) src(%arg9 : memref<128x128xf32, #tpu.memory_space<vmem>>) dst(%dma_wait3A_121 : memref<128x128xf32, #tpu.memory_space<hbm>>)
      tpu.yield
    }) : () -> ()
    %add3A_58 = arith.constant 256 : i32
    %add3A_59 = arith.addi %mul3A_2, %add3A_58 : i32
    %dma_start3A_60 = arith.constant 0 : i32
    %dma_start3A_61 = tpu.memref_slice %arg3[%add3A_59, %dma_start3A_60] : memref<16384x64xf32, #tpu.memory_space<hbm>> -> memref<128x64xf32, #tpu.memory_space<hbm>>
    %dma_start3A_62 = arith.constant 0 : i32
    %dma_start3A_63 = tpu.memref_slice %arg3[%add3A_59, %dma_start3A_62] : memref<16384x64xf32, #tpu.memory_space<hbm>> -> memref<128x64xf32, #tpu.memory_space<hbm>>
    tpu.enqueue_dma source(%dma_start3A_63 : memref<128x64xf32, #tpu.memory_space<hbm>>) target(%arg8 : memref<128x64xf32, #tpu.memory_space<vmem>>) target_semaphore(%arg11 : memref<!tpu.dma_semaphore, #tpu.memory_space<semaphore_mem>>)
    %scan3A_64 = arith.constant 0 : i32
    %scan3A_65 = arith.constant 0 : i32
    %scan3A_66 = arith.constant 8 : i32
    %scan3A_67 = arith.addi %scan3A_65, %scan3A_66 : i32
    %scan3A_68 = arith.constant 1 : i32
    scf.for %scan3A_114 = %scan3A_65 to %scan3A_67 step %scan3A_68  : i32 {
      %mul3A_115 = arith.constant 16 : i32
      %mul3A_116 = arith.muli %scan3A_114, %mul3A_115 : i32
      %get3A = arith.constant 2 : i32
      %get3A_117 = arith.index_cast %get3A : i32 to index
      %get3A_118 = arith.index_cast %mul3A_116 : i32 to index
      %get3A_119 = tpu.vector_load %arg6[%get3A_117, %get3A_118] {strides = array<i32>} : memref<4x128xi32, #tpu.memory_space<vmem>>, vector<1x16xi32>,
      %get3A_120 = vector.shape_cast %get3A_119 : vector<1x16xi32> to vector<16xi32>
      %slice3A = vector.extract_strided_slice %get3A_120 {offsets = [0], sizes = [1], strides = [1]} : vector<16xi32> to vector<1xi32>
      %squeeze3A = vector.extract %slice3A[0] : i32 from vector<1xi32>
      %mul3A_121 = arith.constant 16 : i32
      %mul3A_122 = arith.muli %scan3A_114, %mul3A_121 : i32
      %add3A_123 = arith.constant 0 : i32
      %add3A_124 = arith.addi %mul3A_122, %add3A_123 : i32
      %dma_start3A_125 = arith.constant 0 : i32
      %dma_start3A_126 = tpu.memref_slice %arg7[%add3A_124, %dma_start3A_125] : memref<128x64xf32, #tpu.memory_space<vmem>> -> memref<1x64xf32, #tpu.memory_space<vmem>>
      %dma_start3A_127 = arith.constant 0 : i32
      %dma_start3A_128 = tpu.memref_slice %arg4[%squeeze3A, %dma_start3A_127] : memref<1000000x64xf32, #tpu.memory_space<hbm>> -> memref<1x64xf32, #tpu.memory_space<hbm>>
      %dma_start3A_129 = arith.constant 0 : i32
      %dma_start3A_130 = tpu.memref_slice %arg7[%add3A_124, %dma_start3A_129] : memref<128x64xf32, #tpu.memory_space<vmem>> -> memref<1x64xf32, #tpu.memory_space<vmem>>
      %dma_start3A_131 = arith.constant 0 : i32
      %dma_start3A_132 = tpu.memref_slice %arg4[%squeeze3A, %dma_start3A_131] : memref<1000000x64xf32, #tpu.memory_space<hbm>> -> memref<1x64xf32, #tpu.memory_space<hbm>>
      tpu.enqueue_dma source(%dma_start3A_132 : memref<1x64xf32, #tpu.memory_space<hbm>>) target(%dma_start3A_130 : memref<1x64xf32, #tpu.memory_space<vmem>>) target_semaphore(%arg10 : memref<!tpu.dma_semaphore, #tpu.memory_space<semaphore_mem>>)
      %slice3A_133 = vector.extract_strided_slice %get3A_120 {offsets = [1], sizes = [1], strides = [1]} : vector<16xi32> to vector<1xi32>
      %squeeze3A_134 = vector.extract %slice3A_133[0] : i32 from vector<1xi32>
      %mul3A_135 = arith.constant 16 : i32
      %mul3A_136 = arith.muli %scan3A_114, %mul3A_135 : i32
      %add3A_137 = arith.constant 1 : i32
      %add3A_138 = arith.addi %mul3A_136, %add3A_137 : i32
      %dma_start3A_139 = arith.constant 0 : i32
      %dma_start3A_140 = tpu.memref_slice %arg7[%add3A_138, %dma_start3A_139] : memref<128x64xf32, #tpu.memory_space<vmem>> -> memref<1x64xf32, #tpu.memory_space<vmem>>
      %dma_start3A_141 = arith.constant 0 : i32
      %dma_start3A_142 = tpu.memref_slice %arg4[%squeeze3A_134, %dma_start3A_141] : memref<1000000x64xf32, #tpu.memory_space<hbm>> -> memref<1x64xf32, #tpu.memory_space<hbm>>
      %dma_start3A_143 = arith.constant 0 : i32
      %dma_start3A_144 = tpu.memref_slice %arg7[%add3A_138, %dma_start3A_143] : memref<128x64xf32, #tpu.memory_space<vmem>> -> memref<1x64xf32, #tpu.memory_space<vmem>>
      %dma_start3A_145 = arith.constant 0 : i32
      %dma_start3A_146 = tpu.memref_slice %arg4[%squeeze3A_134, %dma_start3A_145] : memref<1000000x64xf32, #tpu.memory_space<hbm>> -> memref<1x64xf32, #tpu.memory_space<hbm>>
      tpu.enqueue_dma source(%dma_start3A_146 : memref<1x64xf32, #tpu.memory_space<hbm>>) target(%dma_start3A_144 : memref<1x64xf32, #tpu.memory_space<vmem>>) target_semaphore(%arg10 : memref<!tpu.dma_semaphore, #tpu.memory_space<semaphore_mem>>)
      %slice3A_147 = vector.extract_strided_slice %get3A_120 {offsets = [2], sizes = [1], strides = [1]} : vector<16xi32> to vector<1xi32>
      %squeeze3A_148 = vector.extract %slice3A_147[0] : i32 from vector<1xi32>
      %mul3A_149 = arith.constant 16 : i32
      %mul3A_150 = arith.muli %scan3A_114, %mul3A_149 : i32
      %add3A_151 = arith.constant 2 : i32
      %add3A_152 = arith.addi %mul3A_150, %add3A_151 : i32
      %dma_start3A_153 = arith.constant 0 : i32
      %dma_start3A_154 = tpu.memref_slice %arg7[%add3A_152, %dma_start3A_153] : memref<128x64xf32, #tpu.memory_space<vmem>> -> memref<1x64xf32, #tpu.memory_space<vmem>>
      %dma_start3A_155 = arith.constant 0 : i32
      %dma_start3A_156 = tpu.memref_slice %arg4[%squeeze3A_148, %dma_start3A_155] : memref<1000000x64xf32, #tpu.memory_space<hbm>> -> memref<1x64xf32, #tpu.memory_space<hbm>>
      %dma_start3A_157 = arith.constant 0 : i32
      %dma_start3A_158 = tpu.memref_slice %arg7[%add3A_152, %dma_start3A_157] : memref<128x64xf32, #tpu.memory_space<vmem>> -> memref<1x64xf32, #tpu.memory_space<vmem>>
      %dma_start3A_159 = arith.constant 0 : i32
      %dma_start3A_160 = tpu.memref_slice %arg4[%squeeze3A_148, %dma_start3A_159] : memref<1000000x64xf32, #tpu.memory_space<hbm>> -> memref<1x64xf32, #tpu.memory_space<hbm>>
      tpu.enqueue_dma source(%dma_start3A_160 : memref<1x64xf32, #tpu.memory_space<hbm>>) target(%dma_start3A_158 : memref<1x64xf32, #tpu.memory_space<vmem>>) target_semaphore(%arg10 : memref<!tpu.dma_semaphore, #tpu.memory_space<semaphore_mem>>)
      %slice3A_161 = vector.extract_strided_slice %get3A_120 {offsets = [3], sizes = [1], strides = [1]} : vector<16xi32> to vector<1xi32>
      %squeeze3A_162 = vector.extract %slice3A_161[0] : i32 from vector<1xi32>
      %mul3A_163 = arith.constant 16 : i32
      %mul3A_164 = arith.muli %scan3A_114, %mul3A_163 : i32
      %add3A_165 = arith.constant 3 : i32
      %add3A_166 = arith.addi %mul3A_164, %add3A_165 : i32
      %dma_start3A_167 = arith.constant 0 : i32
      %dma_start3A_168 = tpu.memref_slice %arg7[%add3A_166, %dma_start3A_167] : memref<128x64xf32, #tpu.memory_space<vmem>> -> memref<1x64xf32, #tpu.memory_space<vmem>>
      %dma_start3A_169 = arith.constant 0 : i32
      %dma_start3A_170 = tpu.memref_slice %arg4[%squeeze3A_162, %dma_start3A_169] : memref<1000000x64xf32, #tpu.memory_space<hbm>> -> memref<1x64xf32, #tpu.memory_space<hbm>>
      %dma_start3A_171 = arith.constant 0 : i32
      %dma_start3A_172 = tpu.memref_slice %arg7[%add3A_166, %dma_start3A_171] : memref<128x64xf32, #tpu.memory_space<vmem>> -> memref<1x64xf32, #tpu.memory_space<vmem>>
      %dma_start3A_173 = arith.constant 0 : i32
      %dma_start3A_174 = tpu.memref_slice %arg4[%squeeze3A_162, %dma_start3A_173] : memref<1000000x64xf32, #tpu.memory_space<hbm>> -> memref<1x64xf32, #tpu.memory_space<hbm>>
      tpu.enqueue_dma source(%dma_start3A_174 : memref<1x64xf32, #tpu.memory_space<hbm>>) target(%dma_start3A_172 : memref<1x64xf32, #tpu.memory_space<vmem>>) target_semaphore(%arg10 : memref<!tpu.dma_semaphore, #tpu.memory_space<semaphore_mem>>)
      %slice3A_175 = vector.extract_strided_slice %get3A_120 {offsets = [4], sizes = [1], strides = [1]} : vector<16xi32> to vector<1xi32>
      %squeeze3A_176 = vector.extract %slice3A_175[0] : i32 from vector<1xi32>
      %mul3A_177 = arith.constant 16 : i32
      %mul3A_178 = arith.muli %scan3A_114, %mul3A_177 : i32
      %add3A_179 = arith.constant 4 : i32
      %add3A_180 = arith.addi %mul3A_178, %add3A_179 : i32
      %dma_start3A_181 = arith.constant 0 : i32
      %dma_start3A_182 = tpu.memref_slice %arg7[%add3A_180, %dma_start3A_181] : memref<128x64xf32, #tpu.memory_space<vmem>> -> memref<1x64xf32, #tpu.memory_space<vmem>>
      %dma_start3A_183 = arith.constant 0 : i32
      %dma_start3A_184 = tpu.memref_slice %arg4[%squeeze3A_176, %dma_start3A_183] : memref<1000000x64xf32, #tpu.memory_space<hbm>> -> memref<1x64xf32, #tpu.memory_space<hbm>>
      %dma_start3A_185 = arith.constant 0 : i32
      %dma_start3A_186 = tpu.memref_slice %arg7[%add3A_180, %dma_start3A_185] : memref<128x64xf32, #tpu.memory_space<vmem>> -> memref<1x64xf32, #tpu.memory_space<vmem>>
      %dma_start3A_187 = arith.constant 0 : i32
      %dma_start3A_188 = tpu.memref_slice %arg4[%squeeze3A_176, %dma_start3A_187] : memref<1000000x64xf32, #tpu.memory_space<hbm>> -> memref<1x64xf32, #tpu.memory_space<hbm>>
      tpu.enqueue_dma source(%dma_start3A_188 : memref<1x64xf32, #tpu.memory_space<hbm>>) target(%dma_start3A_186 : memref<1x64xf32, #tpu.memory_space<vmem>>) target_semaphore(%arg10 : memref<!tpu.dma_semaphore, #tpu.memory_space<semaphore_mem>>)
      %slice3A_189 = vector.extract_strided_slice %get3A_120 {offsets = [5], sizes = [1], strides = [1]} : vector<16xi32> to vector<1xi32>
      %squeeze3A_190 = vector.extract %slice3A_189[0] : i32 from vector<1xi32>
      %mul3A_191 = arith.constant 16 : i32
      %mul3A_192 = arith.muli %scan3A_114, %mul3A_191 : i32
      %add3A_193 = arith.constant 5 : i32
      %add3A_194 = arith.addi %mul3A_192, %add3A_193 : i32
      %dma_start3A_195 = arith.constant 0 : i32
      %dma_start3A_196 = tpu.memref_slice %arg7[%add3A_194, %dma_start3A_195] : memref<128x64xf32, #tpu.memory_space<vmem>> -> memref<1x64xf32, #tpu.memory_space<vmem>>
      %dma_start3A_197 = arith.constant 0 : i32
      %dma_start3A_198 = tpu.memref_slice %arg4[%squeeze3A_190, %dma_start3A_197] : memref<1000000x64xf32, #tpu.memory_space<hbm>> -> memref<1x64xf32, #tpu.memory_space<hbm>>
      %dma_start3A_199 = arith.constant 0 : i32
      %dma_start3A_200 = tpu.memref_slice %arg7[%add3A_194, %dma_start3A_199] : memref<128x64xf32, #tpu.memory_space<vmem>> -> memref<1x64xf32, #tpu.memory_space<vmem>>
      %dma_start3A_201 = arith.constant 0 : i32
      %dma_start3A_202 = tpu.memref_slice %arg4[%squeeze3A_190, %dma_start3A_201] : memref<1000000x64xf32, #tpu.memory_space<hbm>> -> memref<1x64xf32, #tpu.memory_space<hbm>>
      tpu.enqueue_dma source(%dma_start3A_202 : memref<1x64xf32, #tpu.memory_space<hbm>>) target(%dma_start3A_200 : memref<1x64xf32, #tpu.memory_space<vmem>>) target_semaphore(%arg10 : memref<!tpu.dma_semaphore, #tpu.memory_space<semaphore_mem>>)
      %slice3A_203 = vector.extract_strided_slice %get3A_120 {offsets = [6], sizes = [1], strides = [1]} : vector<16xi32> to vector<1xi32>
      %squeeze3A_204 = vector.extract %slice3A_203[0] : i32 from vector<1xi32>
      %mul3A_205 = arith.constant 16 : i32
      %mul3A_206 = arith.muli %scan3A_114, %mul3A_205 : i32
      %add3A_207 = arith.constant 6 : i32
      %add3A_208 = arith.addi %mul3A_206, %add3A_207 : i32
      %dma_start3A_209 = arith.constant 0 : i32
      %dma_start3A_210 = tpu.memref_slice %arg7[%add3A_208, %dma_start3A_209] : memref<128x64xf32, #tpu.memory_space<vmem>> -> memref<1x64xf32, #tpu.memory_space<vmem>>
      %dma_start3A_211 = arith.constant 0 : i32
      %dma_start3A_212 = tpu.memref_slice %arg4[%squeeze3A_204, %dma_start3A_211] : memref<1000000x64xf32, #tpu.memory_space<hbm>> -> memref<1x64xf32, #tpu.memory_space<hbm>>
      %dma_start3A_213 = arith.constant 0 : i32
      %dma_start3A_214 = tpu.memref_slice %arg7[%add3A_208, %dma_start3A_213] : memref<128x64xf32, #tpu.memory_space<vmem>> -> memref<1x64xf32, #tpu.memory_space<vmem>>
      %dma_start3A_215 = arith.constant 0 : i32
      %dma_start3A_216 = tpu.memref_slice %arg4[%squeeze3A_204, %dma_start3A_215] : memref<1000000x64xf32, #tpu.memory_space<hbm>> -> memref<1x64xf32, #tpu.memory_space<hbm>>
      tpu.enqueue_dma source(%dma_start3A_216 : memref<1x64xf32, #tpu.memory_space<hbm>>) target(%dma_start3A_214 : memref<1x64xf32, #tpu.memory_space<vmem>>) target_semaphore(%arg10 : memref<!tpu.dma_semaphore, #tpu.memory_space<semaphore_mem>>)
      %slice3A_217 = vector.extract_strided_slice %get3A_120 {offsets = [7], sizes = [1], strides = [1]} : vector<16xi32> to vector<1xi32>
      %squeeze3A_218 = vector.extract %slice3A_217[0] : i32 from vector<1xi32>
      %mul3A_219 = arith.constant 16 : i32
      %mul3A_220 = arith.muli %scan3A_114, %mul3A_219 : i32
      %add3A_221 = arith.constant 7 : i32
      %add3A_222 = arith.addi %mul3A_220, %add3A_221 : i32
      %dma_start3A_223 = arith.constant 0 : i32
      %dma_start3A_224 = tpu.memref_slice %arg7[%add3A_222, %dma_start3A_223] : memref<128x64xf32, #tpu.memory_space<vmem>> -> memref<1x64xf32, #tpu.memory_space<vmem>>
      %dma_start3A_225 = arith.constant 0 : i32
      %dma_start3A_226 = tpu.memref_slice %arg4[%squeeze3A_218, %dma_start3A_225] : memref<1000000x64xf32, #tpu.memory_space<hbm>> -> memref<1x64xf32, #tpu.memory_space<hbm>>
      %dma_start3A_227 = arith.constant 0 : i32
      %dma_start3A_228 = tpu.memref_slice %arg7[%add3A_222, %dma_start3A_227] : memref<128x64xf32, #tpu.memory_space<vmem>> -> memref<1x64xf32, #tpu.memory_space<vmem>>
      %dma_start3A_229 = arith.constant 0 : i32
      %dma_start3A_230 = tpu.memref_slice %arg4[%squeeze3A_218, %dma_start3A_229] : memref<1000000x64xf32, #tpu.memory_space<hbm>> -> memref<1x64xf32, #tpu.memory_space<hbm>>
      tpu.enqueue_dma source(%dma_start3A_230 : memref<1x64xf32, #tpu.memory_space<hbm>>) target(%dma_start3A_228 : memref<1x64xf32, #tpu.memory_space<vmem>>) target_semaphore(%arg10 : memref<!tpu.dma_semaphore, #tpu.memory_space<semaphore_mem>>)
      %slice3A_231 = vector.extract_strided_slice %get3A_120 {offsets = [8], sizes = [1], strides = [1]} : vector<16xi32> to vector<1xi32>
      %squeeze3A_232 = vector.extract %slice3A_231[0] : i32 from vector<1xi32>
      %mul3A_233 = arith.constant 16 : i32
      %mul3A_234 = arith.muli %scan3A_114, %mul3A_233 : i32
      %add3A_235 = arith.constant 8 : i32
      %add3A_236 = arith.addi %mul3A_234, %add3A_235 : i32
      %dma_start3A_237 = arith.constant 0 : i32
      %dma_start3A_238 = tpu.memref_slice %arg7[%add3A_236, %dma_start3A_237] : memref<128x64xf32, #tpu.memory_space<vmem>> -> memref<1x64xf32, #tpu.memory_space<vmem>>
      %dma_start3A_239 = arith.constant 0 : i32
      %dma_start3A_240 = tpu.memref_slice %arg4[%squeeze3A_232, %dma_start3A_239] : memref<1000000x64xf32, #tpu.memory_space<hbm>> -> memref<1x64xf32, #tpu.memory_space<hbm>>
      %dma_start3A_241 = arith.constant 0 : i32
      %dma_start3A_242 = tpu.memref_slice %arg7[%add3A_236, %dma_start3A_241] : memref<128x64xf32, #tpu.memory_space<vmem>> -> memref<1x64xf32, #tpu.memory_space<vmem>>
      %dma_start3A_243 = arith.constant 0 : i32
      %dma_start3A_244 = tpu.memref_slice %arg4[%squeeze3A_232, %dma_start3A_243] : memref<1000000x64xf32, #tpu.memory_space<hbm>> -> memref<1x64xf32, #tpu.memory_space<hbm>>
      tpu.enqueue_dma source(%dma_start3A_244 : memref<1x64xf32, #tpu.memory_space<hbm>>) target(%dma_start3A_242 : memref<1x64xf32, #tpu.memory_space<vmem>>) target_semaphore(%arg10 : memref<!tpu.dma_semaphore, #tpu.memory_space<semaphore_mem>>)
      %slice3A_245 = vector.extract_strided_slice %get3A_120 {offsets = [9], sizes = [1], strides = [1]} : vector<16xi32> to vector<1xi32>
      %squeeze3A_246 = vector.extract %slice3A_245[0] : i32 from vector<1xi32>
      %mul3A_247 = arith.constant 16 : i32
      %mul3A_248 = arith.muli %scan3A_114, %mul3A_247 : i32
      %add3A_249 = arith.constant 9 : i32
      %add3A_250 = arith.addi %mul3A_248, %add3A_249 : i32
      %dma_start3A_251 = arith.constant 0 : i32
      %dma_start3A_252 = tpu.memref_slice %arg7[%add3A_250, %dma_start3A_251] : memref<128x64xf32, #tpu.memory_space<vmem>> -> memref<1x64xf32, #tpu.memory_space<vmem>>
      %dma_start3A_253 = arith.constant 0 : i32
      %dma_start3A_254 = tpu.memref_slice %arg4[%squeeze3A_246, %dma_start3A_253] : memref<1000000x64xf32, #tpu.memory_space<hbm>> -> memref<1x64xf32, #tpu.memory_space<hbm>>
      %dma_start3A_255 = arith.constant 0 : i32
      %dma_start3A_256 = tpu.memref_slice %arg7[%add3A_250, %dma_start3A_255] : memref<128x64xf32, #tpu.memory_space<vmem>> -> memref<1x64xf32, #tpu.memory_space<vmem>>
      %dma_start3A_257 = arith.constant 0 : i32
      %dma_start3A_258 = tpu.memref_slice %arg4[%squeeze3A_246, %dma_start3A_257] : memref<1000000x64xf32, #tpu.memory_space<hbm>> -> memref<1x64xf32, #tpu.memory_space<hbm>>
      tpu.enqueue_dma source(%dma_start3A_258 : memref<1x64xf32, #tpu.memory_space<hbm>>) target(%dma_start3A_256 : memref<1x64xf32, #tpu.memory_space<vmem>>) target_semaphore(%arg10 : memref<!tpu.dma_semaphore, #tpu.memory_space<semaphore_mem>>)
      %slice3A_259 = vector.extract_strided_slice %get3A_120 {offsets = [10], sizes = [1], strides = [1]} : vector<16xi32> to vector<1xi32>
      %squeeze3A_260 = vector.extract %slice3A_259[0] : i32 from vector<1xi32>
      %mul3A_261 = arith.constant 16 : i32
      %mul3A_262 = arith.muli %scan3A_114, %mul3A_261 : i32
      %add3A_263 = arith.constant 10 : i32
      %add3A_264 = arith.addi %mul3A_262, %add3A_263 : i32
      %dma_start3A_265 = arith.constant 0 : i32
      %dma_start3A_266 = tpu.memref_slice %arg7[%add3A_264, %dma_start3A_265] : memref<128x64xf32, #tpu.memory_space<vmem>> -> memref<1x64xf32, #tpu.memory_space<vmem>>
      %dma_start3A_267 = arith.constant 0 : i32
      %dma_start3A_268 = tpu.memref_slice %arg4[%squeeze3A_260, %dma_start3A_267] : memref<1000000x64xf32, #tpu.memory_space<hbm>> -> memref<1x64xf32, #tpu.memory_space<hbm>>
      %dma_start3A_269 = arith.constant 0 : i32
      %dma_start3A_270 = tpu.memref_slice %arg7[%add3A_264, %dma_start3A_269] : memref<128x64xf32, #tpu.memory_space<vmem>> -> memref<1x64xf32, #tpu.memory_space<vmem>>
      %dma_start3A_271 = arith.constant 0 : i32
      %dma_start3A_272 = tpu.memref_slice %arg4[%squeeze3A_260, %dma_start3A_271] : memref<1000000x64xf32, #tpu.memory_space<hbm>> -> memref<1x64xf32, #tpu.memory_space<hbm>>
      tpu.enqueue_dma source(%dma_start3A_272 : memref<1x64xf32, #tpu.memory_space<hbm>>) target(%dma_start3A_270 : memref<1x64xf32, #tpu.memory_space<vmem>>) target_semaphore(%arg10 : memref<!tpu.dma_semaphore, #tpu.memory_space<semaphore_mem>>)
      %slice3A_273 = vector.extract_strided_slice %get3A_120 {offsets = [11], sizes = [1], strides = [1]} : vector<16xi32> to vector<1xi32>
      %squeeze3A_274 = vector.extract %slice3A_273[0] : i32 from vector<1xi32>
      %mul3A_275 = arith.constant 16 : i32
      %mul3A_276 = arith.muli %scan3A_114, %mul3A_275 : i32
      %add3A_277 = arith.constant 11 : i32
      %add3A_278 = arith.addi %mul3A_276, %add3A_277 : i32
      %dma_start3A_279 = arith.constant 0 : i32
      %dma_start3A_280 = tpu.memref_slice %arg7[%add3A_278, %dma_start3A_279] : memref<128x64xf32, #tpu.memory_space<vmem>> -> memref<1x64xf32, #tpu.memory_space<vmem>>
      %dma_start3A_281 = arith.constant 0 : i32
      %dma_start3A_282 = tpu.memref_slice %arg4[%squeeze3A_274, %dma_start3A_281] : memref<1000000x64xf32, #tpu.memory_space<hbm>> -> memref<1x64xf32, #tpu.memory_space<hbm>>
      %dma_start3A_283 = arith.constant 0 : i32
      %dma_start3A_284 = tpu.memref_slice %arg7[%add3A_278, %dma_start3A_283] : memref<128x64xf32, #tpu.memory_space<vmem>> -> memref<1x64xf32, #tpu.memory_space<vmem>>
      %dma_start3A_285 = arith.constant 0 : i32
      %dma_start3A_286 = tpu.memref_slice %arg4[%squeeze3A_274, %dma_start3A_285] : memref<1000000x64xf32, #tpu.memory_space<hbm>> -> memref<1x64xf32, #tpu.memory_space<hbm>>
      tpu.enqueue_dma source(%dma_start3A_286 : memref<1x64xf32, #tpu.memory_space<hbm>>) target(%dma_start3A_284 : memref<1x64xf32, #tpu.memory_space<vmem>>) target_semaphore(%arg10 : memref<!tpu.dma_semaphore, #tpu.memory_space<semaphore_mem>>)
      %slice3A_287 = vector.extract_strided_slice %get3A_120 {offsets = [12], sizes = [1], strides = [1]} : vector<16xi32> to vector<1xi32>
      %squeeze3A_288 = vector.extract %slice3A_287[0] : i32 from vector<1xi32>
      %mul3A_289 = arith.constant 16 : i32
      %mul3A_290 = arith.muli %scan3A_114, %mul3A_289 : i32
      %add3A_291 = arith.constant 12 : i32
      %add3A_292 = arith.addi %mul3A_290, %add3A_291 : i32
      %dma_start3A_293 = arith.constant 0 : i32
      %dma_start3A_294 = tpu.memref_slice %arg7[%add3A_292, %dma_start3A_293] : memref<128x64xf32, #tpu.memory_space<vmem>> -> memref<1x64xf32, #tpu.memory_space<vmem>>
      %dma_start3A_295 = arith.constant 0 : i32
      %dma_start3A_296 = tpu.memref_slice %arg4[%squeeze3A_288, %dma_start3A_295] : memref<1000000x64xf32, #tpu.memory_space<hbm>> -> memref<1x64xf32, #tpu.memory_space<hbm>>
      %dma_start3A_297 = arith.constant 0 : i32
      %dma_start3A_298 = tpu.memref_slice %arg7[%add3A_292, %dma_start3A_297] : memref<128x64xf32, #tpu.memory_space<vmem>> -> memref<1x64xf32, #tpu.memory_space<vmem>>
      %dma_start3A_299 = arith.constant 0 : i32
      %dma_start3A_300 = tpu.memref_slice %arg4[%squeeze3A_288, %dma_start3A_299] : memref<1000000x64xf32, #tpu.memory_space<hbm>> -> memref<1x64xf32, #tpu.memory_space<hbm>>
      tpu.enqueue_dma source(%dma_start3A_300 : memref<1x64xf32, #tpu.memory_space<hbm>>) target(%dma_start3A_298 : memref<1x64xf32, #tpu.memory_space<vmem>>) target_semaphore(%arg10 : memref<!tpu.dma_semaphore, #tpu.memory_space<semaphore_mem>>)
      %slice3A_301 = vector.extract_strided_slice %get3A_120 {offsets = [13], sizes = [1], strides = [1]} : vector<16xi32> to vector<1xi32>
      %squeeze3A_302 = vector.extract %slice3A_301[0] : i32 from vector<1xi32>
      %mul3A_303 = arith.constant 16 : i32
      %mul3A_304 = arith.muli %scan3A_114, %mul3A_303 : i32
      %add3A_305 = arith.constant 13 : i32
      %add3A_306 = arith.addi %mul3A_304, %add3A_305 : i32
      %dma_start3A_307 = arith.constant 0 : i32
      %dma_start3A_308 = tpu.memref_slice %arg7[%add3A_306, %dma_start3A_307] : memref<128x64xf32, #tpu.memory_space<vmem>> -> memref<1x64xf32, #tpu.memory_space<vmem>>
      %dma_start3A_309 = arith.constant 0 : i32
      %dma_start3A_310 = tpu.memref_slice %arg4[%squeeze3A_302, %dma_start3A_309] : memref<1000000x64xf32, #tpu.memory_space<hbm>> -> memref<1x64xf32, #tpu.memory_space<hbm>>
      %dma_start3A_311 = arith.constant 0 : i32
      %dma_start3A_312 = tpu.memref_slice %arg7[%add3A_306, %dma_start3A_311] : memref<128x64xf32, #tpu.memory_space<vmem>> -> memref<1x64xf32, #tpu.memory_space<vmem>>
      %dma_start3A_313 = arith.constant 0 : i32
      %dma_start3A_314 = tpu.memref_slice %arg4[%squeeze3A_302, %dma_start3A_313] : memref<1000000x64xf32, #tpu.memory_space<hbm>> -> memref<1x64xf32, #tpu.memory_space<hbm>>
      tpu.enqueue_dma source(%dma_start3A_314 : memref<1x64xf32, #tpu.memory_space<hbm>>) target(%dma_start3A_312 : memref<1x64xf32, #tpu.memory_space<vmem>>) target_semaphore(%arg10 : memref<!tpu.dma_semaphore, #tpu.memory_space<semaphore_mem>>)
      %slice3A_315 = vector.extract_strided_slice %get3A_120 {offsets = [14], sizes = [1], strides = [1]} : vector<16xi32> to vector<1xi32>
      %squeeze3A_316 = vector.extract %slice3A_315[0] : i32 from vector<1xi32>
      %mul3A_317 = arith.constant 16 : i32
      %mul3A_318 = arith.muli %scan3A_114, %mul3A_317 : i32
      %add3A_319 = arith.constant 14 : i32
      %add3A_320 = arith.addi %mul3A_318, %add3A_319 : i32
      %dma_start3A_321 = arith.constant 0 : i32
      %dma_start3A_322 = tpu.memref_slice %arg7[%add3A_320, %dma_start3A_321] : memref<128x64xf32, #tpu.memory_space<vmem>> -> memref<1x64xf32, #tpu.memory_space<vmem>>
      %dma_start3A_323 = arith.constant 0 : i32
      %dma_start3A_324 = tpu.memref_slice %arg4[%squeeze3A_316, %dma_start3A_323] : memref<1000000x64xf32, #tpu.memory_space<hbm>> -> memref<1x64xf32, #tpu.memory_space<hbm>>
      %dma_start3A_325 = arith.constant 0 : i32
      %dma_start3A_326 = tpu.memref_slice %arg7[%add3A_320, %dma_start3A_325] : memref<128x64xf32, #tpu.memory_space<vmem>> -> memref<1x64xf32, #tpu.memory_space<vmem>>
      %dma_start3A_327 = arith.constant 0 : i32
      %dma_start3A_328 = tpu.memref_slice %arg4[%squeeze3A_316, %dma_start3A_327] : memref<1000000x64xf32, #tpu.memory_space<hbm>> -> memref<1x64xf32, #tpu.memory_space<hbm>>
      tpu.enqueue_dma source(%dma_start3A_328 : memref<1x64xf32, #tpu.memory_space<hbm>>) target(%dma_start3A_326 : memref<1x64xf32, #tpu.memory_space<vmem>>) target_semaphore(%arg10 : memref<!tpu.dma_semaphore, #tpu.memory_space<semaphore_mem>>)
      %slice3A_329 = vector.extract_strided_slice %get3A_120 {offsets = [15], sizes = [1], strides = [1]} : vector<16xi32> to vector<1xi32>
      %squeeze3A_330 = vector.extract %slice3A_329[0] : i32 from vector<1xi32>
      %mul3A_331 = arith.constant 16 : i32
      %mul3A_332 = arith.muli %scan3A_114, %mul3A_331 : i32
      %add3A_333 = arith.constant 15 : i32
      %add3A_334 = arith.addi %mul3A_332, %add3A_333 : i32
      %dma_start3A_335 = arith.constant 0 : i32
      %dma_start3A_336 = tpu.memref_slice %arg7[%add3A_334, %dma_start3A_335] : memref<128x64xf32, #tpu.memory_space<vmem>> -> memref<1x64xf32, #tpu.memory_space<vmem>>
      %dma_start3A_337 = arith.constant 0 : i32
      %dma_start3A_338 = tpu.memref_slice %arg4[%squeeze3A_330, %dma_start3A_337] : memref<1000000x64xf32, #tpu.memory_space<hbm>> -> memref<1x64xf32, #tpu.memory_space<hbm>>
      %dma_start3A_339 = arith.constant 0 : i32
      %dma_start3A_340 = tpu.memref_slice %arg7[%add3A_334, %dma_start3A_339] : memref<128x64xf32, #tpu.memory_space<vmem>> -> memref<1x64xf32, #tpu.memory_space<vmem>>
      %dma_start3A_341 = arith.constant 0 : i32
      %dma_start3A_342 = tpu.memref_slice %arg4[%squeeze3A_330, %dma_start3A_341] : memref<1000000x64xf32, #tpu.memory_space<hbm>> -> memref<1x64xf32, #tpu.memory_space<hbm>>
      tpu.enqueue_dma source(%dma_start3A_342 : memref<1x64xf32, #tpu.memory_space<hbm>>) target(%dma_start3A_340 : memref<1x64xf32, #tpu.memory_space<vmem>>) target_semaphore(%arg10 : memref<!tpu.dma_semaphore, #tpu.memory_space<semaphore_mem>>)
    }
    %scan3A_69 = arith.constant 8 : i32
    %scan3A_70 = arith.constant 0 : i32
    %scan3A_71 = arith.constant 0 : i32
    %scan3A_72 = arith.constant 128 : i32
    %scan3A_73 = arith.addi %scan3A_71, %scan3A_72 : i32
    %scan3A_74 = arith.constant 1 : i32
    scf.for %scan3A_114 = %scan3A_71 to %scan3A_73 step %scan3A_74  : i32 {
      %dma_wait3A_115 = arith.constant 0 : i32
      %dma_wait3A_116 = arith.constant 0 : i32
      %dma_wait3A_117 = tpu.memref_slice %arg7[%dma_wait3A_115, %dma_wait3A_116] : memref<128x64xf32, #tpu.memory_space<vmem>> -> memref<1x64xf32, #tpu.memory_space<vmem>>
      %dma_wait3A_118 = arith.constant 0 : i32
      %dma_wait3A_119 = arith.constant 0 : i32
      %dma_wait3A_120 = tpu.memref_slice %arg4[%dma_wait3A_118, %dma_wait3A_119] : memref<1000000x64xf32, #tpu.memory_space<hbm>> -> memref<1x64xf32, #tpu.memory_space<hbm>>
      %dma_wait3A_121 = arith.constant 0 : i32
      %dma_wait3A_122 = arith.constant 0 : i32
      %dma_wait3A_123 = tpu.memref_slice %arg7[%dma_wait3A_121, %dma_wait3A_122] : memref<128x64xf32, #tpu.memory_space<vmem>> -> memref<1x64xf32, #tpu.memory_space<vmem>>
      %dma_wait3A_124 = arith.constant 0 : i32
      %dma_wait3A_125 = arith.constant 0 : i32
      %dma_wait3A_126 = tpu.memref_slice %arg4[%dma_wait3A_124, %dma_wait3A_125] : memref<1000000x64xf32, #tpu.memory_space<hbm>> -> memref<1x64xf32, #tpu.memory_space<hbm>>
      tpu.wait_dma2 semaphore(%arg10 : memref<!tpu.dma_semaphore, #tpu.memory_space<semaphore_mem>>) src(%dma_wait3A_126 : memref<1x64xf32, #tpu.memory_space<hbm>>) dst(%dma_wait3A_123 : memref<1x64xf32, #tpu.memory_space<vmem>>)
    }
    %scan3A_75 = arith.constant 128 : i32
    %dma_wait3A_76 = arith.constant 0 : i32
    %dma_wait3A_77 = tpu.memref_slice %arg3[%add3A_59, %dma_wait3A_76] : memref<16384x64xf32, #tpu.memory_space<hbm>> -> memref<128x64xf32, #tpu.memory_space<hbm>>
    %dma_wait3A_78 = arith.constant 0 : i32
    %dma_wait3A_79 = tpu.memref_slice %arg3[%add3A_59, %dma_wait3A_78] : memref<16384x64xf32, #tpu.memory_space<hbm>> -> memref<128x64xf32, #tpu.memory_space<hbm>>
    tpu.wait_dma2 semaphore(%arg11 : memref<!tpu.dma_semaphore, #tpu.memory_space<semaphore_mem>>) src(%dma_wait3A_79 : memref<128x64xf32, #tpu.memory_space<hbm>>) dst(%arg8 : memref<128x64xf32, #tpu.memory_space<vmem>>)
    %scan3A_80 = arith.constant 0 : i32
    %scan3A_81 = arith.constant 0 : i32
    %scan3A_82 = arith.constant 128 : i32
    %scan3A_83 = arith.addi %scan3A_81, %scan3A_82 : i32
    %scan3A_84 = arith.constant 1 : i32
    scf.for %scan3A_114 = %scan3A_81 to %scan3A_83 step %scan3A_84  : i32 {
      %get3A = arith.index_cast %scan3A_114 : i32 to index
      %get3A_115 = arith.constant 0 : index
      %get3A_116 = tpu.vector_load %arg7[%get3A, %get3A_115] {strides = array<i32>} : memref<128x64xf32, #tpu.memory_space<vmem>>, vector<1x16xf32>,
      %get3A_117 = vector.shape_cast %get3A_116 : vector<1x16xf32> to vector<16xf32>
      %swap3A = arith.index_cast %scan3A_114 : i32 to index
      %swap3A_118 = arith.constant 0 : index
      %swap3A_119 = tpu.vector_load %arg9[%swap3A, %swap3A_118] {strides = array<i32>} : memref<128x128xf32, #tpu.memory_space<vmem>>, vector<1x16xf32>,
      %swap3A_120 = vector.shape_cast %swap3A_119 : vector<1x16xf32> to vector<16xf32>
      %swap3A_121 = vector.shape_cast %get3A_117 : vector<16xf32> to vector<1x16xf32>
      tpu.vector_store %arg9[%swap3A, %swap3A_118], %swap3A_121 {strides = array<i32>} : memref<128x128xf32, #tpu.memory_space<vmem>>, vector<1x16xf32>,
      %get3A_122 = arith.index_cast %scan3A_114 : i32 to index
      %get3A_123 = arith.constant 0 : index
      %get3A_124 = tpu.vector_load %arg8[%get3A_122, %get3A_123] {strides = array<i32>} : memref<128x64xf32, #tpu.memory_space<vmem>>, vector<1x16xf32>,
      %get3A_125 = vector.shape_cast %get3A_124 : vector<1x16xf32> to vector<16xf32>
      %swap3A_126 = arith.index_cast %scan3A_114 : i32 to index
      %swap3A_127 = arith.constant 64 : index
      %swap3A_128 = tpu.vector_load %arg9[%swap3A_126, %swap3A_127] {strides = array<i32>} : memref<128x128xf32, #tpu.memory_space<vmem>>, vector<1x16xf32>,
      %swap3A_129 = vector.shape_cast %swap3A_128 : vector<1x16xf32> to vector<16xf32>
      %swap3A_130 = vector.shape_cast %get3A_125 : vector<16xf32> to vector<1x16xf32>
      tpu.vector_store %arg9[%swap3A_126, %swap3A_127], %swap3A_130 {strides = array<i32>} : memref<128x128xf32, #tpu.memory_space<vmem>>, vector<1x16xf32>,
      %get3A_131 = arith.index_cast %scan3A_114 : i32 to index
      %get3A_132 = arith.constant 16 : index
      %get3A_133 = tpu.vector_load %arg7[%get3A_131, %get3A_132] {strides = array<i32>} : memref<128x64xf32, #tpu.memory_space<vmem>>, vector<1x16xf32>,
      %get3A_134 = vector.shape_cast %get3A_133 : vector<1x16xf32> to vector<16xf32>
      %swap3A_135 = arith.index_cast %scan3A_114 : i32 to index
      %swap3A_136 = arith.constant 16 : index
      %swap3A_137 = tpu.vector_load %arg9[%swap3A_135, %swap3A_136] {strides = array<i32>} : memref<128x128xf32, #tpu.memory_space<vmem>>, vector<1x16xf32>,
      %swap3A_138 = vector.shape_cast %swap3A_137 : vector<1x16xf32> to vector<16xf32>
      %swap3A_139 = vector.shape_cast %get3A_134 : vector<16xf32> to vector<1x16xf32>
      tpu.vector_store %arg9[%swap3A_135, %swap3A_136], %swap3A_139 {strides = array<i32>} : memref<128x128xf32, #tpu.memory_space<vmem>>, vector<1x16xf32>,
      %get3A_140 = arith.index_cast %scan3A_114 : i32 to index
      %get3A_141 = arith.constant 16 : index
      %get3A_142 = tpu.vector_load %arg8[%get3A_140, %get3A_141] {strides = array<i32>} : memref<128x64xf32, #tpu.memory_space<vmem>>, vector<1x16xf32>,
      %get3A_143 = vector.shape_cast %get3A_142 : vector<1x16xf32> to vector<16xf32>
      %swap3A_144 = arith.index_cast %scan3A_114 : i32 to index
      %swap3A_145 = arith.constant 80 : index
      %swap3A_146 = tpu.vector_load %arg9[%swap3A_144, %swap3A_145] {strides = array<i32>} : memref<128x128xf32, #tpu.memory_space<vmem>>, vector<1x16xf32>,
      %swap3A_147 = vector.shape_cast %swap3A_146 : vector<1x16xf32> to vector<16xf32>
      %swap3A_148 = vector.shape_cast %get3A_143 : vector<16xf32> to vector<1x16xf32>
      tpu.vector_store %arg9[%swap3A_144, %swap3A_145], %swap3A_148 {strides = array<i32>} : memref<128x128xf32, #tpu.memory_space<vmem>>, vector<1x16xf32>,
      %get3A_149 = arith.index_cast %scan3A_114 : i32 to index
      %get3A_150 = arith.constant 32 : index
      %get3A_151 = tpu.vector_load %arg7[%get3A_149, %get3A_150] {strides = array<i32>} : memref<128x64xf32, #tpu.memory_space<vmem>>, vector<1x16xf32>,
      %get3A_152 = vector.shape_cast %get3A_151 : vector<1x16xf32> to vector<16xf32>
      %swap3A_153 = arith.index_cast %scan3A_114 : i32 to index
      %swap3A_154 = arith.constant 32 : index
      %swap3A_155 = tpu.vector_load %arg9[%swap3A_153, %swap3A_154] {strides = array<i32>} : memref<128x128xf32, #tpu.memory_space<vmem>>, vector<1x16xf32>,
      %swap3A_156 = vector.shape_cast %swap3A_155 : vector<1x16xf32> to vector<16xf32>
      %swap3A_157 = vector.shape_cast %get3A_152 : vector<16xf32> to vector<1x16xf32>
      tpu.vector_store %arg9[%swap3A_153, %swap3A_154], %swap3A_157 {strides = array<i32>} : memref<128x128xf32, #tpu.memory_space<vmem>>, vector<1x16xf32>,
      %get3A_158 = arith.index_cast %scan3A_114 : i32 to index
      %get3A_159 = arith.constant 32 : index
      %get3A_160 = tpu.vector_load %arg8[%get3A_158, %get3A_159] {strides = array<i32>} : memref<128x64xf32, #tpu.memory_space<vmem>>, vector<1x16xf32>,
      %get3A_161 = vector.shape_cast %get3A_160 : vector<1x16xf32> to vector<16xf32>
      %swap3A_162 = arith.index_cast %scan3A_114 : i32 to index
      %swap3A_163 = arith.constant 96 : index
      %swap3A_164 = tpu.vector_load %arg9[%swap3A_162, %swap3A_163] {strides = array<i32>} : memref<128x128xf32, #tpu.memory_space<vmem>>, vector<1x16xf32>,
      %swap3A_165 = vector.shape_cast %swap3A_164 : vector<1x16xf32> to vector<16xf32>
      %swap3A_166 = vector.shape_cast %get3A_161 : vector<16xf32> to vector<1x16xf32>
      tpu.vector_store %arg9[%swap3A_162, %swap3A_163], %swap3A_166 {strides = array<i32>} : memref<128x128xf32, #tpu.memory_space<vmem>>, vector<1x16xf32>,
      %get3A_167 = arith.index_cast %scan3A_114 : i32 to index
      %get3A_168 = arith.constant 48 : index
      %get3A_169 = tpu.vector_load %arg7[%get3A_167, %get3A_168] {strides = array<i32>} : memref<128x64xf32, #tpu.memory_space<vmem>>, vector<1x16xf32>,
      %get3A_170 = vector.shape_cast %get3A_169 : vector<1x16xf32> to vector<16xf32>
      %swap3A_171 = arith.index_cast %scan3A_114 : i32 to index
      %swap3A_172 = arith.constant 48 : index
      %swap3A_173 = tpu.vector_load %arg9[%swap3A_171, %swap3A_172] {strides = array<i32>} : memref<128x128xf32, #tpu.memory_space<vmem>>, vector<1x16xf32>,
      %swap3A_174 = vector.shape_cast %swap3A_173 : vector<1x16xf32> to vector<16xf32>
      %swap3A_175 = vector.shape_cast %get3A_170 : vector<16xf32> to vector<1x16xf32>
      tpu.vector_store %arg9[%swap3A_171, %swap3A_172], %swap3A_175 {strides = array<i32>} : memref<128x128xf32, #tpu.memory_space<vmem>>, vector<1x16xf32>,
      %get3A_176 = arith.index_cast %scan3A_114 : i32 to index
      %get3A_177 = arith.constant 48 : index
      %get3A_178 = tpu.vector_load %arg8[%get3A_176, %get3A_177] {strides = array<i32>} : memref<128x64xf32, #tpu.memory_space<vmem>>, vector<1x16xf32>,
      %get3A_179 = vector.shape_cast %get3A_178 : vector<1x16xf32> to vector<16xf32>
      %swap3A_180 = arith.index_cast %scan3A_114 : i32 to index
      %swap3A_181 = arith.constant 112 : index
      %swap3A_182 = tpu.vector_load %arg9[%swap3A_180, %swap3A_181] {strides = array<i32>} : memref<128x128xf32, #tpu.memory_space<vmem>>, vector<1x16xf32>,
      %swap3A_183 = vector.shape_cast %swap3A_182 : vector<1x16xf32> to vector<16xf32>
      %swap3A_184 = vector.shape_cast %get3A_179 : vector<16xf32> to vector<1x16xf32>
      tpu.vector_store %arg9[%swap3A_180, %swap3A_181], %swap3A_184 {strides = array<i32>} : memref<128x128xf32, #tpu.memory_space<vmem>>, vector<1x16xf32>,
    }
    %scan3A_85 = arith.constant 128 : i32
    "tpu.region"() ({
      %run_scoped3A = tpu.sem_alloc : memref<!tpu.dma_semaphore, #tpu.memory_space<semaphore_mem>>
      %dma_start3A_114 = arith.constant 0 : i32
      %dma_start3A_115 = tpu.memref_slice %arg5[%add3A_59, %dma_start3A_114] : memref<16384x128xf32, #tpu.memory_space<hbm>> -> memref<128x128xf32, #tpu.memory_space<hbm>>
      %dma_start3A_116 = arith.constant 0 : i32
      %dma_start3A_117 = tpu.memref_slice %arg5[%add3A_59, %dma_start3A_116] : memref<16384x128xf32, #tpu.memory_space<hbm>> -> memref<128x128xf32, #tpu.memory_space<hbm>>
      tpu.enqueue_dma source(%arg9 : memref<128x128xf32, #tpu.memory_space<vmem>>) target(%dma_start3A_117 : memref<128x128xf32, #tpu.memory_space<hbm>>) target_semaphore(%run_scoped3A : memref<!tpu.dma_semaphore, #tpu.memory_space<semaphore_mem>>)
      %dma_wait3A_118 = arith.constant 0 : i32
      %dma_wait3A_119 = tpu.memref_slice %arg5[%add3A_59, %dma_wait3A_118] : memref<16384x128xf32, #tpu.memory_space<hbm>> -> memref<128x128xf32, #tpu.memory_space<hbm>>
      %dma_wait3A_120 = arith.constant 0 : i32
      %dma_wait3A_121 = tpu.memref_slice %arg5[%add3A_59, %dma_wait3A_120] : memref<16384x128xf32, #tpu.memory_space<hbm>> -> memref<128x128xf32, #tpu.memory_space<hbm>>
      tpu.wait_dma2 semaphore(%run_scoped3A : memref<!tpu.dma_semaphore, #tpu.memory_space<semaphore_mem>>) src(%arg9 : memref<128x128xf32, #tpu.memory_space<vmem>>) dst(%dma_wait3A_121 : memref<128x128xf32, #tpu.memory_space<hbm>>)
      tpu.yield
    }) : () -> ()
    %add3A_86 = arith.constant 384 : i32
    %add3A_87 = arith.addi %mul3A_2, %add3A_86 : i32
    %dma_start3A_88 = arith.constant 0 : i32
    %dma_start3A_89 = tpu.memref_slice %arg3[%add3A_87, %dma_start3A_88] : memref<16384x64xf32, #tpu.memory_space<hbm>> -> memref<128x64xf32, #tpu.memory_space<hbm>>
    %dma_start3A_90 = arith.constant 0 : i32
    %dma_start3A_91 = tpu.memref_slice %arg3[%add3A_87, %dma_start3A_90] : memref<16384x64xf32, #tpu.memory_space<hbm>> -> memref<128x64xf32, #tpu.memory_space<hbm>>
    tpu.enqueue_dma source(%dma_start3A_91 : memref<128x64xf32, #tpu.memory_space<hbm>>) target(%arg8 : memref<128x64xf32, #tpu.memory_space<vmem>>) target_semaphore(%arg11 : memref<!tpu.dma_semaphore, #tpu.memory_space<semaphore_mem>>)
    %scan3A_92 = arith.constant 0 : i32
    %scan3A_93 = arith.constant 0 : i32
    %scan3A_94 = arith.constant 8 : i32
    %scan3A_95 = arith.addi %scan3A_93, %scan3A_94 : i32
    %scan3A_96 = arith.constant 1 : i32
    scf.for %scan3A_114 = %scan3A_93 to %scan3A_95 step %scan3A_96  : i32 {
      %mul3A_115 = arith.constant 16 : i32
      %mul3A_116 = arith.muli %scan3A_114, %mul3A_115 : i32
      %get3A = arith.constant 3 : i32
      %get3A_117 = arith.index_cast %get3A : i32 to index
      %get3A_118 = arith.index_cast %mul3A_116 : i32 to index
      %get3A_119 = tpu.vector_load %arg6[%get3A_117, %get3A_118] {strides = array<i32>} : memref<4x128xi32, #tpu.memory_space<vmem>>, vector<1x16xi32>,
      %get3A_120 = vector.shape_cast %get3A_119 : vector<1x16xi32> to vector<16xi32>
      %slice3A = vector.extract_strided_slice %get3A_120 {offsets = [0], sizes = [1], strides = [1]} : vector<16xi32> to vector<1xi32>
      %squeeze3A = vector.extract %slice3A[0] : i32 from vector<1xi32>
      %mul3A_121 = arith.constant 16 : i32
      %mul3A_122 = arith.muli %scan3A_114, %mul3A_121 : i32
      %add3A_123 = arith.constant 0 : i32
      %add3A_124 = arith.addi %mul3A_122, %add3A_123 : i32
      %dma_start3A_125 = arith.constant 0 : i32
      %dma_start3A_126 = tpu.memref_slice %arg7[%add3A_124, %dma_start3A_125] : memref<128x64xf32, #tpu.memory_space<vmem>> -> memref<1x64xf32, #tpu.memory_space<vmem>>
      %dma_start3A_127 = arith.constant 0 : i32
      %dma_start3A_128 = tpu.memref_slice %arg4[%squeeze3A, %dma_start3A_127] : memref<1000000x64xf32, #tpu.memory_space<hbm>> -> memref<1x64xf32, #tpu.memory_space<hbm>>
      %dma_start3A_129 = arith.constant 0 : i32
      %dma_start3A_130 = tpu.memref_slice %arg7[%add3A_124, %dma_start3A_129] : memref<128x64xf32, #tpu.memory_space<vmem>> -> memref<1x64xf32, #tpu.memory_space<vmem>>
      %dma_start3A_131 = arith.constant 0 : i32
      %dma_start3A_132 = tpu.memref_slice %arg4[%squeeze3A, %dma_start3A_131] : memref<1000000x64xf32, #tpu.memory_space<hbm>> -> memref<1x64xf32, #tpu.memory_space<hbm>>
      tpu.enqueue_dma source(%dma_start3A_132 : memref<1x64xf32, #tpu.memory_space<hbm>>) target(%dma_start3A_130 : memref<1x64xf32, #tpu.memory_space<vmem>>) target_semaphore(%arg10 : memref<!tpu.dma_semaphore, #tpu.memory_space<semaphore_mem>>)
      %slice3A_133 = vector.extract_strided_slice %get3A_120 {offsets = [1], sizes = [1], strides = [1]} : vector<16xi32> to vector<1xi32>
      %squeeze3A_134 = vector.extract %slice3A_133[0] : i32 from vector<1xi32>
      %mul3A_135 = arith.constant 16 : i32
      %mul3A_136 = arith.muli %scan3A_114, %mul3A_135 : i32
      %add3A_137 = arith.constant 1 : i32
      %add3A_138 = arith.addi %mul3A_136, %add3A_137 : i32
      %dma_start3A_139 = arith.constant 0 : i32
      %dma_start3A_140 = tpu.memref_slice %arg7[%add3A_138, %dma_start3A_139] : memref<128x64xf32, #tpu.memory_space<vmem>> -> memref<1x64xf32, #tpu.memory_space<vmem>>
      %dma_start3A_141 = arith.constant 0 : i32
      %dma_start3A_142 = tpu.memref_slice %arg4[%squeeze3A_134, %dma_start3A_141] : memref<1000000x64xf32, #tpu.memory_space<hbm>> -> memref<1x64xf32, #tpu.memory_space<hbm>>
      %dma_start3A_143 = arith.constant 0 : i32
      %dma_start3A_144 = tpu.memref_slice %arg7[%add3A_138, %dma_start3A_143] : memref<128x64xf32, #tpu.memory_space<vmem>> -> memref<1x64xf32, #tpu.memory_space<vmem>>
      %dma_start3A_145 = arith.constant 0 : i32
      %dma_start3A_146 = tpu.memref_slice %arg4[%squeeze3A_134, %dma_start3A_145] : memref<1000000x64xf32, #tpu.memory_space<hbm>> -> memref<1x64xf32, #tpu.memory_space<hbm>>
      tpu.enqueue_dma source(%dma_start3A_146 : memref<1x64xf32, #tpu.memory_space<hbm>>) target(%dma_start3A_144 : memref<1x64xf32, #tpu.memory_space<vmem>>) target_semaphore(%arg10 : memref<!tpu.dma_semaphore, #tpu.memory_space<semaphore_mem>>)
      %slice3A_147 = vector.extract_strided_slice %get3A_120 {offsets = [2], sizes = [1], strides = [1]} : vector<16xi32> to vector<1xi32>
      %squeeze3A_148 = vector.extract %slice3A_147[0] : i32 from vector<1xi32>
      %mul3A_149 = arith.constant 16 : i32
      %mul3A_150 = arith.muli %scan3A_114, %mul3A_149 : i32
      %add3A_151 = arith.constant 2 : i32
      %add3A_152 = arith.addi %mul3A_150, %add3A_151 : i32
      %dma_start3A_153 = arith.constant 0 : i32
      %dma_start3A_154 = tpu.memref_slice %arg7[%add3A_152, %dma_start3A_153] : memref<128x64xf32, #tpu.memory_space<vmem>> -> memref<1x64xf32, #tpu.memory_space<vmem>>
      %dma_start3A_155 = arith.constant 0 : i32
      %dma_start3A_156 = tpu.memref_slice %arg4[%squeeze3A_148, %dma_start3A_155] : memref<1000000x64xf32, #tpu.memory_space<hbm>> -> memref<1x64xf32, #tpu.memory_space<hbm>>
      %dma_start3A_157 = arith.constant 0 : i32
      %dma_start3A_158 = tpu.memref_slice %arg7[%add3A_152, %dma_start3A_157] : memref<128x64xf32, #tpu.memory_space<vmem>> -> memref<1x64xf32, #tpu.memory_space<vmem>>
      %dma_start3A_159 = arith.constant 0 : i32
      %dma_start3A_160 = tpu.memref_slice %arg4[%squeeze3A_148, %dma_start3A_159] : memref<1000000x64xf32, #tpu.memory_space<hbm>> -> memref<1x64xf32, #tpu.memory_space<hbm>>
      tpu.enqueue_dma source(%dma_start3A_160 : memref<1x64xf32, #tpu.memory_space<hbm>>) target(%dma_start3A_158 : memref<1x64xf32, #tpu.memory_space<vmem>>) target_semaphore(%arg10 : memref<!tpu.dma_semaphore, #tpu.memory_space<semaphore_mem>>)
      %slice3A_161 = vector.extract_strided_slice %get3A_120 {offsets = [3], sizes = [1], strides = [1]} : vector<16xi32> to vector<1xi32>
      %squeeze3A_162 = vector.extract %slice3A_161[0] : i32 from vector<1xi32>
      %mul3A_163 = arith.constant 16 : i32
      %mul3A_164 = arith.muli %scan3A_114, %mul3A_163 : i32
      %add3A_165 = arith.constant 3 : i32
      %add3A_166 = arith.addi %mul3A_164, %add3A_165 : i32
      %dma_start3A_167 = arith.constant 0 : i32
      %dma_start3A_168 = tpu.memref_slice %arg7[%add3A_166, %dma_start3A_167] : memref<128x64xf32, #tpu.memory_space<vmem>> -> memref<1x64xf32, #tpu.memory_space<vmem>>
      %dma_start3A_169 = arith.constant 0 : i32
      %dma_start3A_170 = tpu.memref_slice %arg4[%squeeze3A_162, %dma_start3A_169] : memref<1000000x64xf32, #tpu.memory_space<hbm>> -> memref<1x64xf32, #tpu.memory_space<hbm>>
      %dma_start3A_171 = arith.constant 0 : i32
      %dma_start3A_172 = tpu.memref_slice %arg7[%add3A_166, %dma_start3A_171] : memref<128x64xf32, #tpu.memory_space<vmem>> -> memref<1x64xf32, #tpu.memory_space<vmem>>
      %dma_start3A_173 = arith.constant 0 : i32
      %dma_start3A_174 = tpu.memref_slice %arg4[%squeeze3A_162, %dma_start3A_173] : memref<1000000x64xf32, #tpu.memory_space<hbm>> -> memref<1x64xf32, #tpu.memory_space<hbm>>
      tpu.enqueue_dma source(%dma_start3A_174 : memref<1x64xf32, #tpu.memory_space<hbm>>) target(%dma_start3A_172 : memref<1x64xf32, #tpu.memory_space<vmem>>) target_semaphore(%arg10 : memref<!tpu.dma_semaphore, #tpu.memory_space<semaphore_mem>>)
      %slice3A_175 = vector.extract_strided_slice %get3A_120 {offsets = [4], sizes = [1], strides = [1]} : vector<16xi32> to vector<1xi32>
      %squeeze3A_176 = vector.extract %slice3A_175[0] : i32 from vector<1xi32>
      %mul3A_177 = arith.constant 16 : i32
      %mul3A_178 = arith.muli %scan3A_114, %mul3A_177 : i32
      %add3A_179 = arith.constant 4 : i32
      %add3A_180 = arith.addi %mul3A_178, %add3A_179 : i32
      %dma_start3A_181 = arith.constant 0 : i32
      %dma_start3A_182 = tpu.memref_slice %arg7[%add3A_180, %dma_start3A_181] : memref<128x64xf32, #tpu.memory_space<vmem>> -> memref<1x64xf32, #tpu.memory_space<vmem>>
      %dma_start3A_183 = arith.constant 0 : i32
      %dma_start3A_184 = tpu.memref_slice %arg4[%squeeze3A_176, %dma_start3A_183] : memref<1000000x64xf32, #tpu.memory_space<hbm>> -> memref<1x64xf32, #tpu.memory_space<hbm>>
      %dma_start3A_185 = arith.constant 0 : i32
      %dma_start3A_186 = tpu.memref_slice %arg7[%add3A_180, %dma_start3A_185] : memref<128x64xf32, #tpu.memory_space<vmem>> -> memref<1x64xf32, #tpu.memory_space<vmem>>
      %dma_start3A_187 = arith.constant 0 : i32
      %dma_start3A_188 = tpu.memref_slice %arg4[%squeeze3A_176, %dma_start3A_187] : memref<1000000x64xf32, #tpu.memory_space<hbm>> -> memref<1x64xf32, #tpu.memory_space<hbm>>
      tpu.enqueue_dma source(%dma_start3A_188 : memref<1x64xf32, #tpu.memory_space<hbm>>) target(%dma_start3A_186 : memref<1x64xf32, #tpu.memory_space<vmem>>) target_semaphore(%arg10 : memref<!tpu.dma_semaphore, #tpu.memory_space<semaphore_mem>>)
      %slice3A_189 = vector.extract_strided_slice %get3A_120 {offsets = [5], sizes = [1], strides = [1]} : vector<16xi32> to vector<1xi32>
      %squeeze3A_190 = vector.extract %slice3A_189[0] : i32 from vector<1xi32>
      %mul3A_191 = arith.constant 16 : i32
      %mul3A_192 = arith.muli %scan3A_114, %mul3A_191 : i32
      %add3A_193 = arith.constant 5 : i32
      %add3A_194 = arith.addi %mul3A_192, %add3A_193 : i32
      %dma_start3A_195 = arith.constant 0 : i32
      %dma_start3A_196 = tpu.memref_slice %arg7[%add3A_194, %dma_start3A_195] : memref<128x64xf32, #tpu.memory_space<vmem>> -> memref<1x64xf32, #tpu.memory_space<vmem>>
      %dma_start3A_197 = arith.constant 0 : i32
      %dma_start3A_198 = tpu.memref_slice %arg4[%squeeze3A_190, %dma_start3A_197] : memref<1000000x64xf32, #tpu.memory_space<hbm>> -> memref<1x64xf32, #tpu.memory_space<hbm>>
      %dma_start3A_199 = arith.constant 0 : i32
      %dma_start3A_200 = tpu.memref_slice %arg7[%add3A_194, %dma_start3A_199] : memref<128x64xf32, #tpu.memory_space<vmem>> -> memref<1x64xf32, #tpu.memory_space<vmem>>
      %dma_start3A_201 = arith.constant 0 : i32
      %dma_start3A_202 = tpu.memref_slice %arg4[%squeeze3A_190, %dma_start3A_201] : memref<1000000x64xf32, #tpu.memory_space<hbm>> -> memref<1x64xf32, #tpu.memory_space<hbm>>
      tpu.enqueue_dma source(%dma_start3A_202 : memref<1x64xf32, #tpu.memory_space<hbm>>) target(%dma_start3A_200 : memref<1x64xf32, #tpu.memory_space<vmem>>) target_semaphore(%arg10 : memref<!tpu.dma_semaphore, #tpu.memory_space<semaphore_mem>>)
      %slice3A_203 = vector.extract_strided_slice %get3A_120 {offsets = [6], sizes = [1], strides = [1]} : vector<16xi32> to vector<1xi32>
      %squeeze3A_204 = vector.extract %slice3A_203[0] : i32 from vector<1xi32>
      %mul3A_205 = arith.constant 16 : i32
      %mul3A_206 = arith.muli %scan3A_114, %mul3A_205 : i32
      %add3A_207 = arith.constant 6 : i32
      %add3A_208 = arith.addi %mul3A_206, %add3A_207 : i32
      %dma_start3A_209 = arith.constant 0 : i32
      %dma_start3A_210 = tpu.memref_slice %arg7[%add3A_208, %dma_start3A_209] : memref<128x64xf32, #tpu.memory_space<vmem>> -> memref<1x64xf32, #tpu.memory_space<vmem>>
      %dma_start3A_211 = arith.constant 0 : i32
      %dma_start3A_212 = tpu.memref_slice %arg4[%squeeze3A_204, %dma_start3A_211] : memref<1000000x64xf32, #tpu.memory_space<hbm>> -> memref<1x64xf32, #tpu.memory_space<hbm>>
      %dma_start3A_213 = arith.constant 0 : i32
      %dma_start3A_214 = tpu.memref_slice %arg7[%add3A_208, %dma_start3A_213] : memref<128x64xf32, #tpu.memory_space<vmem>> -> memref<1x64xf32, #tpu.memory_space<vmem>>
      %dma_start3A_215 = arith.constant 0 : i32
      %dma_start3A_216 = tpu.memref_slice %arg4[%squeeze3A_204, %dma_start3A_215] : memref<1000000x64xf32, #tpu.memory_space<hbm>> -> memref<1x64xf32, #tpu.memory_space<hbm>>
      tpu.enqueue_dma source(%dma_start3A_216 : memref<1x64xf32, #tpu.memory_space<hbm>>) target(%dma_start3A_214 : memref<1x64xf32, #tpu.memory_space<vmem>>) target_semaphore(%arg10 : memref<!tpu.dma_semaphore, #tpu.memory_space<semaphore_mem>>)
      %slice3A_217 = vector.extract_strided_slice %get3A_120 {offsets = [7], sizes = [1], strides = [1]} : vector<16xi32> to vector<1xi32>
      %squeeze3A_218 = vector.extract %slice3A_217[0] : i32 from vector<1xi32>
      %mul3A_219 = arith.constant 16 : i32
      %mul3A_220 = arith.muli %scan3A_114, %mul3A_219 : i32
      %add3A_221 = arith.constant 7 : i32
      %add3A_222 = arith.addi %mul3A_220, %add3A_221 : i32
      %dma_start3A_223 = arith.constant 0 : i32
      %dma_start3A_224 = tpu.memref_slice %arg7[%add3A_222, %dma_start3A_223] : memref<128x64xf32, #tpu.memory_space<vmem>> -> memref<1x64xf32, #tpu.memory_space<vmem>>
      %dma_start3A_225 = arith.constant 0 : i32
      %dma_start3A_226 = tpu.memref_slice %arg4[%squeeze3A_218, %dma_start3A_225] : memref<1000000x64xf32, #tpu.memory_space<hbm>> -> memref<1x64xf32, #tpu.memory_space<hbm>>
      %dma_start3A_227 = arith.constant 0 : i32
      %dma_start3A_228 = tpu.memref_slice %arg7[%add3A_222, %dma_start3A_227] : memref<128x64xf32, #tpu.memory_space<vmem>> -> memref<1x64xf32, #tpu.memory_space<vmem>>
      %dma_start3A_229 = arith.constant 0 : i32
      %dma_start3A_230 = tpu.memref_slice %arg4[%squeeze3A_218, %dma_start3A_229] : memref<1000000x64xf32, #tpu.memory_space<hbm>> -> memref<1x64xf32, #tpu.memory_space<hbm>>
      tpu.enqueue_dma source(%dma_start3A_230 : memref<1x64xf32, #tpu.memory_space<hbm>>) target(%dma_start3A_228 : memref<1x64xf32, #tpu.memory_space<vmem>>) target_semaphore(%arg10 : memref<!tpu.dma_semaphore, #tpu.memory_space<semaphore_mem>>)
      %slice3A_231 = vector.extract_strided_slice %get3A_120 {offsets = [8], sizes = [1], strides = [1]} : vector<16xi32> to vector<1xi32>
      %squeeze3A_232 = vector.extract %slice3A_231[0] : i32 from vector<1xi32>
      %mul3A_233 = arith.constant 16 : i32
      %mul3A_234 = arith.muli %scan3A_114, %mul3A_233 : i32
      %add3A_235 = arith.constant 8 : i32
      %add3A_236 = arith.addi %mul3A_234, %add3A_235 : i32
      %dma_start3A_237 = arith.constant 0 : i32
      %dma_start3A_238 = tpu.memref_slice %arg7[%add3A_236, %dma_start3A_237] : memref<128x64xf32, #tpu.memory_space<vmem>> -> memref<1x64xf32, #tpu.memory_space<vmem>>
      %dma_start3A_239 = arith.constant 0 : i32
      %dma_start3A_240 = tpu.memref_slice %arg4[%squeeze3A_232, %dma_start3A_239] : memref<1000000x64xf32, #tpu.memory_space<hbm>> -> memref<1x64xf32, #tpu.memory_space<hbm>>
      %dma_start3A_241 = arith.constant 0 : i32
      %dma_start3A_242 = tpu.memref_slice %arg7[%add3A_236, %dma_start3A_241] : memref<128x64xf32, #tpu.memory_space<vmem>> -> memref<1x64xf32, #tpu.memory_space<vmem>>
      %dma_start3A_243 = arith.constant 0 : i32
      %dma_start3A_244 = tpu.memref_slice %arg4[%squeeze3A_232, %dma_start3A_243] : memref<1000000x64xf32, #tpu.memory_space<hbm>> -> memref<1x64xf32, #tpu.memory_space<hbm>>
      tpu.enqueue_dma source(%dma_start3A_244 : memref<1x64xf32, #tpu.memory_space<hbm>>) target(%dma_start3A_242 : memref<1x64xf32, #tpu.memory_space<vmem>>) target_semaphore(%arg10 : memref<!tpu.dma_semaphore, #tpu.memory_space<semaphore_mem>>)
      %slice3A_245 = vector.extract_strided_slice %get3A_120 {offsets = [9], sizes = [1], strides = [1]} : vector<16xi32> to vector<1xi32>
      %squeeze3A_246 = vector.extract %slice3A_245[0] : i32 from vector<1xi32>
      %mul3A_247 = arith.constant 16 : i32
      %mul3A_248 = arith.muli %scan3A_114, %mul3A_247 : i32
      %add3A_249 = arith.constant 9 : i32
      %add3A_250 = arith.addi %mul3A_248, %add3A_249 : i32
      %dma_start3A_251 = arith.constant 0 : i32
      %dma_start3A_252 = tpu.memref_slice %arg7[%add3A_250, %dma_start3A_251] : memref<128x64xf32, #tpu.memory_space<vmem>> -> memref<1x64xf32, #tpu.memory_space<vmem>>
      %dma_start3A_253 = arith.constant 0 : i32
      %dma_start3A_254 = tpu.memref_slice %arg4[%squeeze3A_246, %dma_start3A_253] : memref<1000000x64xf32, #tpu.memory_space<hbm>> -> memref<1x64xf32, #tpu.memory_space<hbm>>
      %dma_start3A_255 = arith.constant 0 : i32
      %dma_start3A_256 = tpu.memref_slice %arg7[%add3A_250, %dma_start3A_255] : memref<128x64xf32, #tpu.memory_space<vmem>> -> memref<1x64xf32, #tpu.memory_space<vmem>>
      %dma_start3A_257 = arith.constant 0 : i32
      %dma_start3A_258 = tpu.memref_slice %arg4[%squeeze3A_246, %dma_start3A_257] : memref<1000000x64xf32, #tpu.memory_space<hbm>> -> memref<1x64xf32, #tpu.memory_space<hbm>>
      tpu.enqueue_dma source(%dma_start3A_258 : memref<1x64xf32, #tpu.memory_space<hbm>>) target(%dma_start3A_256 : memref<1x64xf32, #tpu.memory_space<vmem>>) target_semaphore(%arg10 : memref<!tpu.dma_semaphore, #tpu.memory_space<semaphore_mem>>)
      %slice3A_259 = vector.extract_strided_slice %get3A_120 {offsets = [10], sizes = [1], strides = [1]} : vector<16xi32> to vector<1xi32>
      %squeeze3A_260 = vector.extract %slice3A_259[0] : i32 from vector<1xi32>
      %mul3A_261 = arith.constant 16 : i32
      %mul3A_262 = arith.muli %scan3A_114, %mul3A_261 : i32
      %add3A_263 = arith.constant 10 : i32
      %add3A_264 = arith.addi %mul3A_262, %add3A_263 : i32
      %dma_start3A_265 = arith.constant 0 : i32
      %dma_start3A_266 = tpu.memref_slice %arg7[%add3A_264, %dma_start3A_265] : memref<128x64xf32, #tpu.memory_space<vmem>> -> memref<1x64xf32, #tpu.memory_space<vmem>>
      %dma_start3A_267 = arith.constant 0 : i32
      %dma_start3A_268 = tpu.memref_slice %arg4[%squeeze3A_260, %dma_start3A_267] : memref<1000000x64xf32, #tpu.memory_space<hbm>> -> memref<1x64xf32, #tpu.memory_space<hbm>>
      %dma_start3A_269 = arith.constant 0 : i32
      %dma_start3A_270 = tpu.memref_slice %arg7[%add3A_264, %dma_start3A_269] : memref<128x64xf32, #tpu.memory_space<vmem>> -> memref<1x64xf32, #tpu.memory_space<vmem>>
      %dma_start3A_271 = arith.constant 0 : i32
      %dma_start3A_272 = tpu.memref_slice %arg4[%squeeze3A_260, %dma_start3A_271] : memref<1000000x64xf32, #tpu.memory_space<hbm>> -> memref<1x64xf32, #tpu.memory_space<hbm>>
      tpu.enqueue_dma source(%dma_start3A_272 : memref<1x64xf32, #tpu.memory_space<hbm>>) target(%dma_start3A_270 : memref<1x64xf32, #tpu.memory_space<vmem>>) target_semaphore(%arg10 : memref<!tpu.dma_semaphore, #tpu.memory_space<semaphore_mem>>)
      %slice3A_273 = vector.extract_strided_slice %get3A_120 {offsets = [11], sizes = [1], strides = [1]} : vector<16xi32> to vector<1xi32>
      %squeeze3A_274 = vector.extract %slice3A_273[0] : i32 from vector<1xi32>
      %mul3A_275 = arith.constant 16 : i32
      %mul3A_276 = arith.muli %scan3A_114, %mul3A_275 : i32
      %add3A_277 = arith.constant 11 : i32
      %add3A_278 = arith.addi %mul3A_276, %add3A_277 : i32
      %dma_start3A_279 = arith.constant 0 : i32
      %dma_start3A_280 = tpu.memref_slice %arg7[%add3A_278, %dma_start3A_279] : memref<128x64xf32, #tpu.memory_space<vmem>> -> memref<1x64xf32, #tpu.memory_space<vmem>>
      %dma_start3A_281 = arith.constant 0 : i32
      %dma_start3A_282 = tpu.memref_slice %arg4[%squeeze3A_274, %dma_start3A_281] : memref<1000000x64xf32, #tpu.memory_space<hbm>> -> memref<1x64xf32, #tpu.memory_space<hbm>>
      %dma_start3A_283 = arith.constant 0 : i32
      %dma_start3A_284 = tpu.memref_slice %arg7[%add3A_278, %dma_start3A_283] : memref<128x64xf32, #tpu.memory_space<vmem>> -> memref<1x64xf32, #tpu.memory_space<vmem>>
      %dma_start3A_285 = arith.constant 0 : i32
      %dma_start3A_286 = tpu.memref_slice %arg4[%squeeze3A_274, %dma_start3A_285] : memref<1000000x64xf32, #tpu.memory_space<hbm>> -> memref<1x64xf32, #tpu.memory_space<hbm>>
      tpu.enqueue_dma source(%dma_start3A_286 : memref<1x64xf32, #tpu.memory_space<hbm>>) target(%dma_start3A_284 : memref<1x64xf32, #tpu.memory_space<vmem>>) target_semaphore(%arg10 : memref<!tpu.dma_semaphore, #tpu.memory_space<semaphore_mem>>)
      %slice3A_287 = vector.extract_strided_slice %get3A_120 {offsets = [12], sizes = [1], strides = [1]} : vector<16xi32> to vector<1xi32>
      %squeeze3A_288 = vector.extract %slice3A_287[0] : i32 from vector<1xi32>
      %mul3A_289 = arith.constant 16 : i32
      %mul3A_290 = arith.muli %scan3A_114, %mul3A_289 : i32
      %add3A_291 = arith.constant 12 : i32
      %add3A_292 = arith.addi %mul3A_290, %add3A_291 : i32
      %dma_start3A_293 = arith.constant 0 : i32
      %dma_start3A_294 = tpu.memref_slice %arg7[%add3A_292, %dma_start3A_293] : memref<128x64xf32, #tpu.memory_space<vmem>> -> memref<1x64xf32, #tpu.memory_space<vmem>>
      %dma_start3A_295 = arith.constant 0 : i32
      %dma_start3A_296 = tpu.memref_slice %arg4[%squeeze3A_288, %dma_start3A_295] : memref<1000000x64xf32, #tpu.memory_space<hbm>> -> memref<1x64xf32, #tpu.memory_space<hbm>>
      %dma_start3A_297 = arith.constant 0 : i32
      %dma_start3A_298 = tpu.memref_slice %arg7[%add3A_292, %dma_start3A_297] : memref<128x64xf32, #tpu.memory_space<vmem>> -> memref<1x64xf32, #tpu.memory_space<vmem>>
      %dma_start3A_299 = arith.constant 0 : i32
      %dma_start3A_300 = tpu.memref_slice %arg4[%squeeze3A_288, %dma_start3A_299] : memref<1000000x64xf32, #tpu.memory_space<hbm>> -> memref<1x64xf32, #tpu.memory_space<hbm>>
      tpu.enqueue_dma source(%dma_start3A_300 : memref<1x64xf32, #tpu.memory_space<hbm>>) target(%dma_start3A_298 : memref<1x64xf32, #tpu.memory_space<vmem>>) target_semaphore(%arg10 : memref<!tpu.dma_semaphore, #tpu.memory_space<semaphore_mem>>)
      %slice3A_301 = vector.extract_strided_slice %get3A_120 {offsets = [13], sizes = [1], strides = [1]} : vector<16xi32> to vector<1xi32>
      %squeeze3A_302 = vector.extract %slice3A_301[0] : i32 from vector<1xi32>
      %mul3A_303 = arith.constant 16 : i32
      %mul3A_304 = arith.muli %scan3A_114, %mul3A_303 : i32
      %add3A_305 = arith.constant 13 : i32
      %add3A_306 = arith.addi %mul3A_304, %add3A_305 : i32
      %dma_start3A_307 = arith.constant 0 : i32
      %dma_start3A_308 = tpu.memref_slice %arg7[%add3A_306, %dma_start3A_307] : memref<128x64xf32, #tpu.memory_space<vmem>> -> memref<1x64xf32, #tpu.memory_space<vmem>>
      %dma_start3A_309 = arith.constant 0 : i32
      %dma_start3A_310 = tpu.memref_slice %arg4[%squeeze3A_302, %dma_start3A_309] : memref<1000000x64xf32, #tpu.memory_space<hbm>> -> memref<1x64xf32, #tpu.memory_space<hbm>>
      %dma_start3A_311 = arith.constant 0 : i32
      %dma_start3A_312 = tpu.memref_slice %arg7[%add3A_306, %dma_start3A_311] : memref<128x64xf32, #tpu.memory_space<vmem>> -> memref<1x64xf32, #tpu.memory_space<vmem>>
      %dma_start3A_313 = arith.constant 0 : i32
      %dma_start3A_314 = tpu.memref_slice %arg4[%squeeze3A_302, %dma_start3A_313] : memref<1000000x64xf32, #tpu.memory_space<hbm>> -> memref<1x64xf32, #tpu.memory_space<hbm>>
      tpu.enqueue_dma source(%dma_start3A_314 : memref<1x64xf32, #tpu.memory_space<hbm>>) target(%dma_start3A_312 : memref<1x64xf32, #tpu.memory_space<vmem>>) target_semaphore(%arg10 : memref<!tpu.dma_semaphore, #tpu.memory_space<semaphore_mem>>)
      %slice3A_315 = vector.extract_strided_slice %get3A_120 {offsets = [14], sizes = [1], strides = [1]} : vector<16xi32> to vector<1xi32>
      %squeeze3A_316 = vector.extract %slice3A_315[0] : i32 from vector<1xi32>
      %mul3A_317 = arith.constant 16 : i32
      %mul3A_318 = arith.muli %scan3A_114, %mul3A_317 : i32
      %add3A_319 = arith.constant 14 : i32
      %add3A_320 = arith.addi %mul3A_318, %add3A_319 : i32
      %dma_start3A_321 = arith.constant 0 : i32
      %dma_start3A_322 = tpu.memref_slice %arg7[%add3A_320, %dma_start3A_321] : memref<128x64xf32, #tpu.memory_space<vmem>> -> memref<1x64xf32, #tpu.memory_space<vmem>>
      %dma_start3A_323 = arith.constant 0 : i32
      %dma_start3A_324 = tpu.memref_slice %arg4[%squeeze3A_316, %dma_start3A_323] : memref<1000000x64xf32, #tpu.memory_space<hbm>> -> memref<1x64xf32, #tpu.memory_space<hbm>>
      %dma_start3A_325 = arith.constant 0 : i32
      %dma_start3A_326 = tpu.memref_slice %arg7[%add3A_320, %dma_start3A_325] : memref<128x64xf32, #tpu.memory_space<vmem>> -> memref<1x64xf32, #tpu.memory_space<vmem>>
      %dma_start3A_327 = arith.constant 0 : i32
      %dma_start3A_328 = tpu.memref_slice %arg4[%squeeze3A_316, %dma_start3A_327] : memref<1000000x64xf32, #tpu.memory_space<hbm>> -> memref<1x64xf32, #tpu.memory_space<hbm>>
      tpu.enqueue_dma source(%dma_start3A_328 : memref<1x64xf32, #tpu.memory_space<hbm>>) target(%dma_start3A_326 : memref<1x64xf32, #tpu.memory_space<vmem>>) target_semaphore(%arg10 : memref<!tpu.dma_semaphore, #tpu.memory_space<semaphore_mem>>)
      %slice3A_329 = vector.extract_strided_slice %get3A_120 {offsets = [15], sizes = [1], strides = [1]} : vector<16xi32> to vector<1xi32>
      %squeeze3A_330 = vector.extract %slice3A_329[0] : i32 from vector<1xi32>
      %mul3A_331 = arith.constant 16 : i32
      %mul3A_332 = arith.muli %scan3A_114, %mul3A_331 : i32
      %add3A_333 = arith.constant 15 : i32
      %add3A_334 = arith.addi %mul3A_332, %add3A_333 : i32
      %dma_start3A_335 = arith.constant 0 : i32
      %dma_start3A_336 = tpu.memref_slice %arg7[%add3A_334, %dma_start3A_335] : memref<128x64xf32, #tpu.memory_space<vmem>> -> memref<1x64xf32, #tpu.memory_space<vmem>>
      %dma_start3A_337 = arith.constant 0 : i32
      %dma_start3A_338 = tpu.memref_slice %arg4[%squeeze3A_330, %dma_start3A_337] : memref<1000000x64xf32, #tpu.memory_space<hbm>> -> memref<1x64xf32, #tpu.memory_space<hbm>>
      %dma_start3A_339 = arith.constant 0 : i32
      %dma_start3A_340 = tpu.memref_slice %arg7[%add3A_334, %dma_start3A_339] : memref<128x64xf32, #tpu.memory_space<vmem>> -> memref<1x64xf32, #tpu.memory_space<vmem>>
      %dma_start3A_341 = arith.constant 0 : i32
      %dma_start3A_342 = tpu.memref_slice %arg4[%squeeze3A_330, %dma_start3A_341] : memref<1000000x64xf32, #tpu.memory_space<hbm>> -> memref<1x64xf32, #tpu.memory_space<hbm>>
      tpu.enqueue_dma source(%dma_start3A_342 : memref<1x64xf32, #tpu.memory_space<hbm>>) target(%dma_start3A_340 : memref<1x64xf32, #tpu.memory_space<vmem>>) target_semaphore(%arg10 : memref<!tpu.dma_semaphore, #tpu.memory_space<semaphore_mem>>)
    }
    %scan3A_97 = arith.constant 8 : i32
    %scan3A_98 = arith.constant 0 : i32
    %scan3A_99 = arith.constant 0 : i32
    %scan3A_100 = arith.constant 128 : i32
    %scan3A_101 = arith.addi %scan3A_99, %scan3A_100 : i32
    %scan3A_102 = arith.constant 1 : i32
    scf.for %scan3A_114 = %scan3A_99 to %scan3A_101 step %scan3A_102  : i32 {
      %dma_wait3A_115 = arith.constant 0 : i32
      %dma_wait3A_116 = arith.constant 0 : i32
      %dma_wait3A_117 = tpu.memref_slice %arg7[%dma_wait3A_115, %dma_wait3A_116] : memref<128x64xf32, #tpu.memory_space<vmem>> -> memref<1x64xf32, #tpu.memory_space<vmem>>
      %dma_wait3A_118 = arith.constant 0 : i32
      %dma_wait3A_119 = arith.constant 0 : i32
      %dma_wait3A_120 = tpu.memref_slice %arg4[%dma_wait3A_118, %dma_wait3A_119] : memref<1000000x64xf32, #tpu.memory_space<hbm>> -> memref<1x64xf32, #tpu.memory_space<hbm>>
      %dma_wait3A_121 = arith.constant 0 : i32
      %dma_wait3A_122 = arith.constant 0 : i32
      %dma_wait3A_123 = tpu.memref_slice %arg7[%dma_wait3A_121, %dma_wait3A_122] : memref<128x64xf32, #tpu.memory_space<vmem>> -> memref<1x64xf32, #tpu.memory_space<vmem>>
      %dma_wait3A_124 = arith.constant 0 : i32
      %dma_wait3A_125 = arith.constant 0 : i32
      %dma_wait3A_126 = tpu.memref_slice %arg4[%dma_wait3A_124, %dma_wait3A_125] : memref<1000000x64xf32, #tpu.memory_space<hbm>> -> memref<1x64xf32, #tpu.memory_space<hbm>>
      tpu.wait_dma2 semaphore(%arg10 : memref<!tpu.dma_semaphore, #tpu.memory_space<semaphore_mem>>) src(%dma_wait3A_126 : memref<1x64xf32, #tpu.memory_space<hbm>>) dst(%dma_wait3A_123 : memref<1x64xf32, #tpu.memory_space<vmem>>)
    }
    %scan3A_103 = arith.constant 128 : i32
    %dma_wait3A_104 = arith.constant 0 : i32
    %dma_wait3A_105 = tpu.memref_slice %arg3[%add3A_87, %dma_wait3A_104] : memref<16384x64xf32, #tpu.memory_space<hbm>> -> memref<128x64xf32, #tpu.memory_space<hbm>>
    %dma_wait3A_106 = arith.constant 0 : i32
    %dma_wait3A_107 = tpu.memref_slice %arg3[%add3A_87, %dma_wait3A_106] : memref<16384x64xf32, #tpu.memory_space<hbm>> -> memref<128x64xf32, #tpu.memory_space<hbm>>
    tpu.wait_dma2 semaphore(%arg11 : memref<!tpu.dma_semaphore, #tpu.memory_space<semaphore_mem>>) src(%dma_wait3A_107 : memref<128x64xf32, #tpu.memory_space<hbm>>) dst(%arg8 : memref<128x64xf32, #tpu.memory_space<vmem>>)
    %scan3A_108 = arith.constant 0 : i32
    %scan3A_109 = arith.constant 0 : i32
    %scan3A_110 = arith.constant 128 : i32
    %scan3A_111 = arith.addi %scan3A_109, %scan3A_110 : i32
    %scan3A_112 = arith.constant 1 : i32
    scf.for %scan3A_114 = %scan3A_109 to %scan3A_111 step %scan3A_112  : i32 {
      %get3A = arith.index_cast %scan3A_114 : i32 to index
      %get3A_115 = arith.constant 0 : index
      %get3A_116 = tpu.vector_load %arg7[%get3A, %get3A_115] {strides = array<i32>} : memref<128x64xf32, #tpu.memory_space<vmem>>, vector<1x16xf32>,
      %get3A_117 = vector.shape_cast %get3A_116 : vector<1x16xf32> to vector<16xf32>
      %swap3A = arith.index_cast %scan3A_114 : i32 to index
      %swap3A_118 = arith.constant 0 : index
      %swap3A_119 = tpu.vector_load %arg9[%swap3A, %swap3A_118] {strides = array<i32>} : memref<128x128xf32, #tpu.memory_space<vmem>>, vector<1x16xf32>,
      %swap3A_120 = vector.shape_cast %swap3A_119 : vector<1x16xf32> to vector<16xf32>
      %swap3A_121 = vector.shape_cast %get3A_117 : vector<16xf32> to vector<1x16xf32>
      tpu.vector_store %arg9[%swap3A, %swap3A_118], %swap3A_121 {strides = array<i32>} : memref<128x128xf32, #tpu.memory_space<vmem>>, vector<1x16xf32>,
      %get3A_122 = arith.index_cast %scan3A_114 : i32 to index
      %get3A_123 = arith.constant 0 : index
      %get3A_124 = tpu.vector_load %arg8[%get3A_122, %get3A_123] {strides = array<i32>} : memref<128x64xf32, #tpu.memory_space<vmem>>, vector<1x16xf32>,
      %get3A_125 = vector.shape_cast %get3A_124 : vector<1x16xf32> to vector<16xf32>
      %swap3A_126 = arith.index_cast %scan3A_114 : i32 to index
      %swap3A_127 = arith.constant 64 : index
      %swap3A_128 = tpu.vector_load %arg9[%swap3A_126, %swap3A_127] {strides = array<i32>} : memref<128x128xf32, #tpu.memory_space<vmem>>, vector<1x16xf32>,
      %swap3A_129 = vector.shape_cast %swap3A_128 : vector<1x16xf32> to vector<16xf32>
      %swap3A_130 = vector.shape_cast %get3A_125 : vector<16xf32> to vector<1x16xf32>
      tpu.vector_store %arg9[%swap3A_126, %swap3A_127], %swap3A_130 {strides = array<i32>} : memref<128x128xf32, #tpu.memory_space<vmem>>, vector<1x16xf32>,
      %get3A_131 = arith.index_cast %scan3A_114 : i32 to index
      %get3A_132 = arith.constant 16 : index
      %get3A_133 = tpu.vector_load %arg7[%get3A_131, %get3A_132] {strides = array<i32>} : memref<128x64xf32, #tpu.memory_space<vmem>>, vector<1x16xf32>,
      %get3A_134 = vector.shape_cast %get3A_133 : vector<1x16xf32> to vector<16xf32>
      %swap3A_135 = arith.index_cast %scan3A_114 : i32 to index
      %swap3A_136 = arith.constant 16 : index
      %swap3A_137 = tpu.vector_load %arg9[%swap3A_135, %swap3A_136] {strides = array<i32>} : memref<128x128xf32, #tpu.memory_space<vmem>>, vector<1x16xf32>,
      %swap3A_138 = vector.shape_cast %swap3A_137 : vector<1x16xf32> to vector<16xf32>
      %swap3A_139 = vector.shape_cast %get3A_134 : vector<16xf32> to vector<1x16xf32>
      tpu.vector_store %arg9[%swap3A_135, %swap3A_136], %swap3A_139 {strides = array<i32>} : memref<128x128xf32, #tpu.memory_space<vmem>>, vector<1x16xf32>,
      %get3A_140 = arith.index_cast %scan3A_114 : i32 to index
      %get3A_141 = arith.constant 16 : index
      %get3A_142 = tpu.vector_load %arg8[%get3A_140, %get3A_141] {strides = array<i32>} : memref<128x64xf32, #tpu.memory_space<vmem>>, vector<1x16xf32>,
      %get3A_143 = vector.shape_cast %get3A_142 : vector<1x16xf32> to vector<16xf32>
      %swap3A_144 = arith.index_cast %scan3A_114 : i32 to index
      %swap3A_145 = arith.constant 80 : index
      %swap3A_146 = tpu.vector_load %arg9[%swap3A_144, %swap3A_145] {strides = array<i32>} : memref<128x128xf32, #tpu.memory_space<vmem>>, vector<1x16xf32>,
      %swap3A_147 = vector.shape_cast %swap3A_146 : vector<1x16xf32> to vector<16xf32>
      %swap3A_148 = vector.shape_cast %get3A_143 : vector<16xf32> to vector<1x16xf32>
      tpu.vector_store %arg9[%swap3A_144, %swap3A_145], %swap3A_148 {strides = array<i32>} : memref<128x128xf32, #tpu.memory_space<vmem>>, vector<1x16xf32>,
      %get3A_149 = arith.index_cast %scan3A_114 : i32 to index
      %get3A_150 = arith.constant 32 : index
      %get3A_151 = tpu.vector_load %arg7[%get3A_149, %get3A_150] {strides = array<i32>} : memref<128x64xf32, #tpu.memory_space<vmem>>, vector<1x16xf32>,
      %get3A_152 = vector.shape_cast %get3A_151 : vector<1x16xf32> to vector<16xf32>
      %swap3A_153 = arith.index_cast %scan3A_114 : i32 to index
      %swap3A_154 = arith.constant 32 : index
      %swap3A_155 = tpu.vector_load %arg9[%swap3A_153, %swap3A_154] {strides = array<i32>} : memref<128x128xf32, #tpu.memory_space<vmem>>, vector<1x16xf32>,
      %swap3A_156 = vector.shape_cast %swap3A_155 : vector<1x16xf32> to vector<16xf32>
      %swap3A_157 = vector.shape_cast %get3A_152 : vector<16xf32> to vector<1x16xf32>
      tpu.vector_store %arg9[%swap3A_153, %swap3A_154], %swap3A_157 {strides = array<i32>} : memref<128x128xf32, #tpu.memory_space<vmem>>, vector<1x16xf32>,
      %get3A_158 = arith.index_cast %scan3A_114 : i32 to index
      %get3A_159 = arith.constant 32 : index
      %get3A_160 = tpu.vector_load %arg8[%get3A_158, %get3A_159] {strides = array<i32>} : memref<128x64xf32, #tpu.memory_space<vmem>>, vector<1x16xf32>,
      %get3A_161 = vector.shape_cast %get3A_160 : vector<1x16xf32> to vector<16xf32>
      %swap3A_162 = arith.index_cast %scan3A_114 : i32 to index
      %swap3A_163 = arith.constant 96 : index
      %swap3A_164 = tpu.vector_load %arg9[%swap3A_162, %swap3A_163] {strides = array<i32>} : memref<128x128xf32, #tpu.memory_space<vmem>>, vector<1x16xf32>,
      %swap3A_165 = vector.shape_cast %swap3A_164 : vector<1x16xf32> to vector<16xf32>
      %swap3A_166 = vector.shape_cast %get3A_161 : vector<16xf32> to vector<1x16xf32>
      tpu.vector_store %arg9[%swap3A_162, %swap3A_163], %swap3A_166 {strides = array<i32>} : memref<128x128xf32, #tpu.memory_space<vmem>>, vector<1x16xf32>,
      %get3A_167 = arith.index_cast %scan3A_114 : i32 to index
      %get3A_168 = arith.constant 48 : index
      %get3A_169 = tpu.vector_load %arg7[%get3A_167, %get3A_168] {strides = array<i32>} : memref<128x64xf32, #tpu.memory_space<vmem>>, vector<1x16xf32>,
      %get3A_170 = vector.shape_cast %get3A_169 : vector<1x16xf32> to vector<16xf32>
      %swap3A_171 = arith.index_cast %scan3A_114 : i32 to index
      %swap3A_172 = arith.constant 48 : index
      %swap3A_173 = tpu.vector_load %arg9[%swap3A_171, %swap3A_172] {strides = array<i32>} : memref<128x128xf32, #tpu.memory_space<vmem>>, vector<1x16xf32>,
      %swap3A_174 = vector.shape_cast %swap3A_173 : vector<1x16xf32> to vector<16xf32>
      %swap3A_175 = vector.shape_cast %get3A_170 : vector<16xf32> to vector<1x16xf32>
      tpu.vector_store %arg9[%swap3A_171, %swap3A_172], %swap3A_175 {strides = array<i32>} : memref<128x128xf32, #tpu.memory_space<vmem>>, vector<1x16xf32>,
      %get3A_176 = arith.index_cast %scan3A_114 : i32 to index
      %get3A_177 = arith.constant 48 : index
      %get3A_178 = tpu.vector_load %arg8[%get3A_176, %get3A_177] {strides = array<i32>} : memref<128x64xf32, #tpu.memory_space<vmem>>, vector<1x16xf32>,
      %get3A_179 = vector.shape_cast %get3A_178 : vector<1x16xf32> to vector<16xf32>
      %swap3A_180 = arith.index_cast %scan3A_114 : i32 to index
      %swap3A_181 = arith.constant 112 : index
      %swap3A_182 = tpu.vector_load %arg9[%swap3A_180, %swap3A_181] {strides = array<i32>} : memref<128x128xf32, #tpu.memory_space<vmem>>, vector<1x16xf32>,
      %swap3A_183 = vector.shape_cast %swap3A_182 : vector<1x16xf32> to vector<16xf32>
      %swap3A_184 = vector.shape_cast %get3A_179 : vector<16xf32> to vector<1x16xf32>
      tpu.vector_store %arg9[%swap3A_180, %swap3A_181], %swap3A_184 {strides = array<i32>} : memref<128x128xf32, #tpu.memory_space<vmem>>, vector<1x16xf32>,
    }
    %scan3A_113 = arith.constant 128 : i32
    "tpu.region"() ({
      %run_scoped3A = tpu.sem_alloc : memref<!tpu.dma_semaphore, #tpu.memory_space<semaphore_mem>>
      %dma_start3A_114 = arith.constant 0 : i32
      %dma_start3A_115 = tpu.memref_slice %arg5[%add3A_87, %dma_start3A_114] : memref<16384x128xf32, #tpu.memory_space<hbm>> -> memref<128x128xf32, #tpu.memory_space<hbm>>
      %dma_start3A_116 = arith.constant 0 : i32
      %dma_start3A_117 = tpu.memref_slice %arg5[%add3A_87, %dma_start3A_116] : memref<16384x128xf32, #tpu.memory_space<hbm>> -> memref<128x128xf32, #tpu.memory_space<hbm>>
      tpu.enqueue_dma source(%arg9 : memref<128x128xf32, #tpu.memory_space<vmem>>) target(%dma_start3A_117 : memref<128x128xf32, #tpu.memory_space<hbm>>) target_semaphore(%run_scoped3A : memref<!tpu.dma_semaphore, #tpu.memory_space<semaphore_mem>>)
      %dma_wait3A_118 = arith.constant 0 : i32
      %dma_wait3A_119 = tpu.memref_slice %arg5[%add3A_87, %dma_wait3A_118] : memref<16384x128xf32, #tpu.memory_space<hbm>> -> memref<128x128xf32, #tpu.memory_space<hbm>>
      %dma_wait3A_120 = arith.constant 0 : i32
      %dma_wait3A_121 = tpu.memref_slice %arg5[%add3A_87, %dma_wait3A_120] : memref<16384x128xf32, #tpu.memory_space<hbm>> -> memref<128x128xf32, #tpu.memory_space<hbm>>
      tpu.wait_dma2 semaphore(%run_scoped3A : memref<!tpu.dma_semaphore, #tpu.memory_space<semaphore_mem>>) src(%arg9 : memref<128x128xf32, #tpu.memory_space<vmem>>) dst(%dma_wait3A_121 : memref<128x128xf32, #tpu.memory_space<hbm>>)
      tpu.yield
    }) : () -> ()
    return
  }
}

</mosaic_0001>

<sc_bundles>
// kernel: kernel.3.cloned.1.call-start
scs
__scs_entry_jumppad:
0x0: {  	(pc) =	sbr.rel $0x88, $3  }
0x1: {  	(tag) =	ssettag $0x0;
	lr =	simm.s32 $0x1  }
0x2: {  	[smem:$0x3F9E] =	sst lr;
	_ =	strace $0xD0000000  }
0x3: {  	_ = 	snop  }
0x4: {  	_ = 	snop  }
0x5: {  	_ = 	snop  }
0x6: {  	_ = 	snop  }
0x7: {  	_ = 	snop  }
__scs_overlays_trampoline_lowered:
0x8: {  	[smem:$0x3FAD] =	sst s0  }
0x9: {  	[smem:$0x3FAE] =	sst s1  }
0xa: {  	[smem:$0x3FAF] =	sst s2  }
0xb: {  	[smem:$0x3FB0] =	sst s3  }
0xc: {  	[smem:$0x3FB1] =	sst s4  }
0xd: {  	[smem:$0x3FB2] =	sst s5  }
0xe: {  	[smem:$0x3FB3] =	sst s6  }
0xf: {  	[smem:$0x3FB4] =	sst s7  }
0x10: {  	[smem:$0x3FB5] =	sst s8  }
0x11: {  	[smem:$0x3FB6] =	sst s9;
	s0 =	simm.s32 @!p0 $0x0  }
0x12: {  	s1 =	sld [smem:$0x3F9C];
	s0 =	simm.s32 @p0 $0x1  }
0x13: {  	[smem:$0x3FB7] =	sst s0;
	s0 =	simm.s32 @!p1 $0x0  }
0x14: {  	s2 =	sld [smem:$0x3F9B];
	s0 =	simm.s32 @p1 $0x1  }
0x15: {  	[smem:$0x3FB8] =	sst s0;
	s0 =	simm.s32 @!p2 $0x0  }
0x16: {  	s3 =	sld [smem:$0x3FDB];
	s0 =	simm.s32 @p2 $0x1  }
0x17: {  	s4 =	simm.s32 $0x1BF5;
	[smem:$0x3FBA] =	sst s0  }
0x18: {  	s0 =	sld [smem:$0x3F9D];
	_ =	swait.ge [sflag:s4], $0x0  }
0x19: {  	s7 =	sld [smem:$0x3F9E]  }
0x1a: {  	s8 =	sadd.s32 $0xFFFFE003, lr  }
0x1b: {  	s9 =	sadd.s32 $0xFFFFFEF7, lr;
	s5 =	simm.s32 $0xFFFFFFFF;
	p2 =	slt.u32 s8, $0xFFFFF086  }
0x1c: {  	p1 =	slt.u32 s9, $0xF7A;
	s5 =	simm.s32 @!p2 $0x0  }
0x1d: {  	s5 =	simm.s32 @p1 $0x1;
	p0 =	seq.s32 s7, s2  }
0x1e: {  	s7 =	smul.u32 @!p0 $0xF7A, s2;
	p2 =	seq.s32 @!p0 s5, $0x0  }
0x1f: {  	s9 =	smul.u32 $0xF7A, s1;
	s8 =	simm.s32 @!p0 $0x1BF5;
	p2 =	por !p2, p0  }
0x20: {  	[sflag:s8] =	ssyncset.s32 @!p0 $0xFFFFF086;
	s6 =	sadd.s32 @!p0 s3, s7;
	s7 =	simm.s32 @!p0 $0x108  }
0x21: {  	s3 =	sadd.s32 s3, s9;
	s6 =	sadd.s32 @!p0 $0x88, s6;
	s7 =	simm.s32 @p2 $0x1082  }
0x22: {  	[simem:s7], [sflag:s8] =	dma.local @!p0 [hbm:s6], $0xF7A  }
0x23: {  	s9 =	sor.u32 $0xD0000000, s2;
	s6 =	simm.s32 $0x108;
	_ =	swait.ge @!p0 [sflag:s8], $0x0  }
0x24: {  	s3 =	sadd.s32 $0x88, s3;
	s6 =	simm.s32 @!p1 $0x1082;
	[sflag:s4] =	ssyncset.s32 $0xFFFFF086  }
0x25: {  	[simem:s6], [sflag:s4] =	dma.local [hbm:s3], $0xF7A  }
0x26: {  	[smem:$0x3F9E] =	sst s1;
	(tag) =	ssettag s2;
	_ =	strace s9  }
0x27: {  	s1 =	sld [smem:$0x3FAE]  }
0x28: {  	s2 =	sld [smem:$0x3FAF]  }
0x29: {  	s4 =	sld [smem:$0x3FB1]  }
0x2a: {  	p0 =	seq.s32 s5, $0x0;
	s5 =	sld [smem:$0x3FB2]  }
0x2b: {  	s6 =	sld [smem:$0x3FB3]  }
0x2c: {  	s7 =	sld [smem:$0x3FB4]  }
0x2d: {  	s3 =	simm.s32 $0x108;
	s8 =	sld [smem:$0x3FB5]  }
0x2e: {  	s3 =	simm.s32 @!p0 $0x1082;
	s9 =	sld [smem:$0x3FB6]  }
0x2f: {  	lr =	sadd.s32 s0, s3;
	s0 =	sld [smem:$0x3FAD]  }
0x30: {  	s3 =	sld [smem:$0x3FB0]  }
0x31: {  	[smem:$0x3FB9] =	sst s10  }
0x32: {  	s10 =	sld [smem:$0x3FB7];
	_ =	sdelay $0x3  }
0x33: {  	p0 =	seq.s32 s10, $0x1;
	s10 =	sld [smem:$0x3FB9];
	_ =	sdelay $0x3  }
0x34: {  	[smem:$0x3FB9] =	sst s10  }
0x35: {  	s10 =	sld [smem:$0x3FB8];
	_ =	sdelay $0x3  }
0x36: {  	p1 =	seq.s32 s10, $0x1;
	s10 =	sld [smem:$0x3FB9];
	_ =	sdelay $0x3  }
0x37: {  	[smem:$0x3FB9] =	sst s10  }
0x38: {  	s10 =	sld [smem:$0x3FBA]  }
0x39: {  	_ = 	snop;
	(pc) =	sbr.ind lr, $3  }
0x3a: {  	_ = 	snop  }
0x3b: {  	_ = 	snop  }
0x3c: {  	p2 =	seq.s32 s10, $0x1;
	s10 =	sld [smem:$0x3FB9]  }
0x3d: {  	_ =	shalt  }
0x3e: {  	_ =	shalt  }
0x3f: {  	_ =	shalt  }
0x40: {  	_ =	shalt  }
0x41: {  	_ =	shalt  }
0x42: {  	_ =	shalt  }
0x43: {  	_ =	shalt  }
0x44: {  	_ =	shalt  }
0x45: {  	_ =	shalt  }
0x46: {  	_ =	shalt  }
0x47: {  	_ =	shalt  }
0x48: {  	_ =	shalt  }
0x49: {  	_ =	shalt  }
0x4a: {  	_ =	shalt  }
0x4b: {  	_ =	shalt  }
0x4c: {  	_ =	shalt  }
0x4d: {  	_ =	shalt  }
0x4e: {  	_ =	shalt  }
0x4f: {  	_ =	shalt  }
0x50: {  	_ =	shalt  }
0x51: {  	_ =	shalt  }
0x52: {  	_ =	shalt  }
0x53: {  	_ =	shalt  }
0x54: {  	_ =	shalt  }
0x55: {  	_ =	shalt  }
0x56: {  	_ =	shalt  }
0x57: {  	_ =	shalt  }
0x58: {  	_ =	shalt  }
0x59: {  	_ =	shalt  }
0x5a: {  	_ =	shalt  }
0x5b: {  	_ =	shalt  }
0x5c: {  	_ =	shalt  }
0x5d: {  	_ =	shalt  }
0x5e: {  	_ =	shalt  }
0x5f: {  	_ =	shalt  }
0x60: {  	_ =	shalt  }
0x61: {  	_ =	shalt  }
0x62: {  	_ =	shalt  }
0x63: {  	_ =	shalt  }
0x64: {  	_ =	shalt  }
0x65: {  	_ =	shalt  }
0x66: {  	_ =	shalt  }
0x67: {  	_ =	shalt  }
0x68: {  	_ =	shalt  }
0x69: {  	_ =	shalt  }
0x6a: {  	_ =	shalt  }
0x6b: {  	_ =	shalt  }
0x6c: {  	_ =	shalt  }
0x6d: {  	_ =	shalt  }
0x6e: {  	_ =	shalt  }
0x6f: {  	_ =	shalt  }
0x70: {  	_ =	shalt  }
0x71: {  	_ =	shalt  }
0x72: {  	_ =	shalt  }
0x73: {  	_ =	shalt  }
0x74: {  	_ =	shalt  }
0x75: {  	_ =	shalt  }
0x76: {  	_ =	shalt  }
0x77: {  	_ =	shalt  }
0x78: {  	_ =	shalt  }
0x79: {  	_ =	shalt  }
0x7a: {  	_ =	shalt  }
0x7b: {  	_ =	shalt  }
0x7c: {  	_ =	shalt  }
0x7d: {  	_ =	shalt  }
0x7e: {  	_ =	shalt  }
0x7f: {  	_ =	shalt  }
0x80: {  	_ =	shalt  }
0x81: {  	_ =	shalt  }
0x82: {  	_ =	shalt  }
0x83: {  	_ =	shalt  }
0x84: {  	_ =	shalt  }
0x85: {  	_ =	shalt  }
0x86: {  	_ =	shalt  }
0x87: {  	_ =	shalt  }
.Lfunc_end0:
.L_simem_size_0:
called_computation_lowered:
.L_overlay_start_0:
0x88: {  	s2 =	sld [smem:$0x3FD9]  }
0x89: {  	s3 =	sld [smem:$0x3FFE];
	_ =	sdelay $0x1  }
0x8a: {  	s1 =	srdreg.scid  }
0x8b: {  	s0 =	sand.u32 $0x1, s1  }
0x8c: {  	s17 =	sshll.u32 s0, $0xA;
	s2 =	sadd.s32 s3, s2  }
0x8d: {  	s2 =	sadd.s32 s2, s17  }
0x8e: {  	[smem:$0x3FC5] =	sst s2  }
0x8f: {  	_ = 	snop  }
0x90: {  	s2 =	sld [smem:$0x3FC9]  }
0x91: {  	s18 =	sld [smem:$0x3FD0];
	(tm) =	ssettm $0x1  }
0x92: {  	s4 =	sld [smem:$0x3FFB];
	_ =	sdelay $0x3  }
0x93: {  	_ =	strace s4  }
0x94: {  	s4 =	sld [smem:$0x3FFC];
	_ =	sdelay $0x3  }
0x95: {  	_ =	strace s4  }
0x96: {  	s4 =	sld [smem:$0x3FFD];
	_ =	sdelay $0x3  }
0x97: {  	_ =	strace s4  }
0x98: {  	_ =	strace $0x8FFFFFFF  }
0x99: {  	s19 =	sld [smem:$0x3FDB];
	_ =	sdelay $0x1  }
0x9a: {  	s5 =	simm.s32 $_scs_section_size  }
0x9b: {  	s6 =	simm.s32 $_size__tile_overlayer_lowered;
	s7 =	simm.s32 $_tile_overlayer_lowered  }
0x9c: {  	s22 =	simm.s32 $0x1BFF;
	s21 =	sshll.u32 s7, $0x1;
	s4 =	sadd.s32 s5, s19  }
0x9d: {  	s8 =	simm.s32 $0x0;
	s20 =	sshll.u32 s6, $0x1;
	s6 =	sadd.s32 s21, s4  }
0x9e: {  	[timem:s8], [sflag:s22] =	dma.local [hbm:s6], s20  }
0x9f: {  	_ =	swait.ge [sflag:s22], s20  }
0xa0: {  	s5 =	ssub.s32 $0x0, s20;
	[sflag:s22] =	ssyncset.done $0x0  }
0xa1: {  	[sflag:s22] =	ssyncadd.s32 s5;
	_ =	sdelay $0x1  }
0xa2: {  	s23 =	simm.s32 $0x1B8B  }
0xa3: {  	_ =	swait.ge [sflag:s23], $0x1  }
0xa4: {  	[sflag:s23] =	ssyncset.done $0x0  }
0xa5: {  	s25 =	simm.s32 $0x1B8E;
	s24 =	sld [smem:$0x3FFE];
	[sflag:s23] =	ssyncadd.s32 $0xFFFFFFFF  }
0xa6: {  	s26 =	simm.s32 $execute0_lowered;
	[smem:$0x3FD2] =	sst s25  }
0xa7: {  	s6 =	sshll.u32 s26, $0x1;
	_ =	strace $0x80000046;
	[dreg:$0x1] =	wrdreg $0xFFFFFFFF  }
0xa8: {  	s28 =	simm.s32 $_size_execute0_lowered;
	s4 =	sadd.s32 s4, s6;
	[dreg:$0x0] =	wrdreg $0x0  }
0xa9: {  	s6 =	sshll.u32 s28, $0x1;
	[dreg:$0x2] =	wrdreg s4  }
0xaa: {  	[dreg:$0x3] =	wrdreg s6  }
0xab: {  	[dreg:$0x4] =	wrdreg $0xC0  }
0xac: {  	_ =	task [dreg:s8], $0x5FFFF  }
0xad: {  	[dreg:$0x1] =	wrdreg $0xFFFFFFFF  }
0xae: {  	[dreg:$0x0] =	wrdreg $0x60  }
0xaf: {  	[dreg:$0x2] =	wrdreg s2  }
0xb0: {  	[dreg:$0x3] =	wrdreg s24  }
0xb1: {  	[dreg:$0x4] =	wrdreg s18  }
0xb2: {  	[dreg:$0x5] =	wrdreg $0x9  }
0xb3: {  	_ =	task.clear_ibuf [dreg:s8], $0x6FFFF;
	_ =	strace $0x90000046  }
0xb4: {  	s29 =	simm.s32 $0x9;
	_ =	strace $0x80000048  }
0xb5: {  	_ =	swait.ge [sflag:s29], $0x1  }
0xb6: {  	[sflag:s29] =	ssyncadd.s32 $0xFFFFFFFF  }
0xb7: {  	_ =	strace $0x90000048  }
0xb8: {  	_ =	sfence  }
0xb9: {  	s30 =	sld [smem:$0x0];
	_ =	sdelay $0x2  }
0xba: {  	s31 =	sshll.u32 s1, $0xD;
	s1 =	sshrl.u32 s1, $0x2  }
0xbb: {  	s3 =	sand.u32 $0x4000, s31;
	s1 =	sadd.s32 s1, s30  }
0xbc: {  	s0 =	sor.u32 s3, s0;
	s1 =	sshll.u32 s1, $0x11  }
0xbd: {  	s0 =	sor.u32 s1, s0  }
0xbe: {  	s0 =	sadd.s32 $0x8F2B, s0  }
0xbf: {  	[sflag:s0] =	ssyncadd.remote.s32 $0x1  }
0xc0: {  	_ =	sfence.sel $0xFFFF  }
0xc1: {  	[dreg:$0x0] =	wrdreg $0xFFFFFFFF;
	(pc) =	sbr.abs _section_cstart, $3  }
0xc2: {  	[dreg:$0x1] =	wrdreg $0xFFFFFFFF  }
0xc3: {  	_ =	task.clear_ibuf [dreg:s8], $0x2FFFF;
	_ =	strace $0x9FFFFFFF  }
0xc4: {  	(tm) =	ssettm $0x7FFFFFFF  }
0xc5: {  	_ =	shalt  }
tec
execute0_lowered:
.L_overlay_start_1:
0x0: {  	(tag) =	ssettag $0x1  }
0x1: {  	s0 =	rddreg [dreg:$0x0]  }
0x2: {  	s2 =	rddreg [dreg:$0x1]  }
0x3: {  	s12 =	rddreg [dreg:$0x2];
	s1 =	simm.s32 $0x0  }
0x4: {  	s3 =	srdreg.scid;
	s22 =	stileid.u32;
	s14 =	simm.s32 $0x3  }
0x5: {  	s15 =	simm.s32 $0x4200;
	s16 =	simm.s32 $0x1;
	s17 =	simm.s32 $0x2  }
0x6: {  	s18 =	simm.s32 $0x8200;
	s19 =	simm.s32 $0x0;
	[smem:$0x7FF] =	sst s1  }
0x7: {  	s11 =	sadd.s32 $0x400, s2;
	s4 =	sand.u32 $0x1, s3;
	s3 =	sadd.s32 $0x40400, s2  }
0x8: {  	s7 =	sshll.u32 s22, $0x7;
	s23 =	sshll.u32 s22, $0xE;
	s8 =	sshll.u32 s4, $0x6  }
0x9: {  	_ =	strace $0x80000047;
	s9 =	sshll.u32 s4, $0xD;
	s0 =	sadd.s32 s0, s8  }
0xa: {  	s5 =	ssub.s32 $0x2, s4;
	s24 =	sor.u32 s9, s23;
	s0 =	sadd.s32 s7, s0  }
0xb: {  	s6 =	sshrl.u32 s5, $0x1;
	s25 =	sadd.s32 s11, s24;
	[dreg:$0x4] =	wrdreg s0  }
0xc: {  	s26 =	sadd.s32 s12, s24;
	s8 =	sor.u32 $0x800, s24;
	[dreg:$0x5] =	wrdreg s25  }
0xd: {  	s13 =	ssub.s32 s5, s6;
	[dreg:$0x6] =	wrdreg s26;
	s28 =	sadd.s32 s11, s8  }
0xe: {  	s10 =	sor.u32 $0x1000, s24;
	s29 =	sadd.s32 s12, s8;
	[dreg:$0x7] =	wrdreg s28  }
0xf: {  	s30 =	sadd.s32 s11, s10;
	s31 =	sadd.s32 s12, s10;
	[dreg:$0x8] =	wrdreg s29  }
0x10: {  	s0 =	sor.u32 $0x1800, s24;
	s13 =	smax.u32 s13, $0x1;
	[dreg:$0x9] =	wrdreg s30  }
0x11: {  	[dreg:$0xa] =	wrdreg s31;
	s11 =	sadd.s32 s11, s0;
	s12 =	sadd.s32 s12, s0  }
.LBB2_1:
0x12: {  	s0 =	rddreg [dreg:$0x4]  }
0x13: {  	[tilespmem:s1], [sflag:$0x3] =	stream.linear.gather [hbm4b:s0+s1], $0x200, $0x38;
	[tilespmem:$0xC200] =	vst v63  }
0x14: {  	_ =	swait.ge [sflag:s14], $0x200  }
0x15: {  	[sflag:s14] =	ssyncset.done $0x0  }
0x16: {  	s31 =	rddreg [dreg:$0x5];
	[sflag:s14] =	ssyncadd.s32 $0xFFFFFE00  }
0x17: {  	[tilespmem:s15], [sflag:$0x2] =	stream.linear.gather [hbm4b:s31+s1], $0x4000, $0x38;
	[tilespmem:$0xC200] =	vst v63  }
0x18: {  	v0 =	vld [tilespmem:s1+$0x0];
	_ =	sdelay $0x4  }
0x19: {  	v0 =	vshll.u32 v0, $0x4  }
0x1a: {  	(v2sf) =	vpush v0, $0x0  }
0x1b: {  	(v2sf) =	vpush v0, $0x1  }
0x1c: {  	(v2sf) =	vpush v0, $0x2;
	_ =	sdelay $0x1  }
0x1d: {  	(v2sf) =	vpush v0, $0x4;
	_ =	sdelay $0x1  }
0x1e: {  	(v2sf) =	vpush v0, $0x3  }
0x1f: {  	(v2sf) =	vpush v0, $0x5  }
0x20: {  	s21 =	simm.s32 $0x2000;
	s20 =	simm.s32 $0x0;
	s22 =	simm.s32 $0x0;
	(v2sf) =	vpush v0, $0x6  }
.LBB2_2:
0x21: {  	p0 =	sne.s32 s21, $0xE000  }
0x22: {  	s2 =	sadd.s32 $0x280, s20;
	s26 =	sadd.s32 $0x780, s20;
	s23 =	smov.u32 s21  }
0x23: {  	s21 =	sadd.s32 $0x2000, s21;
	s30 =	sadd.s32 $0x580, s20;
	s24 =	sadd.s32 $0x800, s20;
	(v2sf) =	vpush v0, $0x7  }
0x24: {  	s0 =	sadd.s32 $0x480, s20;
	s29 =	sadd.s32 $0x600, s20;
	s25 =	sadd.s32 $0x880, s20  }
0x25: {  	s4 =	sadd.s32 $0x200, s20;
	s5 =	sadd.s32 $0x400, s20;
	(v2sf) =	vpush v0, $0x8  }
0x26: {  	s6 =	sadd.s32 $0x500, s20;
	s22 =	sadd.s32 $0x10, s22  }
0x27: {  	s7 =	sadd.s32 $0x300, s20;
	s28 =	sadd.s32 $0x700, s20;
	s31 =	spop (v2sf);
	(v2sf) =	vpush v0, $0x9  }
0x28: {  	s8 =	sand.u32 $0x1FFFFFF0, s31;
	s31 =	sadd.s32 $0x680, s20;
	s9 =	spop (v2sf)  }
0x29: {  	s8 =	sadd.s32 s3, s8;
	s9 =	sand.u32 $0x1FFFFFF0, s9;
	s10 =	spop (v2sf);
	(v2sf) =	vpush v0, $0xA  }
0x2a: {  	[tilespmem:s4], [sflag:$0x1] =	stream.linear.gather [hbm4b:s8+s1], $0x80, $0x38;
	[tilespmem:$0xC200] =	vst v63  }
0x2b: {  	s4 =	sadd.s32 s3, s9;
	s8 =	sadd.s32 $0x380, s20;
	s9 =	spop (v2sf);
	(v2sf) =	vpush v0, $0xB  }
0x2c: {  	[tilespmem:s2], [sflag:$0x1] =	stream.linear.gather [hbm4b:s4+s1], $0x80, $0x38;
	[tilespmem:$0xC200] =	vst v63  }
0x2d: {  	s2 =	sand.u32 $0x1FFFFFF0, s10;
	s4 =	sand.u32 $0x1FFFFFF0, s9;
	s9 =	spop (v2sf);
	(v2sf) =	vpush v0, $0xC  }
0x2e: {  	s2 =	sadd.s32 s3, s2;
	s9 =	sand.u32 $0x1FFFFFF0, s9;
	s10 =	spop (v2sf)  }
0x2f: {  	[tilespmem:s7], [sflag:$0x1] =	stream.linear.gather [hbm4b:s2+s1], $0x80, $0x38;
	(v2sf) =	vpush v0, $0xD;
	[tilespmem:$0xC200] =	vst v63  }
0x30: {  	s2 =	sadd.s32 s3, s9;
	s7 =	sand.u32 $0x1FFFFFF0, s10;
	s9 =	spop (v2sf)  }
0x31: {  	[tilespmem:s8], [sflag:$0x1] =	stream.linear.gather [hbm4b:s2+s1], $0x80, $0x38;
	(v2sf) =	vpush v0, $0xE;
	[tilespmem:$0xC200] =	vst v63  }
0x32: {  	s2 =	sadd.s32 s3, s4;
	s4 =	sand.u32 $0x1FFFFFF0, s9;
	s8 =	spop (v2sf)  }
0x33: {  	[tilespmem:s5], [sflag:$0x1] =	stream.linear.gather [hbm4b:s2+s1], $0x80, $0x38;
	(v2sf) =	vpush v0, $0xF;
	[tilespmem:$0xC200] =	vst v63  }
0x34: {  	s2 =	sadd.s32 s3, s7;
	s5 =	sand.u32 $0x1FFFFFF0, s8;
	s7 =	spop (v2sf)  }
0x35: {  	[tilespmem:s0], [sflag:$0x1] =	stream.linear.gather [hbm4b:s2+s1], $0x80, $0x38;
	[tilespmem:$0xC200] =	vst v63  }
0x36: {  	s0 =	sadd.s32 s3, s4;
	s2 =	sand.u32 $0x1FFFFFF0, s7;
	s4 =	spop (v2sf)  }
0x37: {  	[tilespmem:s6], [sflag:$0x1] =	stream.linear.gather [hbm4b:s0+s1], $0x80, $0x38;
	[tilespmem:$0xC200] =	vst v63  }
0x38: {  	s0 =	sadd.s32 s3, s5;
	s4 =	sand.u32 $0x1FFFFFF0, s4;
	s5 =	spop (v2sf)  }
0x39: {  	[tilespmem:s30], [sflag:$0x1] =	stream.linear.gather [hbm4b:s0+s1], $0x80, $0x38;
	[tilespmem:$0xC200] =	vst v63  }
0x3a: {  	s0 =	sadd.s32 s3, s2;
	s2 =	sand.u32 $0x1FFFFFF0, s5;
	s5 =	spop (v2sf)  }
0x3b: {  	[tilespmem:s29], [sflag:$0x1] =	stream.linear.gather [hbm4b:s0+s1], $0x80, $0x38;
	[tilespmem:$0xC200] =	vst v63  }
0x3c: {  	s0 =	sadd.s32 s3, s4;
	s4 =	sand.u32 $0x1FFFFFF0, s5;
	s5 =	spop (v2sf)  }
0x3d: {  	[tilespmem:s31], [sflag:$0x1] =	stream.linear.gather [hbm4b:s0+s1], $0x80, $0x38;
	[tilespmem:$0xC200] =	vst v63  }
0x3e: {  	s0 =	sadd.s32 s3, s2;
	s2 =	sand.u32 $0x1FFFFFF0, s5;
	s5 =	spop (v2sf)  }
0x3f: {  	[tilespmem:s28], [sflag:$0x1] =	stream.linear.gather [hbm4b:s0+s1], $0x80, $0x38;
	[tilespmem:$0xC200] =	vst v63  }
0x40: {  	s0 =	sadd.s32 s3, s4;
	s4 =	sand.u32 $0x1FFFFFF0, s5;
	s5 =	spop (v2sf)  }
0x41: {  	[tilespmem:s26], [sflag:$0x1] =	stream.linear.gather [hbm4b:s0+s1], $0x80, $0x38;
	[tilespmem:$0xC200] =	vst v63  }
0x42: {  	s0 =	sadd.s32 s3, s2;
	s2 =	sand.u32 $0x1FFFFFF0, s5;
	s5 =	spop (v2sf)  }
0x43: {  	[tilespmem:s24], [sflag:$0x1] =	stream.linear.gather [hbm4b:s0+s1], $0x80, $0x38;
	[tilespmem:$0xC200] =	vst v63  }
0x44: {  	s0 =	sadd.s32 s3, s4;
	s4 =	sand.u32 $0x1FFFFFF0, s5  }
0x45: {  	[tilespmem:s25], [sflag:$0x1] =	stream.linear.gather [hbm4b:s0+s1], $0x80, $0x38;
	[tilespmem:$0xC200] =	vst v63  }
0x46: {  	s2 =	sadd.s32 s3, s2;
	s0 =	sadd.s32 $0x900, s20  }
0x47: {  	[tilespmem:s0], [sflag:$0x1] =	stream.linear.gather [hbm4b:s2+s1], $0x80, $0x38;
	[tilespmem:$0xC200] =	vst v63  }
0x48: {  	s0 =	sadd.s32 $0x980, s20;
	s2 =	sadd.s32 s3, s4  }
0x49: {  	[tilespmem:s0], [sflag:$0x1] =	stream.linear.gather [hbm4b:s2+s1], $0x80, $0x38;
	[tilespmem:$0xC200] =	vst v63  }
0x4a: {  	v0 =	vld [tilespmem:s22+$0x0];
	_ =	sdelay $0x4  }
0x4b: {  	v0 =	vshll.u32 v0, $0x4  }
0x4c: {  	(v2sf) =	vpush v0, $0x0  }
0x4d: {  	(v2sf) =	vpush v0, $0x1  }
0x4e: {  	(v2sf) =	vpush v0, $0x2;
	_ =	sdelay $0x1  }
0x4f: {  	(v2sf) =	vpush v0, $0x4  }
.Ltmp0:
0x50: {  	(pc) =	sbr.rel @p0 .LBB2_2-.Ltmp0, $3  }
0x51: {  	(v2sf) =	vpush v0, $0x3  }
0x52: {  	(v2sf) =	vpush v0, $0x5;
	_ =	sdelay $0x1  }
0x53: {  	s20 =	sshra.s32 s23, $0x2;
	(v2sf) =	vpush v0, $0x6  }
0x54: {  	_ =	sdelay $0x1  }
0x55: {  	s0 =	sadd.s32 $0x280, s20;
	s23 =	sadd.s32 $0x780, s20  }
0x56: {  	s2 =	sadd.s32 $0x580, s20;
	s21 =	sadd.s32 $0x800, s20;
	(v2sf) =	vpush v0, $0x7;
	s4 =	sadd.s32 $0x480, s20  }
0x57: {  	s5 =	sadd.s32 $0x600, s20;
	s22 =	sadd.s32 $0x880, s20;
	s6 =	sadd.s32 $0x200, s20  }
0x58: {  	s7 =	sadd.s32 $0x400, s20;
	s8 =	sadd.s32 $0x500, s20;
	(v2sf) =	vpush v0, $0x8;
	s9 =	spop (v2sf)  }
0x59: {  	s10 =	sadd.s32 $0x300, s20;
	s9 =	sand.u32 $0x1FFFFFF0, s9;
	s24 =	spop (v2sf)  }
0x5a: {  	(v2sf) =	vpush v0, $0x9;
	s9 =	sadd.s32 s3, s9;
	s24 =	sand.u32 $0x1FFFFFF0, s24;
	s25 =	spop (v2sf)  }
0x5b: {  	[tilespmem:s6], [sflag:$0x1] =	stream.linear.gather [hbm4b:s9+s1], $0x80, $0x38;
	[tilespmem:$0xC200] =	vst v63  }
0x5c: {  	(v2sf) =	vpush v0, $0xA;
	s26 =	sadd.s32 s3, s24;
	s29 =	sand.u32 $0x1FFFFFF0, s25;
	s28 =	spop (v2sf)  }
0x5d: {  	[tilespmem:s0], [sflag:$0x1] =	stream.linear.gather [hbm4b:s26+s1], $0x80, $0x38;
	[tilespmem:$0xC200] =	vst v63  }
0x5e: {  	s6 =	sadd.s32 $0x700, s20;
	(v2sf) =	vpush v0, $0xB;
	s9 =	sadd.s32 s3, s29;
	s30 =	spop (v2sf)  }
0x5f: {  	s0 =	sadd.s32 $0x680, s20;
	s26 =	sadd.s32 $0x380, s20;
	s25 =	sand.u32 $0x1FFFFFF0, s30  }
0x60: {  	(v2sf) =	vpush v0, $0xC;
	[tilespmem:s10], [sflag:$0x1] =	stream.linear.gather [hbm4b:s9+s1], $0x80, $0x38;
	[tilespmem:$0xC200] =	vst v63  }
0x61: {  	s31 =	sand.u32 $0x1FFFFFF0, s28;
	s28 =	spop (v2sf);
	s29 =	sadd.s32 s3, s25  }
0x62: {  	(v2sf) =	vpush v0, $0xD;
	[tilespmem:s26], [sflag:$0x1] =	stream.linear.gather [hbm4b:s29+s1], $0x80, $0x38;
	[tilespmem:$0xC200] =	vst v63  }
0x63: {  	s9 =	sadd.s32 s3, s31;
	s10 =	sand.u32 $0x1FFFFFF0, s28;
	s30 =	spop (v2sf)  }
0x64: {  	(v2sf) =	vpush v0, $0xE;
	[tilespmem:s7], [sflag:$0x1] =	stream.linear.gather [hbm4b:s9+s1], $0x80, $0x38;
	[tilespmem:$0xC200] =	vst v63  }
0x65: {  	s10 =	sadd.s32 s3, s10;
	s31 =	sand.u32 $0x1FFFFFF0, s30;
	s24 =	spop (v2sf)  }
0x66: {  	(v2sf) =	vpush v0, $0xF;
	[tilespmem:s4], [sflag:$0x1] =	stream.linear.gather [hbm4b:s10+s1], $0x80, $0x38;
	[tilespmem:$0xC200] =	vst v63  }
0x67: {  	s25 =	sand.u32 $0x1FFFFFF0, s24;
	s26 =	spop (v2sf);
	s7 =	sadd.s32 s3, s31  }
0x68: {  	[tilespmem:s8], [sflag:$0x1] =	stream.linear.gather [hbm4b:s7+s1], $0x80, $0x38;
	[tilespmem:$0xC200] =	vst v63  }
0x69: {  	s28 =	sand.u32 $0x1FFFFFF0, s26;
	s4 =	sadd.s32 s3, s25;
	s29 =	spop (v2sf)  }
0x6a: {  	[tilespmem:s2], [sflag:$0x1] =	stream.linear.gather [hbm4b:s4+s1], $0x80, $0x38;
	[tilespmem:$0xC200] =	vst v63  }
0x6b: {  	s7 =	sadd.s32 s3, s28;
	s30 =	sand.u32 $0x1FFFFFF0, s29;
	s31 =	spop (v2sf)  }
0x6c: {  	[tilespmem:s5], [sflag:$0x1] =	stream.linear.gather [hbm4b:s7+s1], $0x80, $0x38;
	[tilespmem:$0xC200] =	vst v63  }
0x6d: {  	s4 =	sand.u32 $0x1FFFFFF0, s31;
	s2 =	sadd.s32 s3, s30;
	s7 =	spop (v2sf)  }
0x6e: {  	[tilespmem:s0], [sflag:$0x1] =	stream.linear.gather [hbm4b:s2+s1], $0x80, $0x38;
	[tilespmem:$0xC200] =	vst v63  }
0x6f: {  	s4 =	sadd.s32 s3, s4;
	s8 =	sand.u32 $0x1FFFFFF0, s7;
	s9 =	spop (v2sf)  }
0x70: {  	[tilespmem:s6], [sflag:$0x1] =	stream.linear.gather [hbm4b:s4+s1], $0x80, $0x38;
	[tilespmem:$0xC200] =	vst v63  }
0x71: {  	s0 =	sadd.s32 s3, s8;
	s2 =	sand.u32 $0x1FFFFFF0, s9;
	s10 =	spop (v2sf)  }
0x72: {  	[tilespmem:s23], [sflag:$0x1] =	stream.linear.gather [hbm4b:s0+s1], $0x80, $0x38;
	[tilespmem:$0xC200] =	vst v63  }
0x73: {  	s24 =	sand.u32 $0x1FFFFFF0, s10;
	s2 =	sadd.s32 s3, s2;
	s25 =	spop (v2sf)  }
0x74: {  	[tilespmem:s21], [sflag:$0x1] =	stream.linear.gather [hbm4b:s2+s1], $0x80, $0x38;
	[tilespmem:$0xC200] =	vst v63  }
0x75: {  	s26 =	sand.u32 $0x1FFFFFF0, s25;
	s28 =	spop (v2sf);
	s0 =	sadd.s32 s3, s24  }
0x76: {  	[tilespmem:s22], [sflag:$0x1] =	stream.linear.gather [hbm4b:s0+s1], $0x80, $0x38;
	[tilespmem:$0xC200] =	vst v63  }
0x77: {  	s30 =	sadd.s32 $0x900, s20;
	s29 =	sand.u32 $0x1FFFFFF0, s28;
	s2 =	sadd.s32 s3, s26  }
0x78: {  	[tilespmem:s30], [sflag:$0x1] =	stream.linear.gather [hbm4b:s2+s1], $0x80, $0x38;
	[tilespmem:$0xC200] =	vst v63  }
0x79: {  	s31 =	sadd.s32 $0x980, s20;
	s0 =	sadd.s32 s3, s29  }
0x7a: {  	[tilespmem:s31], [sflag:$0x1] =	stream.linear.gather [hbm4b:s0+s1], $0x80, $0x38;
	[tilespmem:$0xC200] =	vst v63  }
0x7b: {  	_ =	swait.ge [sflag:s16], $0x80  }
0x7c: {  	s0 =	simm.s32 $0x7F;
	[sflag:s16] =	ssyncset.done $0x0  }
.LBB2_4:
0x7d: {  	p0 =	sne.s32 s0, $0x1;
	s0 =	sadd.s32 $0xFFFFFFFF, s0;
	[sflag:s16] =	ssyncadd.s32 $0xFFFFFF80  }
.Ltmp1:
0x7e: {  	(pc) =	sbr.rel @p0 .LBB2_4-.Ltmp1, $3  }
0x7f: {  	_ =	sdelay $0x1  }
0x80: {  	_ =	swait.ge [sflag:s16], $0x80  }
0x81: {  	[sflag:s16] =	ssyncset.done $0x0  }
0x82: {  	[sflag:s16] =	ssyncadd.s32 $0xFFFFFF80  }
0x83: {  	_ =	swait.ge [sflag:s17], $0x4000  }
0x84: {  	[sflag:s17] =	ssyncset.done $0x0  }
0x85: {  	s0 =	simm.s32 $0x0;
	[sflag:s17] =	ssyncadd.s32 $0xFFFFC000  }
0x86: {  	v3 =	vld [tilespmem:s0+$0x4230]  }
0x87: {  	v4 =	vld [tilespmem:s0+$0x200]  }
0x88: {  	v5 =	vld [tilespmem:s0+$0x4200]  }
0x89: {  	v2 =	vld [tilespmem:s0+$0x210]  }
0x8a: {  	v0 =	vld [tilespmem:s0+$0x4210]  }
0x8b: {  	v1 =	vld [tilespmem:s0+$0x220];
	[tilespmem:s0+$0x8270] =	vst v3  }
0x8c: {  	[tilespmem:s0+$0x8200] =	vst v4;
	v3 =	vld [tilespmem:s0+$0x4220]  }
0x8d: {  	s20 =	simm.s32 $0x80;
	s21 =	simm.s32 $0x400;
	[tilespmem:s0+$0x8240] =	vst v5;
	v4 =	vld [tilespmem:s0+$0x230]  }
.LBB2_6:
0x8e: {  	p0 =	sne.s32 s21, $0xFE00;
	v5 =	vld [tilespmem:s20+$0x4230];
	[tilespmem:s0+$0x8210] =	vst v2  }
0x8f: {  	v6 =	vld [tilespmem:s20+$0x200];
	[tilespmem:s0+$0x8250] =	vst v0  }
0x90: {  	v7 =	vld [tilespmem:s20+$0x4200];
	[tilespmem:s0+$0x8220] =	vst v1  }
.Ltmp2:
0x91: {  	v2 =	vld [tilespmem:s20+$0x210];
	[tilespmem:s0+$0x8260] =	vst v3;
	(pc) =	sbr.rel @p0 .LBB2_6-.Ltmp2, $4  }
0x92: {  	v0 =	vld [tilespmem:s20+$0x4210];
	[tilespmem:s0+$0x8230] =	vst v4;
	s0 =	smov.u32 s20  }
0x93: {  	v1 =	vld [tilespmem:s0+$0x220];
	[tilespmem:s0+$0x8270] =	vst v5  }
0x94: {  	[tilespmem:s0+$0x8200] =	vst v6;
	v3 =	vld [tilespmem:s0+$0x4220]  }
0x95: {  	s20 =	sshra.s32 s21, $0x2;
	s21 =	sadd.s32 $0x200, s21;
	[tilespmem:s0+$0x8240] =	vst v7;
	v4 =	vld [tilespmem:s0+$0x230]  }
0x96: {  	v5 =	vld [tilespmem:s20+$0x4230];
	[tilespmem:s0+$0x8210] =	vst v2  }
0x97: {  	v2 =	vld [tilespmem:s20+$0x200];
	[tilespmem:s0+$0x8250] =	vst v0  }
0x98: {  	v0 =	vld [tilespmem:s20+$0x4200];
	[tilespmem:s0+$0x8220] =	vst v1  }
0x99: {  	v1 =	vld [tilespmem:s20+$0x210];
	[tilespmem:s0+$0x8260] =	vst v3  }
0x9a: {  	v3 =	vld [tilespmem:s20+$0x4210];
	[tilespmem:s0+$0x8230] =	vst v4  }
0x9b: {  	v4 =	vld [tilespmem:s20+$0x220];
	[tilespmem:s20+$0x8270] =	vst v5  }
0x9c: {  	[tilespmem:s20+$0x8200] =	vst v2;
	v2 =	vld [tilespmem:s20+$0x4220]  }
0x9d: {  	[tilespmem:s20+$0x8240] =	vst v0;
	v0 =	vld [tilespmem:s20+$0x230]  }
0x9e: {  	[tilespmem:s20+$0x8210] =	vst v1  }
0x9f: {  	[tilespmem:s20+$0x8250] =	vst v3  }
0xa0: {  	[tilespmem:s20+$0x8220] =	vst v4  }
0xa1: {  	[tilespmem:s20+$0x8260] =	vst v2  }
0xa2: {  	s30 =	simm.s32 $0x0;
	s2 =	rddreg [dreg:$0x6];
	[tilespmem:s20+$0x8230] =	vst v0  }
0xa3: {  	[hbm4b:s2+s30] =	stream.linear.scatter [tilespmem:s18], [sflag:$0x3], $0x4000, $0x38;
	[tilespmem:$0xC200] =	vst v63  }
0xa4: {  	_ =	swait.ge [sflag:s14], $0x4000  }
0xa5: {  	[sflag:s14] =	ssyncset.done $0x0  }
0xa6: {  	s21 =	simm.s32 $0x80;
	s31 =	rddreg [dreg:$0x7];
	[sflag:s14] =	ssyncadd.s32 $0xFFFFC000  }
0xa7: {  	[tilespmem:s15], [sflag:$0x2] =	stream.linear.gather [hbm4b:s31+s30], $0x4000, $0x38;
	[tilespmem:$0xC200] =	vst v63  }
0xa8: {  	v0 =	vld [tilespmem:s21+$0x0];
	_ =	sdelay $0x4  }
0xa9: {  	v0 =	vshll.u32 v0, $0x4  }
0xaa: {  	(v2sf) =	vpush v0, $0x0  }
0xab: {  	(v2sf) =	vpush v0, $0x1  }
0xac: {  	(v2sf) =	vpush v0, $0x2;
	_ =	sdelay $0x1  }
0xad: {  	(v2sf) =	vpush v0, $0x4;
	_ =	sdelay $0x1  }
0xae: {  	(v2sf) =	vpush v0, $0x3  }
0xaf: {  	(v2sf) =	vpush v0, $0x5  }
0xb0: {  	s22 =	simm.s32 $0x2000;
	s20 =	simm.s32 $0x0;
	(v2sf) =	vpush v0, $0x6  }
.LBB2_8:
0xb1: {  	p0 =	sne.s32 s22, $0xE000  }
0xb2: {  	s2 =	sadd.s32 $0x280, s20;
	s26 =	sadd.s32 $0x780, s20;
	s23 =	smov.u32 s22  }
0xb3: {  	s22 =	sadd.s32 $0x2000, s22;
	s30 =	sadd.s32 $0x580, s20;
	s24 =	sadd.s32 $0x800, s20;
	(v2sf) =	vpush v0, $0x7  }
0xb4: {  	s0 =	sadd.s32 $0x480, s20;
	s29 =	sadd.s32 $0x600, s20;
	s25 =	sadd.s32 $0x880, s20  }
0xb5: {  	s4 =	sadd.s32 $0x200, s20;
	s5 =	sadd.s32 $0x400, s20;
	(v2sf) =	vpush v0, $0x8  }
0xb6: {  	s6 =	sadd.s32 $0x500, s20;
	s21 =	sadd.s32 $0x10, s21  }
0xb7: {  	s7 =	sadd.s32 $0x300, s20;
	s28 =	sadd.s32 $0x700, s20;
	s8 =	spop (v2sf);
	(v2sf) =	vpush v0, $0x9  }
0xb8: {  	s31 =	sadd.s32 $0x680, s20;
	s8 =	sand.u32 $0x1FFFFFF0, s8;
	s9 =	spop (v2sf)  }
0xb9: {  	s8 =	sadd.s32 s3, s8;
	s9 =	sand.u32 $0x1FFFFFF0, s9;
	s10 =	spop (v2sf);
	(v2sf) =	vpush v0, $0xA  }
0xba: {  	[tilespmem:s4], [sflag:$0x1] =	stream.linear.gather [hbm4b:s8+s1], $0x80, $0x38;
	[tilespmem:$0xC200] =	vst v63  }
0xbb: {  	s4 =	sadd.s32 s3, s9;
	s8 =	sadd.s32 $0x380, s20;
	s9 =	spop (v2sf);
	(v2sf) =	vpush v0, $0xB  }
0xbc: {  	[tilespmem:s2], [sflag:$0x1] =	stream.linear.gather [hbm4b:s4+s1], $0x80, $0x38;
	[tilespmem:$0xC200] =	vst v63  }
0xbd: {  	s2 =	sand.u32 $0x1FFFFFF0, s10;
	s4 =	sand.u32 $0x1FFFFFF0, s9;
	s9 =	spop (v2sf);
	(v2sf) =	vpush v0, $0xC  }
0xbe: {  	s2 =	sadd.s32 s3, s2;
	s9 =	sand.u32 $0x1FFFFFF0, s9;
	s10 =	spop (v2sf)  }
0xbf: {  	[tilespmem:s7], [sflag:$0x1] =	stream.linear.gather [hbm4b:s2+s1], $0x80, $0x38;
	(v2sf) =	vpush v0, $0xD;
	[tilespmem:$0xC200] =	vst v63  }
0xc0: {  	s2 =	sadd.s32 s3, s9;
	s7 =	sand.u32 $0x1FFFFFF0, s10;
	s9 =	spop (v2sf)  }
0xc1: {  	[tilespmem:s8], [sflag:$0x1] =	stream.linear.gather [hbm4b:s2+s1], $0x80, $0x38;
	(v2sf) =	vpush v0, $0xE;
	[tilespmem:$0xC200] =	vst v63  }
0xc2: {  	s2 =	sadd.s32 s3, s4;
	s4 =	sand.u32 $0x1FFFFFF0, s9;
	s8 =	spop (v2sf)  }
0xc3: {  	[tilespmem:s5], [sflag:$0x1] =	stream.linear.gather [hbm4b:s2+s1], $0x80, $0x38;
	(v2sf) =	vpush v0, $0xF;
	[tilespmem:$0xC200] =	vst v63  }
0xc4: {  	s2 =	sadd.s32 s3, s7;
	s5 =	sand.u32 $0x1FFFFFF0, s8;
	s7 =	spop (v2sf)  }
0xc5: {  	[tilespmem:s0], [sflag:$0x1] =	stream.linear.gather [hbm4b:s2+s1], $0x80, $0x38;
	[tilespmem:$0xC200] =	vst v63  }
0xc6: {  	s0 =	sadd.s32 s3, s4;
	s2 =	sand.u32 $0x1FFFFFF0, s7;
	s4 =	spop (v2sf)  }
0xc7: {  	[tilespmem:s6], [sflag:$0x1] =	stream.linear.gather [hbm4b:s0+s1], $0x80, $0x38;
	[tilespmem:$0xC200] =	vst v63  }
0xc8: {  	s0 =	sadd.s32 s3, s5;
	s4 =	sand.u32 $0x1FFFFFF0, s4;
	s5 =	spop (v2sf)  }
0xc9: {  	[tilespmem:s30], [sflag:$0x1] =	stream.linear.gather [hbm4b:s0+s1], $0x80, $0x38;
	[tilespmem:$0xC200] =	vst v63  }
0xca: {  	s0 =	sadd.s32 s3, s2;
	s2 =	sand.u32 $0x1FFFFFF0, s5;
	s5 =	spop (v2sf)  }
0xcb: {  	[tilespmem:s29], [sflag:$0x1] =	stream.linear.gather [hbm4b:s0+s1], $0x80, $0x38;
	[tilespmem:$0xC200] =	vst v63  }
0xcc: {  	s0 =	sadd.s32 s3, s4;
	s4 =	sand.u32 $0x1FFFFFF0, s5;
	s5 =	spop (v2sf)  }
0xcd: {  	[tilespmem:s31], [sflag:$0x1] =	stream.linear.gather [hbm4b:s0+s1], $0x80, $0x38;
	[tilespmem:$0xC200] =	vst v63  }
0xce: {  	s0 =	sadd.s32 s3, s2;
	s2 =	sand.u32 $0x1FFFFFF0, s5;
	s5 =	spop (v2sf)  }
0xcf: {  	[tilespmem:s28], [sflag:$0x1] =	stream.linear.gather [hbm4b:s0+s1], $0x80, $0x38;
	[tilespmem:$0xC200] =	vst v63  }
0xd0: {  	s0 =	sadd.s32 s3, s4;
	s4 =	sand.u32 $0x1FFFFFF0, s5;
	s5 =	spop (v2sf)  }
0xd1: {  	[tilespmem:s26], [sflag:$0x1] =	stream.linear.gather [hbm4b:s0+s1], $0x80, $0x38;
	[tilespmem:$0xC200] =	vst v63  }
0xd2: {  	s0 =	sadd.s32 s3, s2;
	s2 =	sand.u32 $0x1FFFFFF0, s5;
	s5 =	spop (v2sf)  }
0xd3: {  	[tilespmem:s24], [sflag:$0x1] =	stream.linear.gather [hbm4b:s0+s1], $0x80, $0x38;
	[tilespmem:$0xC200] =	vst v63  }
0xd4: {  	s0 =	sadd.s32 s3, s4;
	s4 =	sand.u32 $0x1FFFFFF0, s5  }
0xd5: {  	[tilespmem:s25], [sflag:$0x1] =	stream.linear.gather [hbm4b:s0+s1], $0x80, $0x38;
	[tilespmem:$0xC200] =	vst v63  }
0xd6: {  	s2 =	sadd.s32 s3, s2;
	s0 =	sadd.s32 $0x900, s20  }
0xd7: {  	[tilespmem:s0], [sflag:$0x1] =	stream.linear.gather [hbm4b:s2+s1], $0x80, $0x38;
	[tilespmem:$0xC200] =	vst v63  }
0xd8: {  	s0 =	sadd.s32 $0x980, s20;
	s2 =	sadd.s32 s3, s4  }
0xd9: {  	[tilespmem:s0], [sflag:$0x1] =	stream.linear.gather [hbm4b:s2+s1], $0x80, $0x38;
	[tilespmem:$0xC200] =	vst v63  }
0xda: {  	v0 =	vld [tilespmem:s21+$0x0];
	_ =	sdelay $0x4  }
0xdb: {  	v0 =	vshll.u32 v0, $0x4  }
0xdc: {  	(v2sf) =	vpush v0, $0x0  }
0xdd: {  	(v2sf) =	vpush v0, $0x1  }
0xde: {  	(v2sf) =	vpush v0, $0x2;
	_ =	sdelay $0x1  }
0xdf: {  	(v2sf) =	vpush v0, $0x4  }
.Ltmp3:
0xe0: {  	(pc) =	sbr.rel @p0 .LBB2_8-.Ltmp3, $3  }
0xe1: {  	(v2sf) =	vpush v0, $0x3  }
0xe2: {  	(v2sf) =	vpush v0, $0x5;
	_ =	sdelay $0x1  }
0xe3: {  	s20 =	sshra.s32 s23, $0x2;
	(v2sf) =	vpush v0, $0x6  }
0xe4: {  	_ =	sdelay $0x1  }
0xe5: {  	s0 =	sadd.s32 $0x280, s20;
	s23 =	sadd.s32 $0x780, s20  }
0xe6: {  	s2 =	sadd.s32 $0x580, s20;
	s21 =	sadd.s32 $0x800, s20;
	(v2sf) =	vpush v0, $0x7;
	s4 =	sadd.s32 $0x480, s20  }
0xe7: {  	s5 =	sadd.s32 $0x600, s20;
	s22 =	sadd.s32 $0x880, s20;
	s6 =	sadd.s32 $0x200, s20  }
0xe8: {  	s7 =	sadd.s32 $0x400, s20;
	s8 =	sadd.s32 $0x500, s20;
	(v2sf) =	vpush v0, $0x8;
	s9 =	spop (v2sf)  }
0xe9: {  	s10 =	sadd.s32 $0x300, s20;
	s9 =	sand.u32 $0x1FFFFFF0, s9;
	s24 =	spop (v2sf)  }
0xea: {  	(v2sf) =	vpush v0, $0x9;
	s9 =	sadd.s32 s3, s9;
	s24 =	sand.u32 $0x1FFFFFF0, s24;
	s25 =	spop (v2sf)  }
0xeb: {  	[tilespmem:s6], [sflag:$0x1] =	stream.linear.gather [hbm4b:s9+s1], $0x80, $0x38;
	[tilespmem:$0xC200] =	vst v63  }
0xec: {  	(v2sf) =	vpush v0, $0xA;
	s26 =	sadd.s32 s3, s24;
	s29 =	sand.u32 $0x1FFFFFF0, s25;
	s28 =	spop (v2sf)  }
0xed: {  	[tilespmem:s0], [sflag:$0x1] =	stream.linear.gather [hbm4b:s26+s1], $0x80, $0x38;
	[tilespmem:$0xC200] =	vst v63  }
0xee: {  	s6 =	sadd.s32 $0x700, s20;
	(v2sf) =	vpush v0, $0xB;
	s9 =	sadd.s32 s3, s29;
	s30 =	spop (v2sf)  }
0xef: {  	s0 =	sadd.s32 $0x680, s20;
	s26 =	sadd.s32 $0x380, s20;
	s25 =	sand.u32 $0x1FFFFFF0, s30  }
0xf0: {  	(v2sf) =	vpush v0, $0xC;
	[tilespmem:s10], [sflag:$0x1] =	stream.linear.gather [hbm4b:s9+s1], $0x80, $0x38;
	[tilespmem:$0xC200] =	vst v63  }
0xf1: {  	s31 =	sand.u32 $0x1FFFFFF0, s28;
	s28 =	spop (v2sf);
	s29 =	sadd.s32 s3, s25  }
0xf2: {  	(v2sf) =	vpush v0, $0xD;
	[tilespmem:s26], [sflag:$0x1] =	stream.linear.gather [hbm4b:s29+s1], $0x80, $0x38;
	[tilespmem:$0xC200] =	vst v63  }
0xf3: {  	s9 =	sadd.s32 s3, s31;
	s10 =	sand.u32 $0x1FFFFFF0, s28;
	s30 =	spop (v2sf)  }
0xf4: {  	(v2sf) =	vpush v0, $0xE;
	[tilespmem:s7], [sflag:$0x1] =	stream.linear.gather [hbm4b:s9+s1], $0x80, $0x38;
	[tilespmem:$0xC200] =	vst v63  }
0xf5: {  	s10 =	sadd.s32 s3, s10;
	s31 =	sand.u32 $0x1FFFFFF0, s30;
	s24 =	spop (v2sf)  }
0xf6: {  	(v2sf) =	vpush v0, $0xF;
	[tilespmem:s4], [sflag:$0x1] =	stream.linear.gather [hbm4b:s10+s1], $0x80, $0x38;
	[tilespmem:$0xC200] =	vst v63  }
0xf7: {  	s25 =	sand.u32 $0x1FFFFFF0, s24;
	s26 =	spop (v2sf);
	s7 =	sadd.s32 s3, s31  }
0xf8: {  	[tilespmem:s8], [sflag:$0x1] =	stream.linear.gather [hbm4b:s7+s1], $0x80, $0x38;
	[tilespmem:$0xC200] =	vst v63  }
0xf9: {  	s28 =	sand.u32 $0x1FFFFFF0, s26;
	s4 =	sadd.s32 s3, s25;
	s29 =	spop (v2sf)  }
0xfa: {  	[tilespmem:s2], [sflag:$0x1] =	stream.linear.gather [hbm4b:s4+s1], $0x80, $0x38;
	[tilespmem:$0xC200] =	vst v63  }
0xfb: {  	s7 =	sadd.s32 s3, s28;
	s30 =	sand.u32 $0x1FFFFFF0, s29;
	s31 =	spop (v2sf)  }
0xfc: {  	[tilespmem:s5], [sflag:$0x1] =	stream.linear.gather [hbm4b:s7+s1], $0x80, $0x38;
	[tilespmem:$0xC200] =	vst v63  }
0xfd: {  	s4 =	sand.u32 $0x1FFFFFF0, s31;
	s2 =	sadd.s32 s3, s30;
	s7 =	spop (v2sf)  }
0xfe: {  	[tilespmem:s0], [sflag:$0x1] =	stream.linear.gather [hbm4b:s2+s1], $0x80, $0x38;
	[tilespmem:$0xC200] =	vst v63  }
0xff: {  	s4 =	sadd.s32 s3, s4;
	s8 =	sand.u32 $0x1FFFFFF0, s7;
	s9 =	spop (v2sf)  }
0x100: {  	[tilespmem:s6], [sflag:$0x1] =	stream.linear.gather [hbm4b:s4+s1], $0x80, $0x38;
	[tilespmem:$0xC200] =	vst v63  }
0x101: {  	s0 =	sadd.s32 s3, s8;
	s2 =	sand.u32 $0x1FFFFFF0, s9;
	s10 =	spop (v2sf)  }
0x102: {  	[tilespmem:s23], [sflag:$0x1] =	stream.linear.gather [hbm4b:s0+s1], $0x80, $0x38;
	[tilespmem:$0xC200] =	vst v63  }
0x103: {  	s24 =	sand.u32 $0x1FFFFFF0, s10;
	s2 =	sadd.s32 s3, s2;
	s25 =	spop (v2sf)  }
0x104: {  	[tilespmem:s21], [sflag:$0x1] =	stream.linear.gather [hbm4b:s2+s1], $0x80, $0x38;
	[tilespmem:$0xC200] =	vst v63  }
0x105: {  	s26 =	sand.u32 $0x1FFFFFF0, s25;
	s28 =	spop (v2sf);
	s0 =	sadd.s32 s3, s24  }
0x106: {  	[tilespmem:s22], [sflag:$0x1] =	stream.linear.gather [hbm4b:s0+s1], $0x80, $0x38;
	[tilespmem:$0xC200] =	vst v63  }
0x107: {  	s30 =	sadd.s32 $0x900, s20;
	s29 =	sand.u32 $0x1FFFFFF0, s28;
	s2 =	sadd.s32 s3, s26  }
0x108: {  	[tilespmem:s30], [sflag:$0x1] =	stream.linear.gather [hbm4b:s2+s1], $0x80, $0x38;
	[tilespmem:$0xC200] =	vst v63  }
0x109: {  	s31 =	sadd.s32 $0x980, s20;
	s0 =	sadd.s32 s3, s29  }
0x10a: {  	[tilespmem:s31], [sflag:$0x1] =	stream.linear.gather [hbm4b:s0+s1], $0x80, $0x38;
	[tilespmem:$0xC200] =	vst v63  }
0x10b: {  	_ =	swait.ge [sflag:s16], $0x80  }
0x10c: {  	s0 =	simm.s32 $0x7F;
	[sflag:s16] =	ssyncset.done $0x0  }
.LBB2_10:
0x10d: {  	p0 =	sne.s32 s0, $0x1;
	s0 =	sadd.s32 $0xFFFFFFFF, s0;
	[sflag:s16] =	ssyncadd.s32 $0xFFFFFF80  }
.Ltmp4:
0x10e: {  	(pc) =	sbr.rel @p0 .LBB2_10-.Ltmp4, $3  }
0x10f: {  	_ =	sdelay $0x1  }
0x110: {  	_ =	swait.ge [sflag:s16], $0x80  }
0x111: {  	[sflag:s16] =	ssyncset.done $0x0  }
0x112: {  	[sflag:s16] =	ssyncadd.s32 $0xFFFFFF80  }
0x113: {  	_ =	swait.ge [sflag:s17], $0x4000  }
0x114: {  	[sflag:s17] =	ssyncset.done $0x0  }
0x115: {  	s0 =	simm.s32 $0x0;
	[sflag:s17] =	ssyncadd.s32 $0xFFFFC000  }
0x116: {  	v3 =	vld [tilespmem:s0+$0x4230]  }
0x117: {  	v4 =	vld [tilespmem:s0+$0x200]  }
0x118: {  	v5 =	vld [tilespmem:s0+$0x4200]  }
0x119: {  	v2 =	vld [tilespmem:s0+$0x210]  }
0x11a: {  	v0 =	vld [tilespmem:s0+$0x4210]  }
0x11b: {  	v1 =	vld [tilespmem:s0+$0x220];
	[tilespmem:s0+$0x8270] =	vst v3  }
0x11c: {  	[tilespmem:s0+$0x8200] =	vst v4;
	v3 =	vld [tilespmem:s0+$0x4220]  }
0x11d: {  	s20 =	simm.s32 $0x80;
	s21 =	simm.s32 $0x400;
	[tilespmem:s0+$0x8240] =	vst v5;
	v4 =	vld [tilespmem:s0+$0x230]  }
.LBB2_12:
0x11e: {  	p0 =	sne.s32 s21, $0xFE00;
	v5 =	vld [tilespmem:s20+$0x4230];
	[tilespmem:s0+$0x8210] =	vst v2  }
0x11f: {  	v6 =	vld [tilespmem:s20+$0x200];
	[tilespmem:s0+$0x8250] =	vst v0  }
0x120: {  	v7 =	vld [tilespmem:s20+$0x4200];
	[tilespmem:s0+$0x8220] =	vst v1  }
.Ltmp5:
0x121: {  	v2 =	vld [tilespmem:s20+$0x210];
	[tilespmem:s0+$0x8260] =	vst v3;
	(pc) =	sbr.rel @p0 .LBB2_12-.Ltmp5, $4  }
0x122: {  	v0 =	vld [tilespmem:s20+$0x4210];
	[tilespmem:s0+$0x8230] =	vst v4;
	s0 =	smov.u32 s20  }
0x123: {  	v1 =	vld [tilespmem:s0+$0x220];
	[tilespmem:s0+$0x8270] =	vst v5  }
0x124: {  	[tilespmem:s0+$0x8200] =	vst v6;
	v3 =	vld [tilespmem:s0+$0x4220]  }
0x125: {  	s20 =	sshra.s32 s21, $0x2;
	s21 =	sadd.s32 $0x200, s21;
	[tilespmem:s0+$0x8240] =	vst v7;
	v4 =	vld [tilespmem:s0+$0x230]  }
0x126: {  	v5 =	vld [tilespmem:s20+$0x4230];
	[tilespmem:s0+$0x8210] =	vst v2  }
0x127: {  	v2 =	vld [tilespmem:s20+$0x200];
	[tilespmem:s0+$0x8250] =	vst v0  }
0x128: {  	v0 =	vld [tilespmem:s20+$0x4200];
	[tilespmem:s0+$0x8220] =	vst v1  }
0x129: {  	v1 =	vld [tilespmem:s20+$0x210];
	[tilespmem:s0+$0x8260] =	vst v3  }
0x12a: {  	v3 =	vld [tilespmem:s20+$0x4210];
	[tilespmem:s0+$0x8230] =	vst v4  }
0x12b: {  	v4 =	vld [tilespmem:s20+$0x220];
	[tilespmem:s20+$0x8270] =	vst v5  }
0x12c: {  	[tilespmem:s20+$0x8200] =	vst v2;
	v2 =	vld [tilespmem:s20+$0x4220]  }
0x12d: {  	[tilespmem:s20+$0x8240] =	vst v0;
	v0 =	vld [tilespmem:s20+$0x230]  }
0x12e: {  	[tilespmem:s20+$0x8210] =	vst v1  }
0x12f: {  	[tilespmem:s20+$0x8250] =	vst v3  }
0x130: {  	[tilespmem:s20+$0x8220] =	vst v4  }
0x131: {  	[tilespmem:s20+$0x8260] =	vst v2  }
0x132: {  	s30 =	simm.s32 $0x0;
	s2 =	rddreg [dreg:$0x8];
	[tilespmem:s20+$0x8230] =	vst v0  }
0x133: {  	[hbm4b:s2+s30] =	stream.linear.scatter [tilespmem:s18], [sflag:$0x3], $0x4000, $0x38;
	[tilespmem:$0xC200] =	vst v63  }
0x134: {  	_ =	swait.ge [sflag:s14], $0x4000  }
0x135: {  	[sflag:s14] =	ssyncset.done $0x0  }
0x136: {  	s21 =	simm.s32 $0x100;
	s31 =	rddreg [dreg:$0x9];
	[sflag:s14] =	ssyncadd.s32 $0xFFFFC000  }
0x137: {  	[tilespmem:s15], [sflag:$0x2] =	stream.linear.gather [hbm4b:s31+s30], $0x4000, $0x38;
	[tilespmem:$0xC200] =	vst v63  }
0x138: {  	v0 =	vld [tilespmem:s21+$0x0];
	_ =	sdelay $0x4  }
0x139: {  	v0 =	vshll.u32 v0, $0x4  }
0x13a: {  	(v2sf) =	vpush v0, $0x0  }
0x13b: {  	(v2sf) =	vpush v0, $0x1  }
0x13c: {  	(v2sf) =	vpush v0, $0x2;
	_ =	sdelay $0x1  }
0x13d: {  	(v2sf) =	vpush v0, $0x4;
	_ =	sdelay $0x1  }
0x13e: {  	(v2sf) =	vpush v0, $0x3  }
0x13f: {  	(v2sf) =	vpush v0, $0x5  }
0x140: {  	s22 =	simm.s32 $0x2000;
	s20 =	simm.s32 $0x0;
	(v2sf) =	vpush v0, $0x6  }
.LBB2_14:
0x141: {  	p0 =	sne.s32 s22, $0xE000  }
0x142: {  	s2 =	sadd.s32 $0x280, s20;
	s26 =	sadd.s32 $0x780, s20;
	s23 =	smov.u32 s22  }
0x143: {  	s22 =	sadd.s32 $0x2000, s22;
	s30 =	sadd.s32 $0x580, s20;
	s24 =	sadd.s32 $0x800, s20;
	(v2sf) =	vpush v0, $0x7  }
0x144: {  	s0 =	sadd.s32 $0x480, s20;
	s29 =	sadd.s32 $0x600, s20;
	s25 =	sadd.s32 $0x880, s20  }
0x145: {  	s4 =	sadd.s32 $0x200, s20;
	s5 =	sadd.s32 $0x400, s20;
	(v2sf) =	vpush v0, $0x8  }
0x146: {  	s6 =	sadd.s32 $0x500, s20;
	s21 =	sadd.s32 $0x10, s21  }
0x147: {  	s7 =	sadd.s32 $0x300, s20;
	s28 =	sadd.s32 $0x700, s20;
	s8 =	spop (v2sf);
	(v2sf) =	vpush v0, $0x9  }
0x148: {  	s31 =	sadd.s32 $0x680, s20;
	s8 =	sand.u32 $0x1FFFFFF0, s8;
	s9 =	spop (v2sf)  }
0x149: {  	s8 =	sadd.s32 s3, s8;
	s9 =	sand.u32 $0x1FFFFFF0, s9;
	s10 =	spop (v2sf);
	(v2sf) =	vpush v0, $0xA  }
0x14a: {  	[tilespmem:s4], [sflag:$0x1] =	stream.linear.gather [hbm4b:s8+s1], $0x80, $0x38;
	[tilespmem:$0xC200] =	vst v63  }
0x14b: {  	s4 =	sadd.s32 s3, s9;
	s8 =	sadd.s32 $0x380, s20;
	s9 =	spop (v2sf);
	(v2sf) =	vpush v0, $0xB  }
0x14c: {  	[tilespmem:s2], [sflag:$0x1] =	stream.linear.gather [hbm4b:s4+s1], $0x80, $0x38;
	[tilespmem:$0xC200] =	vst v63  }
0x14d: {  	s2 =	sand.u32 $0x1FFFFFF0, s10;
	s4 =	sand.u32 $0x1FFFFFF0, s9;
	s9 =	spop (v2sf);
	(v2sf) =	vpush v0, $0xC  }
0x14e: {  	s2 =	sadd.s32 s3, s2;
	s9 =	sand.u32 $0x1FFFFFF0, s9;
	s10 =	spop (v2sf)  }
0x14f: {  	[tilespmem:s7], [sflag:$0x1] =	stream.linear.gather [hbm4b:s2+s1], $0x80, $0x38;
	(v2sf) =	vpush v0, $0xD;
	[tilespmem:$0xC200] =	vst v63  }
0x150: {  	s2 =	sadd.s32 s3, s9;
	s7 =	sand.u32 $0x1FFFFFF0, s10;
	s9 =	spop (v2sf)  }
0x151: {  	[tilespmem:s8], [sflag:$0x1] =	stream.linear.gather [hbm4b:s2+s1], $0x80, $0x38;
	(v2sf) =	vpush v0, $0xE;
	[tilespmem:$0xC200] =	vst v63  }
0x152: {  	s2 =	sadd.s32 s3, s4;
	s4 =	sand.u32 $0x1FFFFFF0, s9;
	s8 =	spop (v2sf)  }
0x153: {  	[tilespmem:s5], [sflag:$0x1] =	stream.linear.gather [hbm4b:s2+s1], $0x80, $0x38;
	(v2sf) =	vpush v0, $0xF;
	[tilespmem:$0xC200] =	vst v63  }
0x154: {  	s2 =	sadd.s32 s3, s7;
	s5 =	sand.u32 $0x1FFFFFF0, s8;
	s7 =	spop (v2sf)  }
0x155: {  	[tilespmem:s0], [sflag:$0x1] =	stream.linear.gather [hbm4b:s2+s1], $0x80, $0x38;
	[tilespmem:$0xC200] =	vst v63  }
0x156: {  	s0 =	sadd.s32 s3, s4;
	s2 =	sand.u32 $0x1FFFFFF0, s7;
	s4 =	spop (v2sf)  }
0x157: {  	[tilespmem:s6], [sflag:$0x1] =	stream.linear.gather [hbm4b:s0+s1], $0x80, $0x38;
	[tilespmem:$0xC200] =	vst v63  }
0x158: {  	s0 =	sadd.s32 s3, s5;
	s4 =	sand.u32 $0x1FFFFFF0, s4;
	s5 =	spop (v2sf)  }
0x159: {  	[tilespmem:s30], [sflag:$0x1] =	stream.linear.gather [hbm4b:s0+s1], $0x80, $0x38;
	[tilespmem:$0xC200] =	vst v63  }
0x15a: {  	s0 =	sadd.s32 s3, s2;
	s2 =	sand.u32 $0x1FFFFFF0, s5;
	s5 =	spop (v2sf)  }
0x15b: {  	[tilespmem:s29], [sflag:$0x1] =	stream.linear.gather [hbm4b:s0+s1], $0x80, $0x38;
	[tilespmem:$0xC200] =	vst v63  }
0x15c: {  	s0 =	sadd.s32 s3, s4;
	s4 =	sand.u32 $0x1FFFFFF0, s5;
	s5 =	spop (v2sf)  }
0x15d: {  	[tilespmem:s31], [sflag:$0x1] =	stream.linear.gather [hbm4b:s0+s1], $0x80, $0x38;
	[tilespmem:$0xC200] =	vst v63  }
0x15e: {  	s0 =	sadd.s32 s3, s2;
	s2 =	sand.u32 $0x1FFFFFF0, s5;
	s5 =	spop (v2sf)  }
0x15f: {  	[tilespmem:s28], [sflag:$0x1] =	stream.linear.gather [hbm4b:s0+s1], $0x80, $0x38;
	[tilespmem:$0xC200] =	vst v63  }
0x160: {  	s0 =	sadd.s32 s3, s4;
	s4 =	sand.u32 $0x1FFFFFF0, s5;
	s5 =	spop (v2sf)  }
0x161: {  	[tilespmem:s26], [sflag:$0x1] =	stream.linear.gather [hbm4b:s0+s1], $0x80, $0x38;
	[tilespmem:$0xC200] =	vst v63  }
0x162: {  	s0 =	sadd.s32 s3, s2;
	s2 =	sand.u32 $0x1FFFFFF0, s5;
	s5 =	spop (v2sf)  }
0x163: {  	[tilespmem:s24], [sflag:$0x1] =	stream.linear.gather [hbm4b:s0+s1], $0x80, $0x38;
	[tilespmem:$0xC200] =	vst v63  }
0x164: {  	s0 =	sadd.s32 s3, s4;
	s4 =	sand.u32 $0x1FFFFFF0, s5  }
0x165: {  	[tilespmem:s25], [sflag:$0x1] =	stream.linear.gather [hbm4b:s0+s1], $0x80, $0x38;
	[tilespmem:$0xC200] =	vst v63  }
0x166: {  	s2 =	sadd.s32 s3, s2;
	s0 =	sadd.s32 $0x900, s20  }
0x167: {  	[tilespmem:s0], [sflag:$0x1] =	stream.linear.gather [hbm4b:s2+s1], $0x80, $0x38;
	[tilespmem:$0xC200] =	vst v63  }
0x168: {  	s0 =	sadd.s32 $0x980, s20;
	s2 =	sadd.s32 s3, s4  }
0x169: {  	[tilespmem:s0], [sflag:$0x1] =	stream.linear.gather [hbm4b:s2+s1], $0x80, $0x38;
	[tilespmem:$0xC200] =	vst v63  }
0x16a: {  	v0 =	vld [tilespmem:s21+$0x0];
	_ =	sdelay $0x4  }
0x16b: {  	v0 =	vshll.u32 v0, $0x4  }
0x16c: {  	(v2sf) =	vpush v0, $0x0  }
0x16d: {  	(v2sf) =	vpush v0, $0x1  }
0x16e: {  	(v2sf) =	vpush v0, $0x2;
	_ =	sdelay $0x1  }
0x16f: {  	(v2sf) =	vpush v0, $0x4  }
.Ltmp6:
0x170: {  	(pc) =	sbr.rel @p0 .LBB2_14-.Ltmp6, $3  }
0x171: {  	(v2sf) =	vpush v0, $0x3  }
0x172: {  	(v2sf) =	vpush v0, $0x5;
	_ =	sdelay $0x1  }
0x173: {  	s20 =	sshra.s32 s23, $0x2;
	(v2sf) =	vpush v0, $0x6  }
0x174: {  	_ =	sdelay $0x1  }
0x175: {  	s0 =	sadd.s32 $0x280, s20;
	s23 =	sadd.s32 $0x780, s20  }
0x176: {  	s2 =	sadd.s32 $0x580, s20;
	s21 =	sadd.s32 $0x800, s20;
	(v2sf) =	vpush v0, $0x7;
	s4 =	sadd.s32 $0x480, s20  }
0x177: {  	s5 =	sadd.s32 $0x600, s20;
	s22 =	sadd.s32 $0x880, s20;
	s6 =	sadd.s32 $0x200, s20  }
0x178: {  	s7 =	sadd.s32 $0x400, s20;
	s8 =	sadd.s32 $0x500, s20;
	(v2sf) =	vpush v0, $0x8;
	s9 =	spop (v2sf)  }
0x179: {  	s10 =	sadd.s32 $0x300, s20;
	s9 =	sand.u32 $0x1FFFFFF0, s9;
	s24 =	spop (v2sf)  }
0x17a: {  	(v2sf) =	vpush v0, $0x9;
	s9 =	sadd.s32 s3, s9;
	s24 =	sand.u32 $0x1FFFFFF0, s24;
	s25 =	spop (v2sf)  }
0x17b: {  	[tilespmem:s6], [sflag:$0x1] =	stream.linear.gather [hbm4b:s9+s1], $0x80, $0x38;
	[tilespmem:$0xC200] =	vst v63  }
0x17c: {  	(v2sf) =	vpush v0, $0xA;
	s26 =	sadd.s32 s3, s24;
	s29 =	sand.u32 $0x1FFFFFF0, s25;
	s28 =	spop (v2sf)  }
0x17d: {  	[tilespmem:s0], [sflag:$0x1] =	stream.linear.gather [hbm4b:s26+s1], $0x80, $0x38;
	[tilespmem:$0xC200] =	vst v63  }
0x17e: {  	s6 =	sadd.s32 $0x700, s20;
	(v2sf) =	vpush v0, $0xB;
	s9 =	sadd.s32 s3, s29;
	s30 =	spop (v2sf)  }
0x17f: {  	s0 =	sadd.s32 $0x680, s20;
	s26 =	sadd.s32 $0x380, s20;
	s25 =	sand.u32 $0x1FFFFFF0, s30  }
0x180: {  	(v2sf) =	vpush v0, $0xC;
	[tilespmem:s10], [sflag:$0x1] =	stream.linear.gather [hbm4b:s9+s1], $0x80, $0x38;
	[tilespmem:$0xC200] =	vst v63  }
0x181: {  	s31 =	sand.u32 $0x1FFFFFF0, s28;
	s28 =	spop (v2sf);
	s29 =	sadd.s32 s3, s25  }
0x182: {  	(v2sf) =	vpush v0, $0xD;
	[tilespmem:s26], [sflag:$0x1] =	stream.linear.gather [hbm4b:s29+s1], $0x80, $0x38;
	[tilespmem:$0xC200] =	vst v63  }
0x183: {  	s9 =	sadd.s32 s3, s31;
	s10 =	sand.u32 $0x1FFFFFF0, s28;
	s30 =	spop (v2sf)  }
0x184: {  	(v2sf) =	vpush v0, $0xE;
	[tilespmem:s7], [sflag:$0x1] =	stream.linear.gather [hbm4b:s9+s1], $0x80, $0x38;
	[tilespmem:$0xC200] =	vst v63  }
0x185: {  	s10 =	sadd.s32 s3, s10;
	s31 =	sand.u32 $0x1FFFFFF0, s30;
	s24 =	spop (v2sf)  }
0x186: {  	(v2sf) =	vpush v0, $0xF;
	[tilespmem:s4], [sflag:$0x1] =	stream.linear.gather [hbm4b:s10+s1], $0x80, $0x38;
	[tilespmem:$0xC200] =	vst v63  }
0x187: {  	s25 =	sand.u32 $0x1FFFFFF0, s24;
	s26 =	spop (v2sf);
	s7 =	sadd.s32 s3, s31  }
0x188: {  	[tilespmem:s8], [sflag:$0x1] =	stream.linear.gather [hbm4b:s7+s1], $0x80, $0x38;
	[tilespmem:$0xC200] =	vst v63  }
0x189: {  	s28 =	sand.u32 $0x1FFFFFF0, s26;
	s4 =	sadd.s32 s3, s25;
	s29 =	spop (v2sf)  }
0x18a: {  	[tilespmem:s2], [sflag:$0x1] =	stream.linear.gather [hbm4b:s4+s1], $0x80, $0x38;
	[tilespmem:$0xC200] =	vst v63  }
0x18b: {  	s7 =	sadd.s32 s3, s28;
	s30 =	sand.u32 $0x1FFFFFF0, s29;
	s31 =	spop (v2sf)  }
0x18c: {  	[tilespmem:s5], [sflag:$0x1] =	stream.linear.gather [hbm4b:s7+s1], $0x80, $0x38;
	[tilespmem:$0xC200] =	vst v63  }
0x18d: {  	s4 =	sand.u32 $0x1FFFFFF0, s31;
	s2 =	sadd.s32 s3, s30;
	s7 =	spop (v2sf)  }
0x18e: {  	[tilespmem:s0], [sflag:$0x1] =	stream.linear.gather [hbm4b:s2+s1], $0x80, $0x38;
	[tilespmem:$0xC200] =	vst v63  }
0x18f: {  	s4 =	sadd.s32 s3, s4;
	s8 =	sand.u32 $0x1FFFFFF0, s7;
	s9 =	spop (v2sf)  }
0x190: {  	[tilespmem:s6], [sflag:$0x1] =	stream.linear.gather [hbm4b:s4+s1], $0x80, $0x38;
	[tilespmem:$0xC200] =	vst v63  }
0x191: {  	s0 =	sadd.s32 s3, s8;
	s2 =	sand.u32 $0x1FFFFFF0, s9;
	s10 =	spop (v2sf)  }
0x192: {  	[tilespmem:s23], [sflag:$0x1] =	stream.linear.gather [hbm4b:s0+s1], $0x80, $0x38;
	[tilespmem:$0xC200] =	vst v63  }
0x193: {  	s24 =	sand.u32 $0x1FFFFFF0, s10;
	s2 =	sadd.s32 s3, s2;
	s25 =	spop (v2sf)  }
0x194: {  	[tilespmem:s21], [sflag:$0x1] =	stream.linear.gather [hbm4b:s2+s1], $0x80, $0x38;
	[tilespmem:$0xC200] =	vst v63  }
0x195: {  	s26 =	sand.u32 $0x1FFFFFF0, s25;
	s28 =	spop (v2sf);
	s0 =	sadd.s32 s3, s24  }
0x196: {  	[tilespmem:s22], [sflag:$0x1] =	stream.linear.gather [hbm4b:s0+s1], $0x80, $0x38;
	[tilespmem:$0xC200] =	vst v63  }
0x197: {  	s30 =	sadd.s32 $0x900, s20;
	s29 =	sand.u32 $0x1FFFFFF0, s28;
	s2 =	sadd.s32 s3, s26  }
0x198: {  	[tilespmem:s30], [sflag:$0x1] =	stream.linear.gather [hbm4b:s2+s1], $0x80, $0x38;
	[tilespmem:$0xC200] =	vst v63  }
0x199: {  	s31 =	sadd.s32 $0x980, s20;
	s0 =	sadd.s32 s3, s29  }
0x19a: {  	[tilespmem:s31], [sflag:$0x1] =	stream.linear.gather [hbm4b:s0+s1], $0x80, $0x38;
	[tilespmem:$0xC200] =	vst v63  }
0x19b: {  	_ =	swait.ge [sflag:s16], $0x80  }
0x19c: {  	s0 =	simm.s32 $0x7F;
	[sflag:s16] =	ssyncset.done $0x0  }
.LBB2_16:
0x19d: {  	p0 =	sne.s32 s0, $0x1;
	s0 =	sadd.s32 $0xFFFFFFFF, s0;
	[sflag:s16] =	ssyncadd.s32 $0xFFFFFF80  }
.Ltmp7:
0x19e: {  	(pc) =	sbr.rel @p0 .LBB2_16-.Ltmp7, $3  }
0x19f: {  	_ =	sdelay $0x1  }
0x1a0: {  	_ =	swait.ge [sflag:s16], $0x80  }
0x1a1: {  	[sflag:s16] =	ssyncset.done $0x0  }
0x1a2: {  	[sflag:s16] =	ssyncadd.s32 $0xFFFFFF80  }
0x1a3: {  	_ =	swait.ge [sflag:s17], $0x4000  }
0x1a4: {  	[sflag:s17] =	ssyncset.done $0x0  }
0x1a5: {  	s0 =	simm.s32 $0x0;
	[sflag:s17] =	ssyncadd.s32 $0xFFFFC000  }
0x1a6: {  	v3 =	vld [tilespmem:s0+$0x4230]  }
0x1a7: {  	v4 =	vld [tilespmem:s0+$0x200]  }
0x1a8: {  	v5 =	vld [tilespmem:s0+$0x4200]  }
0x1a9: {  	v2 =	vld [tilespmem:s0+$0x210]  }
0x1aa: {  	v0 =	vld [tilespmem:s0+$0x4210]  }
0x1ab: {  	v1 =	vld [tilespmem:s0+$0x220];
	[tilespmem:s0+$0x8270] =	vst v3  }
0x1ac: {  	[tilespmem:s0+$0x8200] =	vst v4;
	v3 =	vld [tilespmem:s0+$0x4220]  }
0x1ad: {  	s20 =	simm.s32 $0x80;
	s21 =	simm.s32 $0x400;
	[tilespmem:s0+$0x8240] =	vst v5;
	v4 =	vld [tilespmem:s0+$0x230]  }
.LBB2_18:
0x1ae: {  	p0 =	sne.s32 s21, $0xFE00;
	v5 =	vld [tilespmem:s20+$0x4230];
	[tilespmem:s0+$0x8210] =	vst v2  }
0x1af: {  	v6 =	vld [tilespmem:s20+$0x200];
	[tilespmem:s0+$0x8250] =	vst v0  }
0x1b0: {  	v7 =	vld [tilespmem:s20+$0x4200];
	[tilespmem:s0+$0x8220] =	vst v1  }
.Ltmp8:
0x1b1: {  	v2 =	vld [tilespmem:s20+$0x210];
	[tilespmem:s0+$0x8260] =	vst v3;
	(pc) =	sbr.rel @p0 .LBB2_18-.Ltmp8, $4  }
0x1b2: {  	v0 =	vld [tilespmem:s20+$0x4210];
	[tilespmem:s0+$0x8230] =	vst v4;
	s0 =	smov.u32 s20  }
0x1b3: {  	v1 =	vld [tilespmem:s0+$0x220];
	[tilespmem:s0+$0x8270] =	vst v5  }
0x1b4: {  	[tilespmem:s0+$0x8200] =	vst v6;
	v3 =	vld [tilespmem:s0+$0x4220]  }
0x1b5: {  	s20 =	sshra.s32 s21, $0x2;
	s21 =	sadd.s32 $0x200, s21;
	[tilespmem:s0+$0x8240] =	vst v7;
	v4 =	vld [tilespmem:s0+$0x230]  }
0x1b6: {  	v5 =	vld [tilespmem:s20+$0x4230];
	[tilespmem:s0+$0x8210] =	vst v2  }
0x1b7: {  	v2 =	vld [tilespmem:s20+$0x200];
	[tilespmem:s0+$0x8250] =	vst v0  }
0x1b8: {  	v0 =	vld [tilespmem:s20+$0x4200];
	[tilespmem:s0+$0x8220] =	vst v1  }
0x1b9: {  	v1 =	vld [tilespmem:s20+$0x210];
	[tilespmem:s0+$0x8260] =	vst v3  }
0x1ba: {  	v3 =	vld [tilespmem:s20+$0x4210];
	[tilespmem:s0+$0x8230] =	vst v4  }
0x1bb: {  	v4 =	vld [tilespmem:s20+$0x220];
	[tilespmem:s20+$0x8270] =	vst v5  }
0x1bc: {  	[tilespmem:s20+$0x8200] =	vst v2;
	v2 =	vld [tilespmem:s20+$0x4220]  }
0x1bd: {  	[tilespmem:s20+$0x8240] =	vst v0;
	v0 =	vld [tilespmem:s20+$0x230]  }
0x1be: {  	[tilespmem:s20+$0x8210] =	vst v1  }
0x1bf: {  	[tilespmem:s20+$0x8250] =	vst v3  }
0x1c0: {  	[tilespmem:s20+$0x8220] =	vst v4  }
0x1c1: {  	[tilespmem:s20+$0x8260] =	vst v2  }
0x1c2: {  	s31 =	simm.s32 $0x0;
	s2 =	rddreg [dreg:$0xa];
	[tilespmem:s20+$0x8230] =	vst v0  }
0x1c3: {  	[hbm4b:s2+s31] =	stream.linear.scatter [tilespmem:s18], [sflag:$0x3], $0x4000, $0x38;
	[tilespmem:$0xC200] =	vst v63  }
0x1c4: {  	_ =	swait.ge [sflag:s14], $0x4000  }
0x1c5: {  	[sflag:s14] =	ssyncset.done $0x0  }
0x1c6: {  	s21 =	simm.s32 $0x180;
	[sflag:s14] =	ssyncadd.s32 $0xFFFFC000  }
0x1c7: {  	[tilespmem:s15], [sflag:$0x2] =	stream.linear.gather [hbm4b:s11+s31], $0x4000, $0x38;
	[tilespmem:$0xC200] =	vst v63  }
0x1c8: {  	v0 =	vld [tilespmem:s21+$0x0];
	_ =	sdelay $0x4  }
0x1c9: {  	v0 =	vshll.u32 v0, $0x4  }
0x1ca: {  	(v2sf) =	vpush v0, $0x0  }
0x1cb: {  	(v2sf) =	vpush v0, $0x1  }
0x1cc: {  	(v2sf) =	vpush v0, $0x2;
	_ =	sdelay $0x1  }
0x1cd: {  	(v2sf) =	vpush v0, $0x4;
	_ =	sdelay $0x1  }
0x1ce: {  	(v2sf) =	vpush v0, $0x3  }
0x1cf: {  	(v2sf) =	vpush v0, $0x5  }
0x1d0: {  	s22 =	simm.s32 $0x2000;
	s20 =	simm.s32 $0x0;
	(v2sf) =	vpush v0, $0x6  }
.LBB2_20:
0x1d1: {  	p0 =	sne.s32 s22, $0xE000  }
0x1d2: {  	s2 =	sadd.s32 $0x280, s20;
	s26 =	sadd.s32 $0x780, s20;
	s23 =	smov.u32 s22  }
0x1d3: {  	s22 =	sadd.s32 $0x2000, s22;
	s30 =	sadd.s32 $0x580, s20;
	s24 =	sadd.s32 $0x800, s20;
	(v2sf) =	vpush v0, $0x7  }
0x1d4: {  	s0 =	sadd.s32 $0x480, s20;
	s29 =	sadd.s32 $0x600, s20;
	s25 =	sadd.s32 $0x880, s20  }
0x1d5: {  	s4 =	sadd.s32 $0x200, s20;
	s5 =	sadd.s32 $0x400, s20;
	(v2sf) =	vpush v0, $0x8  }
0x1d6: {  	s6 =	sadd.s32 $0x500, s20;
	s21 =	sadd.s32 $0x10, s21  }
0x1d7: {  	s7 =	sadd.s32 $0x300, s20;
	s28 =	sadd.s32 $0x700, s20;
	s8 =	spop (v2sf);
	(v2sf) =	vpush v0, $0x9  }
0x1d8: {  	s31 =	sadd.s32 $0x680, s20;
	s8 =	sand.u32 $0x1FFFFFF0, s8;
	s9 =	spop (v2sf)  }
0x1d9: {  	s8 =	sadd.s32 s3, s8;
	s9 =	sand.u32 $0x1FFFFFF0, s9;
	s10 =	spop (v2sf);
	(v2sf) =	vpush v0, $0xA  }
0x1da: {  	[tilespmem:s4], [sflag:$0x1] =	stream.linear.gather [hbm4b:s8+s1], $0x80, $0x38;
	[tilespmem:$0xC200] =	vst v63  }
0x1db: {  	s4 =	sadd.s32 s3, s9;
	s8 =	sadd.s32 $0x380, s20;
	s9 =	spop (v2sf);
	(v2sf) =	vpush v0, $0xB  }
0x1dc: {  	[tilespmem:s2], [sflag:$0x1] =	stream.linear.gather [hbm4b:s4+s1], $0x80, $0x38;
	[tilespmem:$0xC200] =	vst v63  }
0x1dd: {  	s2 =	sand.u32 $0x1FFFFFF0, s10;
	s4 =	sand.u32 $0x1FFFFFF0, s9;
	s9 =	spop (v2sf);
	(v2sf) =	vpush v0, $0xC  }
0x1de: {  	s2 =	sadd.s32 s3, s2;
	s9 =	sand.u32 $0x1FFFFFF0, s9;
	s10 =	spop (v2sf)  }
0x1df: {  	[tilespmem:s7], [sflag:$0x1] =	stream.linear.gather [hbm4b:s2+s1], $0x80, $0x38;
	(v2sf) =	vpush v0, $0xD;
	[tilespmem:$0xC200] =	vst v63  }
0x1e0: {  	s2 =	sadd.s32 s3, s9;
	s7 =	sand.u32 $0x1FFFFFF0, s10;
	s9 =	spop (v2sf)  }
0x1e1: {  	[tilespmem:s8], [sflag:$0x1] =	stream.linear.gather [hbm4b:s2+s1], $0x80, $0x38;
	(v2sf) =	vpush v0, $0xE;
	[tilespmem:$0xC200] =	vst v63  }
0x1e2: {  	s2 =	sadd.s32 s3, s4;
	s4 =	sand.u32 $0x1FFFFFF0, s9;
	s8 =	spop (v2sf)  }
0x1e3: {  	[tilespmem:s5], [sflag:$0x1] =	stream.linear.gather [hbm4b:s2+s1], $0x80, $0x38;
	(v2sf) =	vpush v0, $0xF;
	[tilespmem:$0xC200] =	vst v63  }
0x1e4: {  	s2 =	sadd.s32 s3, s7;
	s5 =	sand.u32 $0x1FFFFFF0, s8;
	s7 =	spop (v2sf)  }
0x1e5: {  	[tilespmem:s0], [sflag:$0x1] =	stream.linear.gather [hbm4b:s2+s1], $0x80, $0x38;
	[tilespmem:$0xC200] =	vst v63  }
0x1e6: {  	s0 =	sadd.s32 s3, s4;
	s2 =	sand.u32 $0x1FFFFFF0, s7;
	s4 =	spop (v2sf)  }
0x1e7: {  	[tilespmem:s6], [sflag:$0x1] =	stream.linear.gather [hbm4b:s0+s1], $0x80, $0x38;
	[tilespmem:$0xC200] =	vst v63  }
0x1e8: {  	s0 =	sadd.s32 s3, s5;
	s4 =	sand.u32 $0x1FFFFFF0, s4;
	s5 =	spop (v2sf)  }
0x1e9: {  	[tilespmem:s30], [sflag:$0x1] =	stream.linear.gather [hbm4b:s0+s1], $0x80, $0x38;
	[tilespmem:$0xC200] =	vst v63  }
0x1ea: {  	s0 =	sadd.s32 s3, s2;
	s2 =	sand.u32 $0x1FFFFFF0, s5;
	s5 =	spop (v2sf)  }
0x1eb: {  	[tilespmem:s29], [sflag:$0x1] =	stream.linear.gather [hbm4b:s0+s1], $0x80, $0x38;
	[tilespmem:$0xC200] =	vst v63  }
0x1ec: {  	s0 =	sadd.s32 s3, s4;
	s4 =	sand.u32 $0x1FFFFFF0, s5;
	s5 =	spop (v2sf)  }
0x1ed: {  	[tilespmem:s31], [sflag:$0x1] =	stream.linear.gather [hbm4b:s0+s1], $0x80, $0x38;
	[tilespmem:$0xC200] =	vst v63  }
0x1ee: {  	s0 =	sadd.s32 s3, s2;
	s2 =	sand.u32 $0x1FFFFFF0, s5;
	s5 =	spop (v2sf)  }
0x1ef: {  	[tilespmem:s28], [sflag:$0x1] =	stream.linear.gather [hbm4b:s0+s1], $0x80, $0x38;
	[tilespmem:$0xC200] =	vst v63  }
0x1f0: {  	s0 =	sadd.s32 s3, s4;
	s4 =	sand.u32 $0x1FFFFFF0, s5;
	s5 =	spop (v2sf)  }
0x1f1: {  	[tilespmem:s26], [sflag:$0x1] =	stream.linear.gather [hbm4b:s0+s1], $0x80, $0x38;
	[tilespmem:$0xC200] =	vst v63  }
0x1f2: {  	s0 =	sadd.s32 s3, s2;
	s2 =	sand.u32 $0x1FFFFFF0, s5;
	s5 =	spop (v2sf)  }
0x1f3: {  	[tilespmem:s24], [sflag:$0x1] =	stream.linear.gather [hbm4b:s0+s1], $0x80, $0x38;
	[tilespmem:$0xC200] =	vst v63  }
0x1f4: {  	s0 =	sadd.s32 s3, s4;
	s4 =	sand.u32 $0x1FFFFFF0, s5  }
0x1f5: {  	[tilespmem:s25], [sflag:$0x1] =	stream.linear.gather [hbm4b:s0+s1], $0x80, $0x38;
	[tilespmem:$0xC200] =	vst v63  }
0x1f6: {  	s2 =	sadd.s32 s3, s2;
	s0 =	sadd.s32 $0x900, s20  }
0x1f7: {  	[tilespmem:s0], [sflag:$0x1] =	stream.linear.gather [hbm4b:s2+s1], $0x80, $0x38;
	[tilespmem:$0xC200] =	vst v63  }
0x1f8: {  	s0 =	sadd.s32 $0x980, s20;
	s2 =	sadd.s32 s3, s4  }
0x1f9: {  	[tilespmem:s0], [sflag:$0x1] =	stream.linear.gather [hbm4b:s2+s1], $0x80, $0x38;
	[tilespmem:$0xC200] =	vst v63  }
0x1fa: {  	v0 =	vld [tilespmem:s21+$0x0];
	_ =	sdelay $0x4  }
0x1fb: {  	v0 =	vshll.u32 v0, $0x4  }
0x1fc: {  	(v2sf) =	vpush v0, $0x0  }
0x1fd: {  	(v2sf) =	vpush v0, $0x1  }
0x1fe: {  	(v2sf) =	vpush v0, $0x2;
	_ =	sdelay $0x1  }
0x1ff: {  	(v2sf) =	vpush v0, $0x4  }
.Ltmp9:
0x200: {  	(pc) =	sbr.rel @p0 .LBB2_20-.Ltmp9, $3  }
0x201: {  	(v2sf) =	vpush v0, $0x3  }
0x202: {  	(v2sf) =	vpush v0, $0x5;
	_ =	sdelay $0x1  }
0x203: {  	s20 =	sshra.s32 s23, $0x2;
	(v2sf) =	vpush v0, $0x6  }
0x204: {  	_ =	sdelay $0x1  }
0x205: {  	s0 =	sadd.s32 $0x280, s20;
	s23 =	sadd.s32 $0x780, s20  }
0x206: {  	s2 =	sadd.s32 $0x580, s20;
	s21 =	sadd.s32 $0x800, s20;
	(v2sf) =	vpush v0, $0x7;
	s4 =	sadd.s32 $0x480, s20  }
0x207: {  	s5 =	sadd.s32 $0x600, s20;
	s22 =	sadd.s32 $0x880, s20;
	s6 =	sadd.s32 $0x200, s20  }
0x208: {  	s7 =	sadd.s32 $0x400, s20;
	s8 =	sadd.s32 $0x500, s20;
	(v2sf) =	vpush v0, $0x8;
	s9 =	spop (v2sf)  }
0x209: {  	s10 =	sadd.s32 $0x300, s20;
	s9 =	sand.u32 $0x1FFFFFF0, s9;
	s24 =	spop (v2sf)  }
0x20a: {  	(v2sf) =	vpush v0, $0x9;
	s9 =	sadd.s32 s3, s9;
	s24 =	sand.u32 $0x1FFFFFF0, s24;
	s25 =	spop (v2sf)  }
0x20b: {  	[tilespmem:s6], [sflag:$0x1] =	stream.linear.gather [hbm4b:s9+s1], $0x80, $0x38;
	[tilespmem:$0xC200] =	vst v63  }
0x20c: {  	(v2sf) =	vpush v0, $0xA;
	s26 =	sadd.s32 s3, s24;
	s29 =	sand.u32 $0x1FFFFFF0, s25;
	s28 =	spop (v2sf)  }
0x20d: {  	[tilespmem:s0], [sflag:$0x1] =	stream.linear.gather [hbm4b:s26+s1], $0x80, $0x38;
	[tilespmem:$0xC200] =	vst v63  }
0x20e: {  	s6 =	sadd.s32 $0x700, s20;
	(v2sf) =	vpush v0, $0xB;
	s9 =	sadd.s32 s3, s29;
	s30 =	spop (v2sf)  }
0x20f: {  	s0 =	sadd.s32 $0x680, s20;
	s26 =	sadd.s32 $0x380, s20;
	s25 =	sand.u32 $0x1FFFFFF0, s30  }
0x210: {  	(v2sf) =	vpush v0, $0xC;
	[tilespmem:s10], [sflag:$0x1] =	stream.linear.gather [hbm4b:s9+s1], $0x80, $0x38;
	[tilespmem:$0xC200] =	vst v63  }
0x211: {  	s31 =	sand.u32 $0x1FFFFFF0, s28;
	s28 =	spop (v2sf);
	s29 =	sadd.s32 s3, s25  }
0x212: {  	(v2sf) =	vpush v0, $0xD;
	[tilespmem:s26], [sflag:$0x1] =	stream.linear.gather [hbm4b:s29+s1], $0x80, $0x38;
	[tilespmem:$0xC200] =	vst v63  }
0x213: {  	s9 =	sadd.s32 s3, s31;
	s10 =	sand.u32 $0x1FFFFFF0, s28;
	s30 =	spop (v2sf)  }
0x214: {  	(v2sf) =	vpush v0, $0xE;
	[tilespmem:s7], [sflag:$0x1] =	stream.linear.gather [hbm4b:s9+s1], $0x80, $0x38;
	[tilespmem:$0xC200] =	vst v63  }
0x215: {  	s10 =	sadd.s32 s3, s10;
	s31 =	sand.u32 $0x1FFFFFF0, s30;
	s24 =	spop (v2sf)  }
0x216: {  	(v2sf) =	vpush v0, $0xF;
	[tilespmem:s4], [sflag:$0x1] =	stream.linear.gather [hbm4b:s10+s1], $0x80, $0x38;
	[tilespmem:$0xC200] =	vst v63  }
0x217: {  	s25 =	sand.u32 $0x1FFFFFF0, s24;
	s26 =	spop (v2sf);
	s7 =	sadd.s32 s3, s31  }
0x218: {  	[tilespmem:s8], [sflag:$0x1] =	stream.linear.gather [hbm4b:s7+s1], $0x80, $0x38;
	[tilespmem:$0xC200] =	vst v63  }
0x219: {  	s28 =	sand.u32 $0x1FFFFFF0, s26;
	s4 =	sadd.s32 s3, s25;
	s29 =	spop (v2sf)  }
0x21a: {  	[tilespmem:s2], [sflag:$0x1] =	stream.linear.gather [hbm4b:s4+s1], $0x80, $0x38;
	[tilespmem:$0xC200] =	vst v63  }
0x21b: {  	s7 =	sadd.s32 s3, s28;
	s30 =	sand.u32 $0x1FFFFFF0, s29;
	s31 =	spop (v2sf)  }
0x21c: {  	[tilespmem:s5], [sflag:$0x1] =	stream.linear.gather [hbm4b:s7+s1], $0x80, $0x38;
	[tilespmem:$0xC200] =	vst v63  }
0x21d: {  	s4 =	sand.u32 $0x1FFFFFF0, s31;
	s2 =	sadd.s32 s3, s30;
	s7 =	spop (v2sf)  }
0x21e: {  	[tilespmem:s0], [sflag:$0x1] =	stream.linear.gather [hbm4b:s2+s1], $0x80, $0x38;
	[tilespmem:$0xC200] =	vst v63  }
0x21f: {  	s4 =	sadd.s32 s3, s4;
	s8 =	sand.u32 $0x1FFFFFF0, s7;
	s9 =	spop (v2sf)  }
0x220: {  	[tilespmem:s6], [sflag:$0x1] =	stream.linear.gather [hbm4b:s4+s1], $0x80, $0x38;
	[tilespmem:$0xC200] =	vst v63  }
0x221: {  	s0 =	sadd.s32 s3, s8;
	s2 =	sand.u32 $0x1FFFFFF0, s9;
	s10 =	spop (v2sf)  }
0x222: {  	[tilespmem:s23], [sflag:$0x1] =	stream.linear.gather [hbm4b:s0+s1], $0x80, $0x38;
	[tilespmem:$0xC200] =	vst v63  }
0x223: {  	s24 =	sand.u32 $0x1FFFFFF0, s10;
	s2 =	sadd.s32 s3, s2;
	s25 =	spop (v2sf)  }
0x224: {  	[tilespmem:s21], [sflag:$0x1] =	stream.linear.gather [hbm4b:s2+s1], $0x80, $0x38;
	[tilespmem:$0xC200] =	vst v63  }
0x225: {  	s26 =	sand.u32 $0x1FFFFFF0, s25;
	s28 =	spop (v2sf);
	s0 =	sadd.s32 s3, s24  }
0x226: {  	[tilespmem:s22], [sflag:$0x1] =	stream.linear.gather [hbm4b:s0+s1], $0x80, $0x38;
	[tilespmem:$0xC200] =	vst v63  }
0x227: {  	s30 =	sadd.s32 $0x900, s20;
	s29 =	sand.u32 $0x1FFFFFF0, s28;
	s2 =	sadd.s32 s3, s26  }
0x228: {  	[tilespmem:s30], [sflag:$0x1] =	stream.linear.gather [hbm4b:s2+s1], $0x80, $0x38;
	[tilespmem:$0xC200] =	vst v63  }
0x229: {  	s31 =	sadd.s32 $0x980, s20;
	s0 =	sadd.s32 s3, s29  }
0x22a: {  	[tilespmem:s31], [sflag:$0x1] =	stream.linear.gather [hbm4b:s0+s1], $0x80, $0x38;
	[tilespmem:$0xC200] =	vst v63  }
0x22b: {  	_ =	swait.ge [sflag:s16], $0x80  }
0x22c: {  	s0 =	simm.s32 $0x7F;
	[sflag:s16] =	ssyncset.done $0x0  }
.LBB2_22:
0x22d: {  	p0 =	sne.s32 s0, $0x1;
	s0 =	sadd.s32 $0xFFFFFFFF, s0;
	[sflag:s16] =	ssyncadd.s32 $0xFFFFFF80  }
.Ltmp10:
0x22e: {  	(pc) =	sbr.rel @p0 .LBB2_22-.Ltmp10, $3  }
0x22f: {  	_ =	sdelay $0x1  }
0x230: {  	_ =	swait.ge [sflag:s16], $0x80  }
0x231: {  	[sflag:s16] =	ssyncset.done $0x0  }
0x232: {  	[sflag:s16] =	ssyncadd.s32 $0xFFFFFF80  }
0x233: {  	_ =	swait.ge [sflag:s17], $0x4000  }
0x234: {  	[sflag:s17] =	ssyncset.done $0x0  }
0x235: {  	s0 =	simm.s32 $0x0;
	[sflag:s17] =	ssyncadd.s32 $0xFFFFC000  }
0x236: {  	v3 =	vld [tilespmem:s0+$0x4230]  }
0x237: {  	v4 =	vld [tilespmem:s0+$0x200]  }
0x238: {  	v5 =	vld [tilespmem:s0+$0x4200]  }
0x239: {  	v2 =	vld [tilespmem:s0+$0x210]  }
0x23a: {  	v0 =	vld [tilespmem:s0+$0x4210]  }
0x23b: {  	v1 =	vld [tilespmem:s0+$0x220];
	[tilespmem:s0+$0x8270] =	vst v3  }
0x23c: {  	[tilespmem:s0+$0x8200] =	vst v4;
	v3 =	vld [tilespmem:s0+$0x4220]  }
0x23d: {  	s20 =	simm.s32 $0x80;
	s21 =	simm.s32 $0x400;
	[tilespmem:s0+$0x8240] =	vst v5;
	v4 =	vld [tilespmem:s0+$0x230]  }
.LBB2_24:
0x23e: {  	p0 =	sne.s32 s21, $0xFE00;
	v5 =	vld [tilespmem:s20+$0x4230];
	[tilespmem:s0+$0x8210] =	vst v2  }
0x23f: {  	v6 =	vld [tilespmem:s20+$0x200];
	[tilespmem:s0+$0x8250] =	vst v0  }
0x240: {  	v7 =	vld [tilespmem:s20+$0x4200];
	[tilespmem:s0+$0x8220] =	vst v1  }
.Ltmp11:
0x241: {  	v2 =	vld [tilespmem:s20+$0x210];
	[tilespmem:s0+$0x8260] =	vst v3;
	(pc) =	sbr.rel @p0 .LBB2_24-.Ltmp11, $4  }
0x242: {  	v0 =	vld [tilespmem:s20+$0x4210];
	[tilespmem:s0+$0x8230] =	vst v4;
	s0 =	smov.u32 s20  }
0x243: {  	v1 =	vld [tilespmem:s0+$0x220];
	[tilespmem:s0+$0x8270] =	vst v5  }
0x244: {  	[tilespmem:s0+$0x8200] =	vst v6;
	v3 =	vld [tilespmem:s0+$0x4220]  }
0x245: {  	s20 =	sshra.s32 s21, $0x2;
	s21 =	sadd.s32 $0x200, s21;
	[tilespmem:s0+$0x8240] =	vst v7;
	v4 =	vld [tilespmem:s0+$0x230]  }
0x246: {  	v5 =	vld [tilespmem:s20+$0x4230];
	[tilespmem:s0+$0x8210] =	vst v2  }
0x247: {  	v2 =	vld [tilespmem:s20+$0x200];
	[tilespmem:s0+$0x8250] =	vst v0  }
0x248: {  	v0 =	vld [tilespmem:s20+$0x4200];
	[tilespmem:s0+$0x8220] =	vst v1  }
0x249: {  	v1 =	vld [tilespmem:s20+$0x210];
	[tilespmem:s0+$0x8260] =	vst v3  }
0x24a: {  	v3 =	vld [tilespmem:s20+$0x4210];
	[tilespmem:s0+$0x8230] =	vst v4  }
0x24b: {  	v4 =	vld [tilespmem:s20+$0x220];
	[tilespmem:s20+$0x8270] =	vst v5  }
0x24c: {  	v62 =	vld [tilespmem:s20+$0x4220];
	[tilespmem:s20+$0x8200] =	vst v2  }
0x24d: {  	v63 =	vld [tilespmem:s20+$0x230];
	[tilespmem:s20+$0x8240] =	vst v0  }
0x24e: {  	[tilespmem:s20+$0x8210] =	vst v1  }
0x24f: {  	[tilespmem:s20+$0x8250] =	vst v3  }
0x250: {  	s19 =	sadd.s32 $0x1, s19;
	[tilespmem:s20+$0x8220] =	vst v4  }
0x251: {  	p0 =	sne.s32 s19, s13;
	[tilespmem:s20+$0x8260] =	vst v62  }
.Ltmp12:
0x252: {  	[tilespmem:s20+$0x8230] =	vst v63;
	(pc) =	sbr.rel @p0 .LBB2_1-.Ltmp12, $4  }
0x253: {  	[hbm4b:s12+s1] =	stream.linear.scatter [tilespmem:s18], [sflag:$0x3], $0x4000, $0x38;
	[tilespmem:$0xC200] =	vst v63  }
0x254: {  	_ =	swait.ge [sflag:s14], $0x4000  }
0x255: {  	[sflag:s14] =	ssyncset.done $0x0  }
0x256: {  	[sflag:s14] =	ssyncadd.s32 $0xFFFFC000  }
0x257: {  	_ =	sfence.sel $0x180000  }
0x258: {  	[bflag:$0x0] =	sbarrier.arrive $0xFFFF  }
0x259: {  	_ =	strace $0x90000047  }
0x25a: {  	s0 =	stileid.u32;
	[bflag:$0x2] =	sbarrier.arrive $0xFFFF  }
0x25b: {  	p0 =	sne.s32 s0, $0x0;
	s0 =	rddreg [dreg:$0x3]  }
0x25c: {  	s0 =	sadd.s32 @!p0 $0x100000, s0  }
0x25d: {  	[sflag:s0] =	ssyncadd.tile.s32 @!p0 $0x1;
	_ =	shalt  }
.Lfunc_end2:
_tile_overlayer_lowered:
.L_overlay_start_2:
0x25e: {  	(tag) =	ssettag $0x2  }
0x25f: {  	s0 =	rddreg [dreg:$0x0];
	s2 =	stileid.u32  }
0x260: {  	s1 =	rddreg [dreg:$0x1];
	p0 =	sne.s32 s2, $0x0  }
0x261: {  	s3 =	rddreg [dreg:$0x2];
	[bflag:$0x3] =	sbarrier.arrive $0xFFFF;
	s2 =	simm.s32 @!p0 $0x1C03  }
0x262: {  	[timem:s3], [sflag:s2] =	dma.local @!p0 [hbm:s0], s1  }
0x263: {  	s0 =	simm.s32 @!p0 $0x3  }
0x264: {  	_ =	swait.ge @!p0 [sflag:s0], s1  }
0x265: {  	s1 =	ssub.s32 @!p0 $0x0, s1;
	[sflag:s0] =	ssyncset.done @!p0 $0x0  }
0x266: {  	[sflag:s0] =	ssyncadd.s32 @!p0 s1  }
0x267: {  	[bflag:$0x3] =	sbarrier.arrive $0xFFFF  }
0x268: {  	_ =	shalt  }

</sc_bundles>
